<compile_context>
chip_gen: v7x
topology: tpu7x:2x2x1
jax: 0.10.2.dev20260603
libtpu: 0.0.44.dev20260713+nightly
codegen_flags: <defaults>
</compile_context>

<pallas_src>
import jax
import jax.numpy as jnp
from jax import lax
from jax.experimental import pallas as pl
from jax.experimental.pallas import tpu as pltpu
from jax.experimental.pallas import tpu_sc as plsc

N_NODES = 10000
N_HE = 10000
N_EDGES = 160000
D = 256

SEG_PAD = 10240
ROWS_PER_SUB = 640

NSUB = 16
CHUNK = 50
NCHUNK = 100
NCHUNK_CNT = 200

RBLK = 2000

_MESH = plsc.VectorSubcoreMesh(core_axis_name="c", subcore_axis_name="s")
_SC_PARAMS = pltpu.CompilerParams(use_tc_tiling_on_sc=False)



def _sc_stage(src_b, gtab, stab, zeros_rows):

    def body(src_hbm, gtab_hbm, stab_hbm, zero_hbm, out_hbm,
             acc, gt_v, st_v, r0, r1, r2, r3, s0, s1, s2, s3):
        c = lax.axis_index("c")
        s = lax.axis_index("s")
        pltpu.sync_copy(gtab_hbm.at[c, s], gt_v)
        pltpu.sync_copy(stab_hbm.at[c, s], st_v)
        rows = (r0, r1, r2, r3)
        sems = (s0, s1, s2, s3)
        for k in range(4):
            pltpu.async_copy(src_hbm.at[gt_v.at[k]], rows[k], sems[k])
        pltpu.sync_copy(zero_hbm, acc.at[pl.ds(s * ROWS_PER_SUB, ROWS_PER_SUB)])
        plsc.subcore_barrier()

        last = NCHUNK // 4 - 1

        def step(t, carry):
            base = 4 * t
            for k in range(4):
                j = base + k
                pltpu.make_async_copy(src_hbm.at[gt_v.at[j]],
                                      rows[k], sems[k]).wait()
                pltpu.sync_copy(rows[k], acc.at[st_v.at[j]], add=True)

                @pl.when(t < last)
                def _():
                    pltpu.async_copy(src_hbm.at[gt_v.at[j + 4]],
                                     rows[k], sems[k])

            return carry

        lax.fori_loop(0, NCHUNK // 4, step, 0)
        plsc.subcore_barrier()
        pltpu.sync_copy(acc.at[pl.ds(s * ROWS_PER_SUB, ROWS_PER_SUB)],
                        out_hbm.at[c, pl.ds(s * ROWS_PER_SUB, ROWS_PER_SUB)])

    return pl.kernel(
        body,
        out_type=jax.ShapeDtypeStruct((2, SEG_PAD, D), jnp.bfloat16),
        mesh=_MESH,
        compiler_params=_SC_PARAMS,
        scratch_types=[
            pltpu.VMEM_SHARED((SEG_PAD, D), jnp.bfloat16),
            pltpu.VMEM((NCHUNK, CHUNK), jnp.int32),
            pltpu.VMEM((NCHUNK, CHUNK), jnp.int32),
            pltpu.VMEM((CHUNK, D), jnp.bfloat16),
            pltpu.VMEM((CHUNK, D), jnp.bfloat16),
            pltpu.VMEM((CHUNK, D), jnp.bfloat16),
            pltpu.VMEM((CHUNK, D), jnp.bfloat16),
            pltpu.SemaphoreType.DMA,
            pltpu.SemaphoreType.DMA,
            pltpu.SemaphoreType.DMA,
            pltpu.SemaphoreType.DMA,
        ],
    )(src_b, gtab, stab, zeros_rows)


def _sc_counts(ctab, ones_rows, zeros_rows):

    def body(ctab_hbm, ones_hbm, zero_hbm, out_hbm, acc, ct_v, ones_v):
        c = lax.axis_index("c")
        s = lax.axis_index("s")
        pltpu.sync_copy(zero_hbm, acc.at[pl.ds(s * ROWS_PER_SUB, ROWS_PER_SUB)])
        pltpu.sync_copy(ctab_hbm.at[c, s], ct_v)
        pltpu.sync_copy(ones_hbm, ones_v)
        plsc.subcore_barrier()

        def step(j, carry):
            pltpu.sync_copy(ones_v, acc.at[ct_v.at[j]], add=True)
            return carry

        lax.fori_loop(0, NCHUNK_CNT, step, 0)
        plsc.subcore_barrier()
        pltpu.sync_copy(acc.at[pl.ds(s * ROWS_PER_SUB, ROWS_PER_SUB)],
                        out_hbm.at[c, pl.ds(s * ROWS_PER_SUB, ROWS_PER_SUB)])

    return pl.kernel(
        body,
        out_type=jax.ShapeDtypeStruct((2, SEG_PAD, 16), jnp.float32),
        mesh=_MESH,
        compiler_params=_SC_PARAMS,
        scratch_types=[
            pltpu.VMEM_SHARED((SEG_PAD, 16), jnp.float32),
            pltpu.VMEM((NCHUNK_CNT, CHUNK), jnp.int32),
            pltpu.VMEM((CHUNK, 16), jnp.float32),
        ],
    )(ctab, ones_rows, zeros_rows)



def _mm2d(x, W, b):

    def kern(x_ref, w_ref, b_ref, o_ref, ob_ref):
        acc = (jnp.dot(x_ref[...], w_ref[...],
                       preferred_element_type=jnp.float32) + b_ref[0])
        o_ref[...] = acc
        ob_ref[...] = acc.astype(jnp.bfloat16)

    ospec = pl.BlockSpec((RBLK, D), lambda r: (r, 0))
    return pl.pallas_call(
        kern,
        grid=(N_NODES // RBLK,),
        in_specs=[ospec,
                  pl.BlockSpec((D, D), lambda r: (0, 0)),
                  pl.BlockSpec((1, D), lambda r: (0, 0))],
        out_specs=[ospec, ospec],
        out_shape=[jax.ShapeDtypeStruct((N_NODES, D), jnp.float32),
                   jax.ShapeDtypeStruct((N_NODES, D), jnp.bfloat16)],
    )(x, W, b)


def _mm3d(parts, cnt, hw, W, b):

    def kern(p_ref, cnt_ref, hw_ref, w_ref, b_ref, o_ref):
        rcp = 1.0 / (cnt_ref[0, :, 0:1] + 1e-8)
        hs = (p_ref[0].astype(jnp.float32)
              + p_ref[1].astype(jnp.float32)) * rcp
        acc = (jnp.dot(hs, w_ref[...], preferred_element_type=jnp.float32)
               + b_ref[0])
        o_ref[...] = (acc * hw_ref[...]).astype(jnp.bfloat16)

    return pl.pallas_call(
        kern,
        grid=(N_NODES // RBLK,),
        in_specs=[pl.BlockSpec((2, RBLK, D), lambda r: (0, r, 0)),
                  pl.BlockSpec((1, RBLK, 16), lambda r: (0, r, 0)),
                  pl.BlockSpec((RBLK, 1), lambda r: (r, 0)),
                  pl.BlockSpec((D, D), lambda r: (0, 0)),
                  pl.BlockSpec((1, D), lambda r: (0, 0))],
        out_specs=pl.BlockSpec((RBLK, D), lambda r: (r, 0)),
        out_shape=jax.ShapeDtypeStruct((N_HE, D), jnp.bfloat16),
    )(parts, cnt, hw, W, b)


def _segment_mean_norm(p_ref, cnt_ref, xt_ref, g_ref, b_ref):
    rcp = 1.0 / jnp.maximum(cnt_ref[0, :, 0:1], 1.0)
    t = (p_ref[0].astype(jnp.float32)
         + p_ref[1].astype(jnp.float32)) * rcp + xt_ref[...]
    m = jnp.mean(t, axis=-1, keepdims=True)
    d = t - m
    var = jnp.mean(d * d, axis=-1, keepdims=True)
    y = d * lax.rsqrt(var + 1e-5) * g_ref[0] + b_ref[0]
    return jnp.where(y >= 0, y, 0.2 * y)


def _norm_mm(parts, cnt, xt, g, b, W, bn):

    def kern(p_ref, cnt_ref, xt_ref, g_ref, b_ref, w_ref, bn_ref,
             h_ref, o_ref, ob_ref):
        y = _segment_mean_norm(p_ref, cnt_ref, xt_ref, g_ref, b_ref)
        h_ref[...] = y
        acc = (jnp.dot(y, w_ref[...], preferred_element_type=jnp.float32)
               + bn_ref[0])
        o_ref[...] = acc
        ob_ref[...] = acc.astype(jnp.bfloat16)

    ospec = pl.BlockSpec((RBLK, D), lambda r: (r, 0))
    return pl.pallas_call(
        kern,
        grid=(N_NODES // RBLK,),
        in_specs=[pl.BlockSpec((2, RBLK, D), lambda r: (0, r, 0)),
                  pl.BlockSpec((1, RBLK, 16), lambda r: (1, r, 0)),
                  ospec,
                  pl.BlockSpec((1, D), lambda r: (0, 0)),
                  pl.BlockSpec((1, D), lambda r: (0, 0)),
                  pl.BlockSpec((D, D), lambda r: (0, 0)),
                  pl.BlockSpec((1, D), lambda r: (0, 0))],
        out_specs=[ospec, ospec, ospec],
        out_shape=[jax.ShapeDtypeStruct((N_NODES, D), jnp.float32),
                   jax.ShapeDtypeStruct((N_NODES, D), jnp.float32),
                   jax.ShapeDtypeStruct((N_NODES, D), jnp.bfloat16)],
    )(parts, cnt, xt, g, b, W, bn)


def _norm_final(parts, cnt, xt, g, b, resid):

    def kern(p_ref, cnt_ref, xt_ref, g_ref, b_ref, res_ref, o_ref):
        y = _segment_mean_norm(p_ref, cnt_ref, xt_ref, g_ref, b_ref)
        o_ref[...] = y + res_ref[...]

    ospec = pl.BlockSpec((RBLK, D), lambda r: (r, 0))
    return pl.pallas_call(
        kern,
        grid=(N_NODES // RBLK,),
        in_specs=[pl.BlockSpec((2, RBLK, D), lambda r: (0, r, 0)),
                  pl.BlockSpec((1, RBLK, 16), lambda r: (1, r, 0)),
                  ospec,
                  pl.BlockSpec((1, D), lambda r: (0, 0)),
                  pl.BlockSpec((1, D), lambda r: (0, 0)),
                  ospec],
        out_specs=ospec,
        out_shape=jax.ShapeDtypeStruct((N_NODES, D), jnp.float32),
    )(parts, cnt, xt, g, b, resid)



def kernel(x, hyperedge_index, hyperedge_weight,
           Wn1, bn1, Wh1, bh1, g1, be1,
           Wn2, bn2, Wh2, bh2, g2, be2):
    node_idx = hyperedge_index[0]
    he_idx = hyperedge_index[1]

    stage_shape = (2, NSUB, NCHUNK, CHUNK)
    gtabA = node_idx.reshape(stage_shape)
    stabA = he_idx.reshape(stage_shape)
    gtabB = he_idx.reshape(stage_shape)
    stabB = node_idx.reshape(stage_shape)
    ctab = jnp.stack([he_idx, node_idx]).reshape(2, NSUB, NCHUNK_CNT, CHUNK)

    zerosD = jnp.zeros((ROWS_PER_SUB, D), jnp.bfloat16)
    zeros16 = jnp.zeros((ROWS_PER_SUB, 16), jnp.float32)
    ones16 = jnp.ones((CHUNK, 16), jnp.float32)

    cnts = _sc_counts(ctab, ones16, zeros16)
    hw = hyperedge_weight.reshape(N_HE, 1)

    xt1, xt1_b = _mm2d(x, Wn1, bn1.reshape(1, D))
    he_p1 = _sc_stage(xt1_b, gtabA, stabA, zerosD)
    hew1 = _mm3d(he_p1, cnts, hw, Wh1, bh1.reshape(1, D))
    n_p1 = _sc_stage(hew1, gtabB, stabB, zerosD)
    h1, xt2, xt2_b = _norm_mm(n_p1, cnts, xt1, g1.reshape(1, D),
                              be1.reshape(1, D), Wn2, bn2.reshape(1, D))

    he_p2 = _sc_stage(xt2_b, gtabA, stabA, zerosD)
    hew2 = _mm3d(he_p2, cnts, hw, Wh2, bh2.reshape(1, D))
    n_p2 = _sc_stage(hew2, gtabB, stabB, zerosD)
    return _norm_final(n_p2, cnts, xt2, g2.reshape(1, D), be2.reshape(1, D),
                       h1)

# --- scband reference (transcript-rebuilt; emitter-appended) ---
"""Pipeline reference for scband-multi-layer-hgnn-65652870087166 (READ-ONLY COPY).

The authoritative reference and input builder live on the scoring server;
editing this copy changes nothing except your own understanding.
"""

import jax, jax.numpy as jnp
import numpy as np

N_NODES = 10000
N_EDGES = 160000
D = 256
N_HE = 10000


def _init_linear(key, d_in, d_out):
    k1, k2 = jax.random.split(key)
    bound = 1.0 / np.sqrt(d_in)
    W = jax.random.uniform(k1, (d_in, d_out), jnp.float32, -bound, bound)
    b = jax.random.uniform(k2, (d_out,), jnp.float32, -bound, bound)
    return W, b


def setup_inputs(seed: int = 0) -> dict:
    key = jax.random.key(seed)
    ks = jax.random.split(key, 12)
    x = jax.random.normal(ks[0], (N_NODES, D), dtype=jnp.float32)
    node_idx = jax.random.randint(ks[1], (N_EDGES,), 0, N_NODES)
    he_idx = jax.random.randint(ks[2], (N_EDGES,), 0, N_HE)
    hyperedge_index = jnp.stack([node_idx, he_idx]).astype(jnp.int32)
    hyperedge_weight = jax.random.uniform(ks[3], (N_HE,), jnp.float32)
    Wn1, bn1 = _init_linear(ks[4], D, D)
    Wh1, bh1 = _init_linear(ks[5], D, D)
    g1 = jnp.ones((D,), jnp.float32)
    be1 = jnp.zeros((D,), jnp.float32)
    Wn2, bn2 = _init_linear(ks[6], D, D)
    Wh2, bh2 = _init_linear(ks[7], D, D)
    g2 = jnp.ones((D,), jnp.float32)
    be2 = jnp.zeros((D,), jnp.float32)
    return {"x": x, "hyperedge_index": hyperedge_index, "hyperedge_weight": hyperedge_weight,
            "Wn1": Wn1, "bn1": bn1, "Wh1": Wh1, "bh1": bh1, "g1": g1, "be1": be1,
            "Wn2": Wn2, "bn2": bn2, "Wh2": Wh2, "bh2": bh2, "g2": g2, "be2": be2}


def _hgconv(x, node_idx, he_idx, hw, Wn, bn, Wh, bh, g, b):
    # node transform
    xt = x @ Wn + bn
    # nodes -> hyperedges (mean via sum/count)
    gathered = jnp.take(xt, node_idx, axis=0)
    he_sum = jax.ops.segment_sum(gathered, he_idx, num_segments=N_HE)
    he_cnt = jax.ops.segment_sum(jnp.ones((node_idx.shape[0],), jnp.float32), he_idx, num_segments=N_HE)[:, None]
    he = he_sum / (he_cnt + 1e-08)
    # hyperedge transform + weighting
    he = he @ Wh + bh
    he = he * hw[:, None]
    # hyperedges -> nodes (scatter_mean)
    nf = jnp.take(he, he_idx, axis=0)
    n_sum = jax.ops.segment_sum(nf, node_idx, num_segments=N_NODES)
    n_cnt = jax.ops.segment_sum(jnp.ones((node_idx.shape[0],), jnp.float32), node_idx, num_segments=N_NODES)[:, None]
    out = n_sum / jnp.maximum(n_cnt, 1.0)
    # residual + layer norm
    out = out + xt
    mean = jnp.mean(out, axis=-1, keepdims=True)
    var = jnp.var(out, axis=-1, keepdims=True)
    out = (out - mean) / jnp.sqrt(var + 1e-05) * g + b
    # LeakyReLU(0.2); dropout is identity in eval mode
    out = jnp.where(out >= 0, out, 0.2 * out)
    return out


def reference(x, hyperedge_index, hyperedge_weight,
              Wn1, bn1, Wh1, bh1, g1, be1,
              Wn2, bn2, Wh2, bh2, g2, be2):
    node_idx = hyperedge_index[0]
    he_idx = hyperedge_index[1]
    # layer 0 (i == 0: no extra residual add)
    h = _hgconv(x, node_idx, he_idx, hyperedge_weight, Wn1, bn1, Wh1, bh1, g1, be1)
    # layer 1 (i > 0: residual add)
    residual = h
    h = _hgconv(h, node_idx, he_idx, hyperedge_weight, Wn2, bn2, Wh2, bh2, g2, be2)
    h = h + residual
    return h

if __name__ == "__main__":
    import jax
    _d = setup_inputs()
    print(jax.jit(kernel)(*tuple(_d.values())))

</pallas_src>

<mosaic_0001>
#map = affine_map<(d0, d1) -> (0, 0, 0, 0)>
#map1 = affine_map<(d0, d1) -> (0, 0)>
#map2 = affine_map<(d0, d1) -> (0, 0, 0)>
module attributes {stable_mosaic.version = 14 : i64} {
  func.func @body(%arg0: i32, %arg1: i32, %arg2: memref<2x16x200x50xi32, #tpu.memory_space<hbm>>, %arg3: memref<50x16xf32, #tpu.memory_space<hbm>>, %arg4: memref<640x16xf32, #tpu.memory_space<hbm>>, %arg5: memref<2x10240x16xf32, #tpu.memory_space<hbm>>, %arg6: memref<10240x16xf32, #tpu.memory_space<vmem_shared>>, %arg7: memref<200x50xi32, #tpu.memory_space<vmem>>, %arg8: memref<50x16xf32, #tpu.memory_space<vmem>>) attributes {dimension_semantics = [#tpu.dimension_semantics<core_parallel>, #tpu.dimension_semantics<subcore_parallel>], iteration_bounds = array<i64: 2, 16>, scalar_prefetch = 0 : i64, scratch_operands = 3 : i64, tpu.core_type = #tpu.core_type<sc_vector_subcore>, window_params = [{transform_indices = #map}, {transform_indices = #map1}, {transform_indices = #map1}, {transform_indices = #map2}]} {
    %mul3A = arith.constant 640 : i32
    %mul3A_0 = arith.muli %arg1, %mul3A : i32
    "tpu.region"() ({
      %run_scoped3A = tpu.sem_alloc : memref<!tpu.dma_semaphore, #tpu.memory_space<semaphore_mem>>
      %dma_start3A = arith.constant 0 : i32
      %dma_start3A_11 = tpu.memref_slice %arg6[%mul3A_0, %dma_start3A] : memref<10240x16xf32, #tpu.memory_space<vmem_shared>> -> memref<640x16xf32, #tpu.memory_space<vmem_shared>>
      tpu.enqueue_dma source(%arg4 : memref<640x16xf32, #tpu.memory_space<hbm>>) target(%dma_start3A_11 : memref<640x16xf32, #tpu.memory_space<vmem_shared>>) target_semaphore(%run_scoped3A : memref<!tpu.dma_semaphore, #tpu.memory_space<semaphore_mem>>)
      %dma_wait3A = arith.constant 0 : i32
      %dma_wait3A_12 = tpu.memref_slice %arg6[%mul3A_0, %dma_wait3A] : memref<10240x16xf32, #tpu.memory_space<vmem_shared>> -> memref<640x16xf32, #tpu.memory_space<vmem_shared>>
      tpu.wait_dma2 semaphore(%run_scoped3A : memref<!tpu.dma_semaphore, #tpu.memory_space<semaphore_mem>>) src(%arg4 : memref<640x16xf32, #tpu.memory_space<hbm>>) dst(%dma_wait3A_12 : memref<640x16xf32, #tpu.memory_space<vmem_shared>>)
      tpu.yield
    }) : () -> ()
    "tpu.region"() ({
      %run_scoped3A = tpu.sem_alloc : memref<!tpu.dma_semaphore, #tpu.memory_space<semaphore_mem>>
      %dma_start3A = arith.constant 0 : i32
      %dma_start3A_11 = arith.constant 0 : i32
      %dma_start3A_12 = tpu.memref_slice %arg2[%arg0, %arg1, %dma_start3A, %dma_start3A_11] : memref<2x16x200x50xi32, #tpu.memory_space<hbm>> -> memref<1x1x200x50xi32, #tpu.memory_space<hbm>>
      %dma_start3A_13 = tpu.memref_squeeze %dma_start3A_12 : memref<1x1x200x50xi32, #tpu.memory_space<hbm>> -> memref<200x50xi32, #tpu.memory_space<hbm>>
      %dma_start3A_14 = arith.constant 0 : i32
      %dma_start3A_15 = arith.constant 0 : i32
      %dma_start3A_16 = tpu.memref_slice %arg2[%arg0, %arg1, %dma_start3A_14, %dma_start3A_15] : memref<2x16x200x50xi32, #tpu.memory_space<hbm>> -> memref<1x1x200x50xi32, #tpu.memory_space<hbm>>
      %dma_start3A_17 = tpu.memref_squeeze %dma_start3A_16 : memref<1x1x200x50xi32, #tpu.memory_space<hbm>> -> memref<200x50xi32, #tpu.memory_space<hbm>>
      tpu.enqueue_dma source(%dma_start3A_17 : memref<200x50xi32, #tpu.memory_space<hbm>>) target(%arg7 : memref<200x50xi32, #tpu.memory_space<vmem>>) target_semaphore(%run_scoped3A : memref<!tpu.dma_semaphore, #tpu.memory_space<semaphore_mem>>)
      %dma_wait3A = arith.constant 0 : i32
      %dma_wait3A_18 = arith.constant 0 : i32
      %dma_wait3A_19 = tpu.memref_slice %arg2[%arg0, %arg1, %dma_wait3A, %dma_wait3A_18] : memref<2x16x200x50xi32, #tpu.memory_space<hbm>> -> memref<1x1x200x50xi32, #tpu.memory_space<hbm>>
      %dma_wait3A_20 = tpu.memref_squeeze %dma_wait3A_19 : memref<1x1x200x50xi32, #tpu.memory_space<hbm>> -> memref<200x50xi32, #tpu.memory_space<hbm>>
      %dma_wait3A_21 = arith.constant 0 : i32
      %dma_wait3A_22 = arith.constant 0 : i32
      %dma_wait3A_23 = tpu.memref_slice %arg2[%arg0, %arg1, %dma_wait3A_21, %dma_wait3A_22] : memref<2x16x200x50xi32, #tpu.memory_space<hbm>> -> memref<1x1x200x50xi32, #tpu.memory_space<hbm>>
      %dma_wait3A_24 = tpu.memref_squeeze %dma_wait3A_23 : memref<1x1x200x50xi32, #tpu.memory_space<hbm>> -> memref<200x50xi32, #tpu.memory_space<hbm>>
      tpu.wait_dma2 semaphore(%run_scoped3A : memref<!tpu.dma_semaphore, #tpu.memory_space<semaphore_mem>>) src(%dma_wait3A_24 : memref<200x50xi32, #tpu.memory_space<hbm>>) dst(%arg7 : memref<200x50xi32, #tpu.memory_space<vmem>>)
      tpu.yield
    }) : () -> ()
    "tpu.region"() ({
      %run_scoped3A = tpu.sem_alloc : memref<!tpu.dma_semaphore, #tpu.memory_space<semaphore_mem>>
      tpu.enqueue_dma source(%arg3 : memref<50x16xf32, #tpu.memory_space<hbm>>) target(%arg8 : memref<50x16xf32, #tpu.memory_space<vmem>>) target_semaphore(%run_scoped3A : memref<!tpu.dma_semaphore, #tpu.memory_space<semaphore_mem>>)
      tpu.wait_dma2 semaphore(%run_scoped3A : memref<!tpu.dma_semaphore, #tpu.memory_space<semaphore_mem>>) src(%arg3 : memref<50x16xf32, #tpu.memory_space<hbm>>) dst(%arg8 : memref<50x16xf32, #tpu.memory_space<vmem>>)
      tpu.yield
    }) : () -> ()
    %barrier3A = arith.constant 0 : index
    tpu.barrier barrier_id(%barrier3A)
    %scan3A = arith.constant 0 : i32
    %scan3A_1 = arith.constant 0 : i32
    %scan3A_2 = arith.constant 200 : i32
    %scan3A_3 = arith.addi %scan3A_1, %scan3A_2 : i32
    %scan3A_4 = arith.constant 1 : i32
    scf.for %scan3A_11 = %scan3A_1 to %scan3A_3 step %scan3A_4  : i32 {
      "tpu.region"() ({
        %run_scoped3A = tpu.sem_alloc : memref<!tpu.dma_semaphore, #tpu.memory_space<semaphore_mem>>
        %dma_start3A = arith.constant 0 : i32
        %dma_start3A_12 = tpu.memref_slice %arg7[%scan3A_11, %dma_start3A] : memref<200x50xi32, #tpu.memory_space<vmem>> -> memref<1x50xi32, #tpu.memory_space<vmem>>
        %dma_start3A_13 = tpu.memref_squeeze %dma_start3A_12 : memref<1x50xi32, #tpu.memory_space<vmem>> -> memref<50xi32, #tpu.memory_space<vmem>>
        %dma_start3A_14 = arith.constant 0 : i32
        %dma_start3A_15 = arith.constant 0 : i32
        %dma_start3A_16 = tpu.memref_slice %arg6[%dma_start3A_14, %dma_start3A_15] : memref<10240x16xf32, #tpu.memory_space<vmem_shared>> -> memref<10240x16xf32, #tpu.memory_space<vmem_shared>>
        tpu.enqueue_indirect_dma source(%arg8 : memref<50x16xf32, #tpu.memory_space<vmem>>) target(%dma_start3A_16 : memref<10240x16xf32, #tpu.memory_space<vmem_shared>>) offsets(%dma_start3A_13 : memref<50xi32, #tpu.memory_space<vmem>>) semaphore(%run_scoped3A : memref<!tpu.dma_semaphore, #tpu.memory_space<semaphore_mem>>) {add = true}
        %dma_wait3A = arith.constant 0 : i32
        %dma_wait3A_17 = tpu.memref_slice %arg7[%scan3A_11, %dma_wait3A] : memref<200x50xi32, #tpu.memory_space<vmem>> -> memref<1x50xi32, #tpu.memory_space<vmem>>
        %dma_wait3A_18 = tpu.memref_squeeze %dma_wait3A_17 : memref<1x50xi32, #tpu.memory_space<vmem>> -> memref<50xi32, #tpu.memory_space<vmem>>
        %dma_wait3A_19 = arith.constant 0 : i32
        %dma_wait3A_20 = arith.constant 0 : i32
        %dma_wait3A_21 = tpu.memref_slice %arg6[%dma_wait3A_19, %dma_wait3A_20] : memref<10240x16xf32, #tpu.memory_space<vmem_shared>> -> memref<10240x16xf32, #tpu.memory_space<vmem_shared>>
        tpu.wait_indirect_dma semaphore(%run_scoped3A : memref<!tpu.dma_semaphore, #tpu.memory_space<semaphore_mem>>) src(%arg8 : memref<50x16xf32, #tpu.memory_space<vmem>>) dst(%dma_wait3A_21 : memref<10240x16xf32, #tpu.memory_space<vmem_shared>>)
        tpu.yield
      }) : () -> ()
    }
    %scan3A_5 = arith.constant 200 : i32
    %barrier3A_6 = arith.constant 0 : index
    tpu.barrier barrier_id(%barrier3A_6)
    %mul3A_7 = arith.constant 640 : i32
    %mul3A_8 = arith.muli %arg1, %mul3A_7 : i32
    %mul3A_9 = arith.constant 640 : i32
    %mul3A_10 = arith.muli %arg1, %mul3A_9 : i32
    "tpu.region"() ({
      %run_scoped3A = tpu.sem_alloc : memref<!tpu.dma_semaphore, #tpu.memory_space<semaphore_mem>>
      %dma_start3A = arith.constant 0 : i32
      %dma_start3A_11 = tpu.memref_slice %arg5[%arg0, %mul3A_10, %dma_start3A] : memref<2x10240x16xf32, #tpu.memory_space<hbm>> -> memref<1x640x16xf32, #tpu.memory_space<hbm>>
      %dma_start3A_12 = tpu.memref_squeeze %dma_start3A_11 : memref<1x640x16xf32, #tpu.memory_space<hbm>> -> memref<640x16xf32, #tpu.memory_space<hbm>>
      %dma_start3A_13 = arith.constant 0 : i32
      %dma_start3A_14 = tpu.memref_slice %arg6[%mul3A_8, %dma_start3A_13] : memref<10240x16xf32, #tpu.memory_space<vmem_shared>> -> memref<640x16xf32, #tpu.memory_space<vmem_shared>>
      tpu.enqueue_dma source(%dma_start3A_14 : memref<640x16xf32, #tpu.memory_space<vmem_shared>>) target(%dma_start3A_12 : memref<640x16xf32, #tpu.memory_space<hbm>>) target_semaphore(%run_scoped3A : memref<!tpu.dma_semaphore, #tpu.memory_space<semaphore_mem>>)
      %dma_wait3A = arith.constant 0 : i32
      %dma_wait3A_15 = tpu.memref_slice %arg5[%arg0, %mul3A_10, %dma_wait3A] : memref<2x10240x16xf32, #tpu.memory_space<hbm>> -> memref<1x640x16xf32, #tpu.memory_space<hbm>>
      %dma_wait3A_16 = tpu.memref_squeeze %dma_wait3A_15 : memref<1x640x16xf32, #tpu.memory_space<hbm>> -> memref<640x16xf32, #tpu.memory_space<hbm>>
      %dma_wait3A_17 = arith.constant 0 : i32
      %dma_wait3A_18 = tpu.memref_slice %arg6[%mul3A_8, %dma_wait3A_17] : memref<10240x16xf32, #tpu.memory_space<vmem_shared>> -> memref<640x16xf32, #tpu.memory_space<vmem_shared>>
      tpu.wait_dma2 semaphore(%run_scoped3A : memref<!tpu.dma_semaphore, #tpu.memory_space<semaphore_mem>>) src(%dma_wait3A_18 : memref<640x16xf32, #tpu.memory_space<vmem_shared>>) dst(%dma_wait3A_16 : memref<640x16xf32, #tpu.memory_space<hbm>>)
      tpu.yield
    }) : () -> ()
    return
  }
}

#map = affine_map<(d0, d1) -> (0, 0)>
#map1 = affine_map<(d0, d1) -> (0, 0, 0, 0)>
#map2 = affine_map<(d0, d1) -> (0, 0, 0)>
module attributes {stable_mosaic.version = 14 : i64} {
  func.func @body(%arg0: i32, %arg1: i32, %arg2: memref<10000x256xbf16, #tpu.memory_space<hbm>>, %arg3: memref<2x16x100x50xi32, #tpu.memory_space<hbm>>, %arg4: memref<2x16x100x50xi32, #tpu.memory_space<hbm>>, %arg5: memref<640x256xbf16, #tpu.memory_space<hbm>>, %arg6: memref<2x10240x256xbf16, #tpu.memory_space<hbm>>, %arg7: memref<10240x256xbf16, #tpu.memory_space<vmem_shared>>, %arg8: memref<100x50xi32, #tpu.memory_space<vmem>>, %arg9: memref<100x50xi32, #tpu.memory_space<vmem>>, %arg10: memref<50x256xbf16, #tpu.memory_space<vmem>>, %arg11: memref<50x256xbf16, #tpu.memory_space<vmem>>, %arg12: memref<50x256xbf16, #tpu.memory_space<vmem>>, %arg13: memref<50x256xbf16, #tpu.memory_space<vmem>>, %arg14: memref<!tpu.dma_semaphore, #tpu.memory_space<semaphore_mem>>, %arg15: memref<!tpu.dma_semaphore, #tpu.memory_space<semaphore_mem>>, %arg16: memref<!tpu.dma_semaphore, #tpu.memory_space<semaphore_mem>>, %arg17: memref<!tpu.dma_semaphore, #tpu.memory_space<semaphore_mem>>) attributes {dimension_semantics = [#tpu.dimension_semantics<core_parallel>, #tpu.dimension_semantics<subcore_parallel>], iteration_bounds = array<i64: 2, 16>, scalar_prefetch = 0 : i64, scratch_operands = 11 : i64, tpu.core_type = #tpu.core_type<sc_vector_subcore>, window_params = [{transform_indices = #map}, {transform_indices = #map1}, {transform_indices = #map1}, {transform_indices = #map}, {transform_indices = #map2}]} {
    "tpu.region"() ({
      %run_scoped3A = tpu.sem_alloc : memref<!tpu.dma_semaphore, #tpu.memory_space<semaphore_mem>>
      %dma_start3A_38 = arith.constant 0 : i32
      %dma_start3A_39 = arith.constant 0 : i32
      %dma_start3A_40 = tpu.memref_slice %arg3[%arg0, %arg1, %dma_start3A_38, %dma_start3A_39] : memref<2x16x100x50xi32, #tpu.memory_space<hbm>> -> memref<1x1x100x50xi32, #tpu.memory_space<hbm>>
      %dma_start3A_41 = tpu.memref_squeeze %dma_start3A_40 : memref<1x1x100x50xi32, #tpu.memory_space<hbm>> -> memref<100x50xi32, #tpu.memory_space<hbm>>
      %dma_start3A_42 = arith.constant 0 : i32
      %dma_start3A_43 = arith.constant 0 : i32
      %dma_start3A_44 = tpu.memref_slice %arg3[%arg0, %arg1, %dma_start3A_42, %dma_start3A_43] : memref<2x16x100x50xi32, #tpu.memory_space<hbm>> -> memref<1x1x100x50xi32, #tpu.memory_space<hbm>>
      %dma_start3A_45 = tpu.memref_squeeze %dma_start3A_44 : memref<1x1x100x50xi32, #tpu.memory_space<hbm>> -> memref<100x50xi32, #tpu.memory_space<hbm>>
      tpu.enqueue_dma source(%dma_start3A_45 : memref<100x50xi32, #tpu.memory_space<hbm>>) target(%arg8 : memref<100x50xi32, #tpu.memory_space<vmem>>) target_semaphore(%run_scoped3A : memref<!tpu.dma_semaphore, #tpu.memory_space<semaphore_mem>>)
      %dma_wait3A = arith.constant 0 : i32
      %dma_wait3A_46 = arith.constant 0 : i32
      %dma_wait3A_47 = tpu.memref_slice %arg3[%arg0, %arg1, %dma_wait3A, %dma_wait3A_46] : memref<2x16x100x50xi32, #tpu.memory_space<hbm>> -> memref<1x1x100x50xi32, #tpu.memory_space<hbm>>
      %dma_wait3A_48 = tpu.memref_squeeze %dma_wait3A_47 : memref<1x1x100x50xi32, #tpu.memory_space<hbm>> -> memref<100x50xi32, #tpu.memory_space<hbm>>
      %dma_wait3A_49 = arith.constant 0 : i32
      %dma_wait3A_50 = arith.constant 0 : i32
      %dma_wait3A_51 = tpu.memref_slice %arg3[%arg0, %arg1, %dma_wait3A_49, %dma_wait3A_50] : memref<2x16x100x50xi32, #tpu.memory_space<hbm>> -> memref<1x1x100x50xi32, #tpu.memory_space<hbm>>
      %dma_wait3A_52 = tpu.memref_squeeze %dma_wait3A_51 : memref<1x1x100x50xi32, #tpu.memory_space<hbm>> -> memref<100x50xi32, #tpu.memory_space<hbm>>
      tpu.wait_dma2 semaphore(%run_scoped3A : memref<!tpu.dma_semaphore, #tpu.memory_space<semaphore_mem>>) src(%dma_wait3A_52 : memref<100x50xi32, #tpu.memory_space<hbm>>) dst(%arg8 : memref<100x50xi32, #tpu.memory_space<vmem>>)
      tpu.yield
    }) : () -> ()
    "tpu.region"() ({
      %run_scoped3A = tpu.sem_alloc : memref<!tpu.dma_semaphore, #tpu.memory_space<semaphore_mem>>
      %dma_start3A_38 = arith.constant 0 : i32
      %dma_start3A_39 = arith.constant 0 : i32
      %dma_start3A_40 = tpu.memref_slice %arg4[%arg0, %arg1, %dma_start3A_38, %dma_start3A_39] : memref<2x16x100x50xi32, #tpu.memory_space<hbm>> -> memref<1x1x100x50xi32, #tpu.memory_space<hbm>>
      %dma_start3A_41 = tpu.memref_squeeze %dma_start3A_40 : memref<1x1x100x50xi32, #tpu.memory_space<hbm>> -> memref<100x50xi32, #tpu.memory_space<hbm>>
      %dma_start3A_42 = arith.constant 0 : i32
      %dma_start3A_43 = arith.constant 0 : i32
      %dma_start3A_44 = tpu.memref_slice %arg4[%arg0, %arg1, %dma_start3A_42, %dma_start3A_43] : memref<2x16x100x50xi32, #tpu.memory_space<hbm>> -> memref<1x1x100x50xi32, #tpu.memory_space<hbm>>
      %dma_start3A_45 = tpu.memref_squeeze %dma_start3A_44 : memref<1x1x100x50xi32, #tpu.memory_space<hbm>> -> memref<100x50xi32, #tpu.memory_space<hbm>>
      tpu.enqueue_dma source(%dma_start3A_45 : memref<100x50xi32, #tpu.memory_space<hbm>>) target(%arg9 : memref<100x50xi32, #tpu.memory_space<vmem>>) target_semaphore(%run_scoped3A : memref<!tpu.dma_semaphore, #tpu.memory_space<semaphore_mem>>)
      %dma_wait3A = arith.constant 0 : i32
      %dma_wait3A_46 = arith.constant 0 : i32
      %dma_wait3A_47 = tpu.memref_slice %arg4[%arg0, %arg1, %dma_wait3A, %dma_wait3A_46] : memref<2x16x100x50xi32, #tpu.memory_space<hbm>> -> memref<1x1x100x50xi32, #tpu.memory_space<hbm>>
      %dma_wait3A_48 = tpu.memref_squeeze %dma_wait3A_47 : memref<1x1x100x50xi32, #tpu.memory_space<hbm>> -> memref<100x50xi32, #tpu.memory_space<hbm>>
      %dma_wait3A_49 = arith.constant 0 : i32
      %dma_wait3A_50 = arith.constant 0 : i32
      %dma_wait3A_51 = tpu.memref_slice %arg4[%arg0, %arg1, %dma_wait3A_49, %dma_wait3A_50] : memref<2x16x100x50xi32, #tpu.memory_space<hbm>> -> memref<1x1x100x50xi32, #tpu.memory_space<hbm>>
      %dma_wait3A_52 = tpu.memref_squeeze %dma_wait3A_51 : memref<1x1x100x50xi32, #tpu.memory_space<hbm>> -> memref<100x50xi32, #tpu.memory_space<hbm>>
      tpu.wait_dma2 semaphore(%run_scoped3A : memref<!tpu.dma_semaphore, #tpu.memory_space<semaphore_mem>>) src(%dma_wait3A_52 : memref<100x50xi32, #tpu.memory_space<hbm>>) dst(%arg9 : memref<100x50xi32, #tpu.memory_space<vmem>>)
      tpu.yield
    }) : () -> ()
    %dma_start3A = arith.constant 0 : i32
    %dma_start3A_0 = arith.constant 0 : i32
    %dma_start3A_1 = tpu.memref_slice %arg8[%dma_start3A, %dma_start3A_0] : memref<100x50xi32, #tpu.memory_space<vmem>> -> memref<1x50xi32, #tpu.memory_space<vmem>>
    %dma_start3A_2 = tpu.memref_squeeze %dma_start3A_1 : memref<1x50xi32, #tpu.memory_space<vmem>> -> memref<50xi32, #tpu.memory_space<vmem>>
    %dma_start3A_3 = arith.constant 0 : i32
    %dma_start3A_4 = arith.constant 0 : i32
    %dma_start3A_5 = tpu.memref_slice %arg2[%dma_start3A_3, %dma_start3A_4] : memref<10000x256xbf16, #tpu.memory_space<hbm>> -> memref<10000x256xbf16, #tpu.memory_space<hbm>>
    tpu.enqueue_indirect_dma source(%dma_start3A_5 : memref<10000x256xbf16, #tpu.memory_space<hbm>>) target(%arg10 : memref<50x256xbf16, #tpu.memory_space<vmem>>) offsets(%dma_start3A_2 : memref<50xi32, #tpu.memory_space<vmem>>) semaphore(%arg14 : memref<!tpu.dma_semaphore, #tpu.memory_space<semaphore_mem>>)
    %dma_start3A_6 = arith.constant 1 : i32
    %dma_start3A_7 = arith.constant 0 : i32
    %dma_start3A_8 = tpu.memref_slice %arg8[%dma_start3A_6, %dma_start3A_7] : memref<100x50xi32, #tpu.memory_space<vmem>> -> memref<1x50xi32, #tpu.memory_space<vmem>>
    %dma_start3A_9 = tpu.memref_squeeze %dma_start3A_8 : memref<1x50xi32, #tpu.memory_space<vmem>> -> memref<50xi32, #tpu.memory_space<vmem>>
    %dma_start3A_10 = arith.constant 0 : i32
    %dma_start3A_11 = arith.constant 0 : i32
    %dma_start3A_12 = tpu.memref_slice %arg2[%dma_start3A_10, %dma_start3A_11] : memref<10000x256xbf16, #tpu.memory_space<hbm>> -> memref<10000x256xbf16, #tpu.memory_space<hbm>>
    tpu.enqueue_indirect_dma source(%dma_start3A_12 : memref<10000x256xbf16, #tpu.memory_space<hbm>>) target(%arg11 : memref<50x256xbf16, #tpu.memory_space<vmem>>) offsets(%dma_start3A_9 : memref<50xi32, #tpu.memory_space<vmem>>) semaphore(%arg15 : memref<!tpu.dma_semaphore, #tpu.memory_space<semaphore_mem>>)
    %dma_start3A_13 = arith.constant 2 : i32
    %dma_start3A_14 = arith.constant 0 : i32
    %dma_start3A_15 = tpu.memref_slice %arg8[%dma_start3A_13, %dma_start3A_14] : memref<100x50xi32, #tpu.memory_space<vmem>> -> memref<1x50xi32, #tpu.memory_space<vmem>>
    %dma_start3A_16 = tpu.memref_squeeze %dma_start3A_15 : memref<1x50xi32, #tpu.memory_space<vmem>> -> memref<50xi32, #tpu.memory_space<vmem>>
    %dma_start3A_17 = arith.constant 0 : i32
    %dma_start3A_18 = arith.constant 0 : i32
    %dma_start3A_19 = tpu.memref_slice %arg2[%dma_start3A_17, %dma_start3A_18] : memref<10000x256xbf16, #tpu.memory_space<hbm>> -> memref<10000x256xbf16, #tpu.memory_space<hbm>>
    tpu.enqueue_indirect_dma source(%dma_start3A_19 : memref<10000x256xbf16, #tpu.memory_space<hbm>>) target(%arg12 : memref<50x256xbf16, #tpu.memory_space<vmem>>) offsets(%dma_start3A_16 : memref<50xi32, #tpu.memory_space<vmem>>) semaphore(%arg16 : memref<!tpu.dma_semaphore, #tpu.memory_space<semaphore_mem>>)
    %dma_start3A_20 = arith.constant 3 : i32
    %dma_start3A_21 = arith.constant 0 : i32
    %dma_start3A_22 = tpu.memref_slice %arg8[%dma_start3A_20, %dma_start3A_21] : memref<100x50xi32, #tpu.memory_space<vmem>> -> memref<1x50xi32, #tpu.memory_space<vmem>>
    %dma_start3A_23 = tpu.memref_squeeze %dma_start3A_22 : memref<1x50xi32, #tpu.memory_space<vmem>> -> memref<50xi32, #tpu.memory_space<vmem>>
    %dma_start3A_24 = arith.constant 0 : i32
    %dma_start3A_25 = arith.constant 0 : i32
    %dma_start3A_26 = tpu.memref_slice %arg2[%dma_start3A_24, %dma_start3A_25] : memref<10000x256xbf16, #tpu.memory_space<hbm>> -> memref<10000x256xbf16, #tpu.memory_space<hbm>>
    tpu.enqueue_indirect_dma source(%dma_start3A_26 : memref<10000x256xbf16, #tpu.memory_space<hbm>>) target(%arg13 : memref<50x256xbf16, #tpu.memory_space<vmem>>) offsets(%dma_start3A_23 : memref<50xi32, #tpu.memory_space<vmem>>) semaphore(%arg17 : memref<!tpu.dma_semaphore, #tpu.memory_space<semaphore_mem>>)
    %mul3A = arith.constant 640 : i32
    %mul3A_27 = arith.muli %arg1, %mul3A : i32
    "tpu.region"() ({
      %run_scoped3A = tpu.sem_alloc : memref<!tpu.dma_semaphore, #tpu.memory_space<semaphore_mem>>
      %dma_start3A_38 = arith.constant 0 : i32
      %dma_start3A_39 = tpu.memref_slice %arg7[%mul3A_27, %dma_start3A_38] : memref<10240x256xbf16, #tpu.memory_space<vmem_shared>> -> memref<640x256xbf16, #tpu.memory_space<vmem_shared>>
      tpu.enqueue_dma source(%arg5 : memref<640x256xbf16, #tpu.memory_space<hbm>>) target(%dma_start3A_39 : memref<640x256xbf16, #tpu.memory_space<vmem_shared>>) target_semaphore(%run_scoped3A : memref<!tpu.dma_semaphore, #tpu.memory_space<semaphore_mem>>)
      %dma_wait3A = arith.constant 0 : i32
      %dma_wait3A_40 = tpu.memref_slice %arg7[%mul3A_27, %dma_wait3A] : memref<10240x256xbf16, #tpu.memory_space<vmem_shared>> -> memref<640x256xbf16, #tpu.memory_space<vmem_shared>>
      tpu.wait_dma2 semaphore(%run_scoped3A : memref<!tpu.dma_semaphore, #tpu.memory_space<semaphore_mem>>) src(%arg5 : memref<640x256xbf16, #tpu.memory_space<hbm>>) dst(%dma_wait3A_40 : memref<640x256xbf16, #tpu.memory_space<vmem_shared>>)
      tpu.yield
    }) : () -> ()
    %barrier3A = arith.constant 0 : index
    tpu.barrier barrier_id(%barrier3A)
    %scan3A = arith.constant 0 : i32
    %scan3A_28 = arith.constant 0 : i32
    %scan3A_29 = arith.constant 25 : i32
    %scan3A_30 = arith.addi %scan3A_28, %scan3A_29 : i32
    %scan3A_31 = arith.constant 1 : i32
    scf.for %scan3A_38 = %scan3A_28 to %scan3A_30 step %scan3A_31  : i32 {
      %mul3A_39 = arith.constant 4 : i32
      %mul3A_40 = arith.muli %mul3A_39, %scan3A_38 : i32
      %add3A = arith.constant 0 : i32
      %add3A_41 = arith.addi %mul3A_40, %add3A : i32
      %dma_wait3A = arith.constant 0 : i32
      %dma_wait3A_42 = tpu.memref_slice %arg8[%add3A_41, %dma_wait3A] : memref<100x50xi32, #tpu.memory_space<vmem>> -> memref<1x50xi32, #tpu.memory_space<vmem>>
      %dma_wait3A_43 = tpu.memref_squeeze %dma_wait3A_42 : memref<1x50xi32, #tpu.memory_space<vmem>> -> memref<50xi32, #tpu.memory_space<vmem>>
      %dma_wait3A_44 = arith.constant 0 : i32
      %dma_wait3A_45 = arith.constant 0 : i32
      %dma_wait3A_46 = tpu.memref_slice %arg2[%dma_wait3A_44, %dma_wait3A_45] : memref<10000x256xbf16, #tpu.memory_space<hbm>> -> memref<10000x256xbf16, #tpu.memory_space<hbm>>
      tpu.wait_indirect_dma semaphore(%arg14 : memref<!tpu.dma_semaphore, #tpu.memory_space<semaphore_mem>>) src(%dma_wait3A_46 : memref<10000x256xbf16, #tpu.memory_space<hbm>>) dst(%arg10 : memref<50x256xbf16, #tpu.memory_space<vmem>>)
      "tpu.region"() ({
        %run_scoped3A = tpu.sem_alloc : memref<!tpu.dma_semaphore, #tpu.memory_space<semaphore_mem>>
        %dma_start3A_88 = arith.constant 0 : i32
        %dma_start3A_89 = tpu.memref_slice %arg9[%add3A_41, %dma_start3A_88] : memref<100x50xi32, #tpu.memory_space<vmem>> -> memref<1x50xi32, #tpu.memory_space<vmem>>
        %dma_start3A_90 = tpu.memref_squeeze %dma_start3A_89 : memref<1x50xi32, #tpu.memory_space<vmem>> -> memref<50xi32, #tpu.memory_space<vmem>>
        %dma_start3A_91 = arith.constant 0 : i32
        %dma_start3A_92 = arith.constant 0 : i32
        %dma_start3A_93 = tpu.memref_slice %arg7[%dma_start3A_91, %dma_start3A_92] : memref<10240x256xbf16, #tpu.memory_space<vmem_shared>> -> memref<10240x256xbf16, #tpu.memory_space<vmem_shared>>
        tpu.enqueue_indirect_dma source(%arg10 : memref<50x256xbf16, #tpu.memory_space<vmem>>) target(%dma_start3A_93 : memref<10240x256xbf16, #tpu.memory_space<vmem_shared>>) offsets(%dma_start3A_90 : memref<50xi32, #tpu.memory_space<vmem>>) semaphore(%run_scoped3A : memref<!tpu.dma_semaphore, #tpu.memory_space<semaphore_mem>>) {add = true}
        %dma_wait3A_94 = arith.constant 0 : i32
        %dma_wait3A_95 = tpu.memref_slice %arg9[%add3A_41, %dma_wait3A_94] : memref<100x50xi32, #tpu.memory_space<vmem>> -> memref<1x50xi32, #tpu.memory_space<vmem>>
        %dma_wait3A_96 = tpu.memref_squeeze %dma_wait3A_95 : memref<1x50xi32, #tpu.memory_space<vmem>> -> memref<50xi32, #tpu.memory_space<vmem>>
        %dma_wait3A_97 = arith.constant 0 : i32
        %dma_wait3A_98 = arith.constant 0 : i32
        %dma_wait3A_99 = tpu.memref_slice %arg7[%dma_wait3A_97, %dma_wait3A_98] : memref<10240x256xbf16, #tpu.memory_space<vmem_shared>> -> memref<10240x256xbf16, #tpu.memory_space<vmem_shared>>
        tpu.wait_indirect_dma semaphore(%run_scoped3A : memref<!tpu.dma_semaphore, #tpu.memory_space<semaphore_mem>>) src(%arg10 : memref<50x256xbf16, #tpu.memory_space<vmem>>) dst(%dma_wait3A_99 : memref<10240x256xbf16, #tpu.memory_space<vmem_shared>>)
        tpu.yield
      }) : () -> ()
      %lt3A = arith.constant 24 : i32
      %lt3A_47 = arith.cmpi slt, %scan3A_38, %lt3A : i32
      %convert_element_type3A = arith.extui %lt3A_47 : i1 to i32
      %cond3A = arith.constant 0 : i32
      %cond3A_48 = arith.cmpi ne, %convert_element_type3A, %cond3A : i32
      scf.if %cond3A_48 {
        %add3A_88 = arith.constant 4 : i32
        %add3A_89 = arith.addi %add3A_41, %add3A_88 : i32
        %dma_start3A_90 = arith.constant 0 : i32
        %dma_start3A_91 = tpu.memref_slice %arg8[%add3A_89, %dma_start3A_90] : memref<100x50xi32, #tpu.memory_space<vmem>> -> memref<1x50xi32, #tpu.memory_space<vmem>>
        %dma_start3A_92 = tpu.memref_squeeze %dma_start3A_91 : memref<1x50xi32, #tpu.memory_space<vmem>> -> memref<50xi32, #tpu.memory_space<vmem>>
        %dma_start3A_93 = arith.constant 0 : i32
        %dma_start3A_94 = arith.constant 0 : i32
        %dma_start3A_95 = tpu.memref_slice %arg2[%dma_start3A_93, %dma_start3A_94] : memref<10000x256xbf16, #tpu.memory_space<hbm>> -> memref<10000x256xbf16, #tpu.memory_space<hbm>>
        tpu.enqueue_indirect_dma source(%dma_start3A_95 : memref<10000x256xbf16, #tpu.memory_space<hbm>>) target(%arg10 : memref<50x256xbf16, #tpu.memory_space<vmem>>) offsets(%dma_start3A_92 : memref<50xi32, #tpu.memory_space<vmem>>) semaphore(%arg14 : memref<!tpu.dma_semaphore, #tpu.memory_space<semaphore_mem>>)
      } else {
      }
      %add3A_49 = arith.constant 1 : i32
      %add3A_50 = arith.addi %mul3A_40, %add3A_49 : i32
      %dma_wait3A_51 = arith.constant 0 : i32
      %dma_wait3A_52 = tpu.memref_slice %arg8[%add3A_50, %dma_wait3A_51] : memref<100x50xi32, #tpu.memory_space<vmem>> -> memref<1x50xi32, #tpu.memory_space<vmem>>
      %dma_wait3A_53 = tpu.memref_squeeze %dma_wait3A_52 : memref<1x50xi32, #tpu.memory_space<vmem>> -> memref<50xi32, #tpu.memory_space<vmem>>
      %dma_wait3A_54 = arith.constant 0 : i32
      %dma_wait3A_55 = arith.constant 0 : i32
      %dma_wait3A_56 = tpu.memref_slice %arg2[%dma_wait3A_54, %dma_wait3A_55] : memref<10000x256xbf16, #tpu.memory_space<hbm>> -> memref<10000x256xbf16, #tpu.memory_space<hbm>>
      tpu.wait_indirect_dma semaphore(%arg15 : memref<!tpu.dma_semaphore, #tpu.memory_space<semaphore_mem>>) src(%dma_wait3A_56 : memref<10000x256xbf16, #tpu.memory_space<hbm>>) dst(%arg11 : memref<50x256xbf16, #tpu.memory_space<vmem>>)
      "tpu.region"() ({
        %run_scoped3A = tpu.sem_alloc : memref<!tpu.dma_semaphore, #tpu.memory_space<semaphore_mem>>
        %dma_start3A_88 = arith.constant 0 : i32
        %dma_start3A_89 = tpu.memref_slice %arg9[%add3A_50, %dma_start3A_88] : memref<100x50xi32, #tpu.memory_space<vmem>> -> memref<1x50xi32, #tpu.memory_space<vmem>>
        %dma_start3A_90 = tpu.memref_squeeze %dma_start3A_89 : memref<1x50xi32, #tpu.memory_space<vmem>> -> memref<50xi32, #tpu.memory_space<vmem>>
        %dma_start3A_91 = arith.constant 0 : i32
        %dma_start3A_92 = arith.constant 0 : i32
        %dma_start3A_93 = tpu.memref_slice %arg7[%dma_start3A_91, %dma_start3A_92] : memref<10240x256xbf16, #tpu.memory_space<vmem_shared>> -> memref<10240x256xbf16, #tpu.memory_space<vmem_shared>>
        tpu.enqueue_indirect_dma source(%arg11 : memref<50x256xbf16, #tpu.memory_space<vmem>>) target(%dma_start3A_93 : memref<10240x256xbf16, #tpu.memory_space<vmem_shared>>) offsets(%dma_start3A_90 : memref<50xi32, #tpu.memory_space<vmem>>) semaphore(%run_scoped3A : memref<!tpu.dma_semaphore, #tpu.memory_space<semaphore_mem>>) {add = true}
        %dma_wait3A_94 = arith.constant 0 : i32
        %dma_wait3A_95 = tpu.memref_slice %arg9[%add3A_50, %dma_wait3A_94] : memref<100x50xi32, #tpu.memory_space<vmem>> -> memref<1x50xi32, #tpu.memory_space<vmem>>
        %dma_wait3A_96 = tpu.memref_squeeze %dma_wait3A_95 : memref<1x50xi32, #tpu.memory_space<vmem>> -> memref<50xi32, #tpu.memory_space<vmem>>
        %dma_wait3A_97 = arith.constant 0 : i32
        %dma_wait3A_98 = arith.constant 0 : i32
        %dma_wait3A_99 = tpu.memref_slice %arg7[%dma_wait3A_97, %dma_wait3A_98] : memref<10240x256xbf16, #tpu.memory_space<vmem_shared>> -> memref<10240x256xbf16, #tpu.memory_space<vmem_shared>>
        tpu.wait_indirect_dma semaphore(%run_scoped3A : memref<!tpu.dma_semaphore, #tpu.memory_space<semaphore_mem>>) src(%arg11 : memref<50x256xbf16, #tpu.memory_space<vmem>>) dst(%dma_wait3A_99 : memref<10240x256xbf16, #tpu.memory_space<vmem_shared>>)
        tpu.yield
      }) : () -> ()
      %lt3A_57 = arith.constant 24 : i32
      %lt3A_58 = arith.cmpi slt, %scan3A_38, %lt3A_57 : i32
      %convert_element_type3A_59 = arith.extui %lt3A_58 : i1 to i32
      %cond3A_60 = arith.constant 0 : i32
      %cond3A_61 = arith.cmpi ne, %convert_element_type3A_59, %cond3A_60 : i32
      scf.if %cond3A_61 {
        %add3A_88 = arith.constant 4 : i32
        %add3A_89 = arith.addi %add3A_50, %add3A_88 : i32
        %dma_start3A_90 = arith.constant 0 : i32
        %dma_start3A_91 = tpu.memref_slice %arg8[%add3A_89, %dma_start3A_90] : memref<100x50xi32, #tpu.memory_space<vmem>> -> memref<1x50xi32, #tpu.memory_space<vmem>>
        %dma_start3A_92 = tpu.memref_squeeze %dma_start3A_91 : memref<1x50xi32, #tpu.memory_space<vmem>> -> memref<50xi32, #tpu.memory_space<vmem>>
        %dma_start3A_93 = arith.constant 0 : i32
        %dma_start3A_94 = arith.constant 0 : i32
        %dma_start3A_95 = tpu.memref_slice %arg2[%dma_start3A_93, %dma_start3A_94] : memref<10000x256xbf16, #tpu.memory_space<hbm>> -> memref<10000x256xbf16, #tpu.memory_space<hbm>>
        tpu.enqueue_indirect_dma source(%dma_start3A_95 : memref<10000x256xbf16, #tpu.memory_space<hbm>>) target(%arg11 : memref<50x256xbf16, #tpu.memory_space<vmem>>) offsets(%dma_start3A_92 : memref<50xi32, #tpu.memory_space<vmem>>) semaphore(%arg15 : memref<!tpu.dma_semaphore, #tpu.memory_space<semaphore_mem>>)
      } else {
      }
      %add3A_62 = arith.constant 2 : i32
      %add3A_63 = arith.addi %mul3A_40, %add3A_62 : i32
      %dma_wait3A_64 = arith.constant 0 : i32
      %dma_wait3A_65 = tpu.memref_slice %arg8[%add3A_63, %dma_wait3A_64] : memref<100x50xi32, #tpu.memory_space<vmem>> -> memref<1x50xi32, #tpu.memory_space<vmem>>
      %dma_wait3A_66 = tpu.memref_squeeze %dma_wait3A_65 : memref<1x50xi32, #tpu.memory_space<vmem>> -> memref<50xi32, #tpu.memory_space<vmem>>
      %dma_wait3A_67 = arith.constant 0 : i32
      %dma_wait3A_68 = arith.constant 0 : i32
      %dma_wait3A_69 = tpu.memref_slice %arg2[%dma_wait3A_67, %dma_wait3A_68] : memref<10000x256xbf16, #tpu.memory_space<hbm>> -> memref<10000x256xbf16, #tpu.memory_space<hbm>>
      tpu.wait_indirect_dma semaphore(%arg16 : memref<!tpu.dma_semaphore, #tpu.memory_space<semaphore_mem>>) src(%dma_wait3A_69 : memref<10000x256xbf16, #tpu.memory_space<hbm>>) dst(%arg12 : memref<50x256xbf16, #tpu.memory_space<vmem>>)
      "tpu.region"() ({
        %run_scoped3A = tpu.sem_alloc : memref<!tpu.dma_semaphore, #tpu.memory_space<semaphore_mem>>
        %dma_start3A_88 = arith.constant 0 : i32
        %dma_start3A_89 = tpu.memref_slice %arg9[%add3A_63, %dma_start3A_88] : memref<100x50xi32, #tpu.memory_space<vmem>> -> memref<1x50xi32, #tpu.memory_space<vmem>>
        %dma_start3A_90 = tpu.memref_squeeze %dma_start3A_89 : memref<1x50xi32, #tpu.memory_space<vmem>> -> memref<50xi32, #tpu.memory_space<vmem>>
        %dma_start3A_91 = arith.constant 0 : i32
        %dma_start3A_92 = arith.constant 0 : i32
        %dma_start3A_93 = tpu.memref_slice %arg7[%dma_start3A_91, %dma_start3A_92] : memref<10240x256xbf16, #tpu.memory_space<vmem_shared>> -> memref<10240x256xbf16, #tpu.memory_space<vmem_shared>>
        tpu.enqueue_indirect_dma source(%arg12 : memref<50x256xbf16, #tpu.memory_space<vmem>>) target(%dma_start3A_93 : memref<10240x256xbf16, #tpu.memory_space<vmem_shared>>) offsets(%dma_start3A_90 : memref<50xi32, #tpu.memory_space<vmem>>) semaphore(%run_scoped3A : memref<!tpu.dma_semaphore, #tpu.memory_space<semaphore_mem>>) {add = true}
        %dma_wait3A_94 = arith.constant 0 : i32
        %dma_wait3A_95 = tpu.memref_slice %arg9[%add3A_63, %dma_wait3A_94] : memref<100x50xi32, #tpu.memory_space<vmem>> -> memref<1x50xi32, #tpu.memory_space<vmem>>
        %dma_wait3A_96 = tpu.memref_squeeze %dma_wait3A_95 : memref<1x50xi32, #tpu.memory_space<vmem>> -> memref<50xi32, #tpu.memory_space<vmem>>
        %dma_wait3A_97 = arith.constant 0 : i32
        %dma_wait3A_98 = arith.constant 0 : i32
        %dma_wait3A_99 = tpu.memref_slice %arg7[%dma_wait3A_97, %dma_wait3A_98] : memref<10240x256xbf16, #tpu.memory_space<vmem_shared>> -> memref<10240x256xbf16, #tpu.memory_space<vmem_shared>>
        tpu.wait_indirect_dma semaphore(%run_scoped3A : memref<!tpu.dma_semaphore, #tpu.memory_space<semaphore_mem>>) src(%arg12 : memref<50x256xbf16, #tpu.memory_space<vmem>>) dst(%dma_wait3A_99 : memref<10240x256xbf16, #tpu.memory_space<vmem_shared>>)
        tpu.yield
      }) : () -> ()
      %lt3A_70 = arith.constant 24 : i32
      %lt3A_71 = arith.cmpi slt, %scan3A_38, %lt3A_70 : i32
      %convert_element_type3A_72 = arith.extui %lt3A_71 : i1 to i32
      %cond3A_73 = arith.constant 0 : i32
      %cond3A_74 = arith.cmpi ne, %convert_element_type3A_72, %cond3A_73 : i32
      scf.if %cond3A_74 {
        %add3A_88 = arith.constant 4 : i32
        %add3A_89 = arith.addi %add3A_63, %add3A_88 : i32
        %dma_start3A_90 = arith.constant 0 : i32
        %dma_start3A_91 = tpu.memref_slice %arg8[%add3A_89, %dma_start3A_90] : memref<100x50xi32, #tpu.memory_space<vmem>> -> memref<1x50xi32, #tpu.memory_space<vmem>>
        %dma_start3A_92 = tpu.memref_squeeze %dma_start3A_91 : memref<1x50xi32, #tpu.memory_space<vmem>> -> memref<50xi32, #tpu.memory_space<vmem>>
        %dma_start3A_93 = arith.constant 0 : i32
        %dma_start3A_94 = arith.constant 0 : i32
        %dma_start3A_95 = tpu.memref_slice %arg2[%dma_start3A_93, %dma_start3A_94] : memref<10000x256xbf16, #tpu.memory_space<hbm>> -> memref<10000x256xbf16, #tpu.memory_space<hbm>>
        tpu.enqueue_indirect_dma source(%dma_start3A_95 : memref<10000x256xbf16, #tpu.memory_space<hbm>>) target(%arg12 : memref<50x256xbf16, #tpu.memory_space<vmem>>) offsets(%dma_start3A_92 : memref<50xi32, #tpu.memory_space<vmem>>) semaphore(%arg16 : memref<!tpu.dma_semaphore, #tpu.memory_space<semaphore_mem>>)
      } else {
      }
      %add3A_75 = arith.constant 3 : i32
      %add3A_76 = arith.addi %mul3A_40, %add3A_75 : i32
      %dma_wait3A_77 = arith.constant 0 : i32
      %dma_wait3A_78 = tpu.memref_slice %arg8[%add3A_76, %dma_wait3A_77] : memref<100x50xi32, #tpu.memory_space<vmem>> -> memref<1x50xi32, #tpu.memory_space<vmem>>
      %dma_wait3A_79 = tpu.memref_squeeze %dma_wait3A_78 : memref<1x50xi32, #tpu.memory_space<vmem>> -> memref<50xi32, #tpu.memory_space<vmem>>
      %dma_wait3A_80 = arith.constant 0 : i32
      %dma_wait3A_81 = arith.constant 0 : i32
      %dma_wait3A_82 = tpu.memref_slice %arg2[%dma_wait3A_80, %dma_wait3A_81] : memref<10000x256xbf16, #tpu.memory_space<hbm>> -> memref<10000x256xbf16, #tpu.memory_space<hbm>>
      tpu.wait_indirect_dma semaphore(%arg17 : memref<!tpu.dma_semaphore, #tpu.memory_space<semaphore_mem>>) src(%dma_wait3A_82 : memref<10000x256xbf16, #tpu.memory_space<hbm>>) dst(%arg13 : memref<50x256xbf16, #tpu.memory_space<vmem>>)
      "tpu.region"() ({
        %run_scoped3A = tpu.sem_alloc : memref<!tpu.dma_semaphore, #tpu.memory_space<semaphore_mem>>
        %dma_start3A_88 = arith.constant 0 : i32
        %dma_start3A_89 = tpu.memref_slice %arg9[%add3A_76, %dma_start3A_88] : memref<100x50xi32, #tpu.memory_space<vmem>> -> memref<1x50xi32, #tpu.memory_space<vmem>>
        %dma_start3A_90 = tpu.memref_squeeze %dma_start3A_89 : memref<1x50xi32, #tpu.memory_space<vmem>> -> memref<50xi32, #tpu.memory_space<vmem>>
        %dma_start3A_91 = arith.constant 0 : i32
        %dma_start3A_92 = arith.constant 0 : i32
        %dma_start3A_93 = tpu.memref_slice %arg7[%dma_start3A_91, %dma_start3A_92] : memref<10240x256xbf16, #tpu.memory_space<vmem_shared>> -> memref<10240x256xbf16, #tpu.memory_space<vmem_shared>>
        tpu.enqueue_indirect_dma source(%arg13 : memref<50x256xbf16, #tpu.memory_space<vmem>>) target(%dma_start3A_93 : memref<10240x256xbf16, #tpu.memory_space<vmem_shared>>) offsets(%dma_start3A_90 : memref<50xi32, #tpu.memory_space<vmem>>) semaphore(%run_scoped3A : memref<!tpu.dma_semaphore, #tpu.memory_space<semaphore_mem>>) {add = true}
        %dma_wait3A_94 = arith.constant 0 : i32
        %dma_wait3A_95 = tpu.memref_slice %arg9[%add3A_76, %dma_wait3A_94] : memref<100x50xi32, #tpu.memory_space<vmem>> -> memref<1x50xi32, #tpu.memory_space<vmem>>
        %dma_wait3A_96 = tpu.memref_squeeze %dma_wait3A_95 : memref<1x50xi32, #tpu.memory_space<vmem>> -> memref<50xi32, #tpu.memory_space<vmem>>
        %dma_wait3A_97 = arith.constant 0 : i32
        %dma_wait3A_98 = arith.constant 0 : i32
        %dma_wait3A_99 = tpu.memref_slice %arg7[%dma_wait3A_97, %dma_wait3A_98] : memref<10240x256xbf16, #tpu.memory_space<vmem_shared>> -> memref<10240x256xbf16, #tpu.memory_space<vmem_shared>>
        tpu.wait_indirect_dma semaphore(%run_scoped3A : memref<!tpu.dma_semaphore, #tpu.memory_space<semaphore_mem>>) src(%arg13 : memref<50x256xbf16, #tpu.memory_space<vmem>>) dst(%dma_wait3A_99 : memref<10240x256xbf16, #tpu.memory_space<vmem_shared>>)
        tpu.yield
      }) : () -> ()
      %lt3A_83 = arith.constant 24 : i32
      %lt3A_84 = arith.cmpi slt, %scan3A_38, %lt3A_83 : i32
      %convert_element_type3A_85 = arith.extui %lt3A_84 : i1 to i32
      %cond3A_86 = arith.constant 0 : i32
      %cond3A_87 = arith.cmpi ne, %convert_element_type3A_85, %cond3A_86 : i32
      scf.if %cond3A_87 {
        %add3A_88 = arith.constant 4 : i32
        %add3A_89 = arith.addi %add3A_76, %add3A_88 : i32
        %dma_start3A_90 = arith.constant 0 : i32
        %dma_start3A_91 = tpu.memref_slice %arg8[%add3A_89, %dma_start3A_90] : memref<100x50xi32, #tpu.memory_space<vmem>> -> memref<1x50xi32, #tpu.memory_space<vmem>>
        %dma_start3A_92 = tpu.memref_squeeze %dma_start3A_91 : memref<1x50xi32, #tpu.memory_space<vmem>> -> memref<50xi32, #tpu.memory_space<vmem>>
        %dma_start3A_93 = arith.constant 0 : i32
        %dma_start3A_94 = arith.constant 0 : i32
        %dma_start3A_95 = tpu.memref_slice %arg2[%dma_start3A_93, %dma_start3A_94] : memref<10000x256xbf16, #tpu.memory_space<hbm>> -> memref<10000x256xbf16, #tpu.memory_space<hbm>>
        tpu.enqueue_indirect_dma source(%dma_start3A_95 : memref<10000x256xbf16, #tpu.memory_space<hbm>>) target(%arg13 : memref<50x256xbf16, #tpu.memory_space<vmem>>) offsets(%dma_start3A_92 : memref<50xi32, #tpu.memory_space<vmem>>) semaphore(%arg17 : memref<!tpu.dma_semaphore, #tpu.memory_space<semaphore_mem>>)
      } else {
      }
    }
    %scan3A_32 = arith.constant 25 : i32
    %barrier3A_33 = arith.constant 0 : index
    tpu.barrier barrier_id(%barrier3A_33)
    %mul3A_34 = arith.constant 640 : i32
    %mul3A_35 = arith.muli %arg1, %mul3A_34 : i32
    %mul3A_36 = arith.constant 640 : i32
    %mul3A_37 = arith.muli %arg1, %mul3A_36 : i32
    "tpu.region"() ({
      %run_scoped3A = tpu.sem_alloc : memref<!tpu.dma_semaphore, #tpu.memory_space<semaphore_mem>>
      %dma_start3A_38 = arith.constant 0 : i32
      %dma_start3A_39 = tpu.memref_slice %arg6[%arg0, %mul3A_37, %dma_start3A_38] : memref<2x10240x256xbf16, #tpu.memory_space<hbm>> -> memref<1x640x256xbf16, #tpu.memory_space<hbm>>
      %dma_start3A_40 = tpu.memref_squeeze %dma_start3A_39 : memref<1x640x256xbf16, #tpu.memory_space<hbm>> -> memref<640x256xbf16, #tpu.memory_space<hbm>>
      %dma_start3A_41 = arith.constant 0 : i32
      %dma_start3A_42 = tpu.memref_slice %arg7[%mul3A_35, %dma_start3A_41] : memref<10240x256xbf16, #tpu.memory_space<vmem_shared>> -> memref<640x256xbf16, #tpu.memory_space<vmem_shared>>
      tpu.enqueue_dma source(%dma_start3A_42 : memref<640x256xbf16, #tpu.memory_space<vmem_shared>>) target(%dma_start3A_40 : memref<640x256xbf16, #tpu.memory_space<hbm>>) target_semaphore(%run_scoped3A : memref<!tpu.dma_semaphore, #tpu.memory_space<semaphore_mem>>)
      %dma_wait3A = arith.constant 0 : i32
      %dma_wait3A_43 = tpu.memref_slice %arg6[%arg0, %mul3A_37, %dma_wait3A] : memref<2x10240x256xbf16, #tpu.memory_space<hbm>> -> memref<1x640x256xbf16, #tpu.memory_space<hbm>>
      %dma_wait3A_44 = tpu.memref_squeeze %dma_wait3A_43 : memref<1x640x256xbf16, #tpu.memory_space<hbm>> -> memref<640x256xbf16, #tpu.memory_space<hbm>>
      %dma_wait3A_45 = arith.constant 0 : i32
      %dma_wait3A_46 = tpu.memref_slice %arg7[%mul3A_35, %dma_wait3A_45] : memref<10240x256xbf16, #tpu.memory_space<vmem_shared>> -> memref<640x256xbf16, #tpu.memory_space<vmem_shared>>
      tpu.wait_dma2 semaphore(%run_scoped3A : memref<!tpu.dma_semaphore, #tpu.memory_space<semaphore_mem>>) src(%dma_wait3A_46 : memref<640x256xbf16, #tpu.memory_space<vmem_shared>>) dst(%dma_wait3A_44 : memref<640x256xbf16, #tpu.memory_space<hbm>>)
      tpu.yield
    }) : () -> ()
    return
  }
}

#map = affine_map<(d0, d1) -> (0, 0)>
#map1 = affine_map<(d0, d1) -> (0, 0, 0, 0)>
#map2 = affine_map<(d0, d1) -> (0, 0, 0)>
module attributes {stable_mosaic.version = 14 : i64} {
  func.func @body(%arg0: i32, %arg1: i32, %arg2: memref<10000x256xbf16, #tpu.memory_space<hbm>>, %arg3: memref<2x16x100x50xi32, #tpu.memory_space<hbm>>, %arg4: memref<2x16x100x50xi32, #tpu.memory_space<hbm>>, %arg5: memref<640x256xbf16, #tpu.memory_space<hbm>>, %arg6: memref<2x10240x256xbf16, #tpu.memory_space<hbm>>, %arg7: memref<10240x256xbf16, #tpu.memory_space<vmem_shared>>, %arg8: memref<100x50xi32, #tpu.memory_space<vmem>>, %arg9: memref<100x50xi32, #tpu.memory_space<vmem>>, %arg10: memref<50x256xbf16, #tpu.memory_space<vmem>>, %arg11: memref<50x256xbf16, #tpu.memory_space<vmem>>, %arg12: memref<50x256xbf16, #tpu.memory_space<vmem>>, %arg13: memref<50x256xbf16, #tpu.memory_space<vmem>>, %arg14: memref<!tpu.dma_semaphore, #tpu.memory_space<semaphore_mem>>, %arg15: memref<!tpu.dma_semaphore, #tpu.memory_space<semaphore_mem>>, %arg16: memref<!tpu.dma_semaphore, #tpu.memory_space<semaphore_mem>>, %arg17: memref<!tpu.dma_semaphore, #tpu.memory_space<semaphore_mem>>) attributes {dimension_semantics = [#tpu.dimension_semantics<core_parallel>, #tpu.dimension_semantics<subcore_parallel>], iteration_bounds = array<i64: 2, 16>, scalar_prefetch = 0 : i64, scratch_operands = 11 : i64, tpu.core_type = #tpu.core_type<sc_vector_subcore>, window_params = [{transform_indices = #map}, {transform_indices = #map1}, {transform_indices = #map1}, {transform_indices = #map}, {transform_indices = #map2}]} {
    "tpu.region"() ({
      %run_scoped3A = tpu.sem_alloc : memref<!tpu.dma_semaphore, #tpu.memory_space<semaphore_mem>>
      %dma_start3A_38 = arith.constant 0 : i32
      %dma_start3A_39 = arith.constant 0 : i32
      %dma_start3A_40 = tpu.memref_slice %arg3[%arg0, %arg1, %dma_start3A_38, %dma_start3A_39] : memref<2x16x100x50xi32, #tpu.memory_space<hbm>> -> memref<1x1x100x50xi32, #tpu.memory_space<hbm>>
      %dma_start3A_41 = tpu.memref_squeeze %dma_start3A_40 : memref<1x1x100x50xi32, #tpu.memory_space<hbm>> -> memref<100x50xi32, #tpu.memory_space<hbm>>
      %dma_start3A_42 = arith.constant 0 : i32
      %dma_start3A_43 = arith.constant 0 : i32
      %dma_start3A_44 = tpu.memref_slice %arg3[%arg0, %arg1, %dma_start3A_42, %dma_start3A_43] : memref<2x16x100x50xi32, #tpu.memory_space<hbm>> -> memref<1x1x100x50xi32, #tpu.memory_space<hbm>>
      %dma_start3A_45 = tpu.memref_squeeze %dma_start3A_44 : memref<1x1x100x50xi32, #tpu.memory_space<hbm>> -> memref<100x50xi32, #tpu.memory_space<hbm>>
      tpu.enqueue_dma source(%dma_start3A_45 : memref<100x50xi32, #tpu.memory_space<hbm>>) target(%arg8 : memref<100x50xi32, #tpu.memory_space<vmem>>) target_semaphore(%run_scoped3A : memref<!tpu.dma_semaphore, #tpu.memory_space<semaphore_mem>>)
      %dma_wait3A = arith.constant 0 : i32
      %dma_wait3A_46 = arith.constant 0 : i32
      %dma_wait3A_47 = tpu.memref_slice %arg3[%arg0, %arg1, %dma_wait3A, %dma_wait3A_46] : memref<2x16x100x50xi32, #tpu.memory_space<hbm>> -> memref<1x1x100x50xi32, #tpu.memory_space<hbm>>
      %dma_wait3A_48 = tpu.memref_squeeze %dma_wait3A_47 : memref<1x1x100x50xi32, #tpu.memory_space<hbm>> -> memref<100x50xi32, #tpu.memory_space<hbm>>
      %dma_wait3A_49 = arith.constant 0 : i32
      %dma_wait3A_50 = arith.constant 0 : i32
      %dma_wait3A_51 = tpu.memref_slice %arg3[%arg0, %arg1, %dma_wait3A_49, %dma_wait3A_50] : memref<2x16x100x50xi32, #tpu.memory_space<hbm>> -> memref<1x1x100x50xi32, #tpu.memory_space<hbm>>
      %dma_wait3A_52 = tpu.memref_squeeze %dma_wait3A_51 : memref<1x1x100x50xi32, #tpu.memory_space<hbm>> -> memref<100x50xi32, #tpu.memory_space<hbm>>
      tpu.wait_dma2 semaphore(%run_scoped3A : memref<!tpu.dma_semaphore, #tpu.memory_space<semaphore_mem>>) src(%dma_wait3A_52 : memref<100x50xi32, #tpu.memory_space<hbm>>) dst(%arg8 : memref<100x50xi32, #tpu.memory_space<vmem>>)
      tpu.yield
    }) : () -> ()
    "tpu.region"() ({
      %run_scoped3A = tpu.sem_alloc : memref<!tpu.dma_semaphore, #tpu.memory_space<semaphore_mem>>
      %dma_start3A_38 = arith.constant 0 : i32
      %dma_start3A_39 = arith.constant 0 : i32
      %dma_start3A_40 = tpu.memref_slice %arg4[%arg0, %arg1, %dma_start3A_38, %dma_start3A_39] : memref<2x16x100x50xi32, #tpu.memory_space<hbm>> -> memref<1x1x100x50xi32, #tpu.memory_space<hbm>>
      %dma_start3A_41 = tpu.memref_squeeze %dma_start3A_40 : memref<1x1x100x50xi32, #tpu.memory_space<hbm>> -> memref<100x50xi32, #tpu.memory_space<hbm>>
      %dma_start3A_42 = arith.constant 0 : i32
      %dma_start3A_43 = arith.constant 0 : i32
      %dma_start3A_44 = tpu.memref_slice %arg4[%arg0, %arg1, %dma_start3A_42, %dma_start3A_43] : memref<2x16x100x50xi32, #tpu.memory_space<hbm>> -> memref<1x1x100x50xi32, #tpu.memory_space<hbm>>
      %dma_start3A_45 = tpu.memref_squeeze %dma_start3A_44 : memref<1x1x100x50xi32, #tpu.memory_space<hbm>> -> memref<100x50xi32, #tpu.memory_space<hbm>>
      tpu.enqueue_dma source(%dma_start3A_45 : memref<100x50xi32, #tpu.memory_space<hbm>>) target(%arg9 : memref<100x50xi32, #tpu.memory_space<vmem>>) target_semaphore(%run_scoped3A : memref<!tpu.dma_semaphore, #tpu.memory_space<semaphore_mem>>)
      %dma_wait3A = arith.constant 0 : i32
      %dma_wait3A_46 = arith.constant 0 : i32
      %dma_wait3A_47 = tpu.memref_slice %arg4[%arg0, %arg1, %dma_wait3A, %dma_wait3A_46] : memref<2x16x100x50xi32, #tpu.memory_space<hbm>> -> memref<1x1x100x50xi32, #tpu.memory_space<hbm>>
      %dma_wait3A_48 = tpu.memref_squeeze %dma_wait3A_47 : memref<1x1x100x50xi32, #tpu.memory_space<hbm>> -> memref<100x50xi32, #tpu.memory_space<hbm>>
      %dma_wait3A_49 = arith.constant 0 : i32
      %dma_wait3A_50 = arith.constant 0 : i32
      %dma_wait3A_51 = tpu.memref_slice %arg4[%arg0, %arg1, %dma_wait3A_49, %dma_wait3A_50] : memref<2x16x100x50xi32, #tpu.memory_space<hbm>> -> memref<1x1x100x50xi32, #tpu.memory_space<hbm>>
      %dma_wait3A_52 = tpu.memref_squeeze %dma_wait3A_51 : memref<1x1x100x50xi32, #tpu.memory_space<hbm>> -> memref<100x50xi32, #tpu.memory_space<hbm>>
      tpu.wait_dma2 semaphore(%run_scoped3A : memref<!tpu.dma_semaphore, #tpu.memory_space<semaphore_mem>>) src(%dma_wait3A_52 : memref<100x50xi32, #tpu.memory_space<hbm>>) dst(%arg9 : memref<100x50xi32, #tpu.memory_space<vmem>>)
      tpu.yield
    }) : () -> ()
    %dma_start3A = arith.constant 0 : i32
    %dma_start3A_0 = arith.constant 0 : i32
    %dma_start3A_1 = tpu.memref_slice %arg8[%dma_start3A, %dma_start3A_0] : memref<100x50xi32, #tpu.memory_space<vmem>> -> memref<1x50xi32, #tpu.memory_space<vmem>>
    %dma_start3A_2 = tpu.memref_squeeze %dma_start3A_1 : memref<1x50xi32, #tpu.memory_space<vmem>> -> memref<50xi32, #tpu.memory_space<vmem>>
    %dma_start3A_3 = arith.constant 0 : i32
    %dma_start3A_4 = arith.constant 0 : i32
    %dma_start3A_5 = tpu.memref_slice %arg2[%dma_start3A_3, %dma_start3A_4] : memref<10000x256xbf16, #tpu.memory_space<hbm>> -> memref<10000x256xbf16, #tpu.memory_space<hbm>>
    tpu.enqueue_indirect_dma source(%dma_start3A_5 : memref<10000x256xbf16, #tpu.memory_space<hbm>>) target(%arg10 : memref<50x256xbf16, #tpu.memory_space<vmem>>) offsets(%dma_start3A_2 : memref<50xi32, #tpu.memory_space<vmem>>) semaphore(%arg14 : memref<!tpu.dma_semaphore, #tpu.memory_space<semaphore_mem>>)
    %dma_start3A_6 = arith.constant 1 : i32
    %dma_start3A_7 = arith.constant 0 : i32
    %dma_start3A_8 = tpu.memref_slice %arg8[%dma_start3A_6, %dma_start3A_7] : memref<100x50xi32, #tpu.memory_space<vmem>> -> memref<1x50xi32, #tpu.memory_space<vmem>>
    %dma_start3A_9 = tpu.memref_squeeze %dma_start3A_8 : memref<1x50xi32, #tpu.memory_space<vmem>> -> memref<50xi32, #tpu.memory_space<vmem>>
    %dma_start3A_10 = arith.constant 0 : i32
    %dma_start3A_11 = arith.constant 0 : i32
    %dma_start3A_12 = tpu.memref_slice %arg2[%dma_start3A_10, %dma_start3A_11] : memref<10000x256xbf16, #tpu.memory_space<hbm>> -> memref<10000x256xbf16, #tpu.memory_space<hbm>>
    tpu.enqueue_indirect_dma source(%dma_start3A_12 : memref<10000x256xbf16, #tpu.memory_space<hbm>>) target(%arg11 : memref<50x256xbf16, #tpu.memory_space<vmem>>) offsets(%dma_start3A_9 : memref<50xi32, #tpu.memory_space<vmem>>) semaphore(%arg15 : memref<!tpu.dma_semaphore, #tpu.memory_space<semaphore_mem>>)
    %dma_start3A_13 = arith.constant 2 : i32
    %dma_start3A_14 = arith.constant 0 : i32
    %dma_start3A_15 = tpu.memref_slice %arg8[%dma_start3A_13, %dma_start3A_14] : memref<100x50xi32, #tpu.memory_space<vmem>> -> memref<1x50xi32, #tpu.memory_space<vmem>>
    %dma_start3A_16 = tpu.memref_squeeze %dma_start3A_15 : memref<1x50xi32, #tpu.memory_space<vmem>> -> memref<50xi32, #tpu.memory_space<vmem>>
    %dma_start3A_17 = arith.constant 0 : i32
    %dma_start3A_18 = arith.constant 0 : i32
    %dma_start3A_19 = tpu.memref_slice %arg2[%dma_start3A_17, %dma_start3A_18] : memref<10000x256xbf16, #tpu.memory_space<hbm>> -> memref<10000x256xbf16, #tpu.memory_space<hbm>>
    tpu.enqueue_indirect_dma source(%dma_start3A_19 : memref<10000x256xbf16, #tpu.memory_space<hbm>>) target(%arg12 : memref<50x256xbf16, #tpu.memory_space<vmem>>) offsets(%dma_start3A_16 : memref<50xi32, #tpu.memory_space<vmem>>) semaphore(%arg16 : memref<!tpu.dma_semaphore, #tpu.memory_space<semaphore_mem>>)
    %dma_start3A_20 = arith.constant 3 : i32
    %dma_start3A_21 = arith.constant 0 : i32
    %dma_start3A_22 = tpu.memref_slice %arg8[%dma_start3A_20, %dma_start3A_21] : memref<100x50xi32, #tpu.memory_space<vmem>> -> memref<1x50xi32, #tpu.memory_space<vmem>>
    %dma_start3A_23 = tpu.memref_squeeze %dma_start3A_22 : memref<1x50xi32, #tpu.memory_space<vmem>> -> memref<50xi32, #tpu.memory_space<vmem>>
    %dma_start3A_24 = arith.constant 0 : i32
    %dma_start3A_25 = arith.constant 0 : i32
    %dma_start3A_26 = tpu.memref_slice %arg2[%dma_start3A_24, %dma_start3A_25] : memref<10000x256xbf16, #tpu.memory_space<hbm>> -> memref<10000x256xbf16, #tpu.memory_space<hbm>>
    tpu.enqueue_indirect_dma source(%dma_start3A_26 : memref<10000x256xbf16, #tpu.memory_space<hbm>>) target(%arg13 : memref<50x256xbf16, #tpu.memory_space<vmem>>) offsets(%dma_start3A_23 : memref<50xi32, #tpu.memory_space<vmem>>) semaphore(%arg17 : memref<!tpu.dma_semaphore, #tpu.memory_space<semaphore_mem>>)
    %mul3A = arith.constant 640 : i32
    %mul3A_27 = arith.muli %arg1, %mul3A : i32
    "tpu.region"() ({
      %run_scoped3A = tpu.sem_alloc : memref<!tpu.dma_semaphore, #tpu.memory_space<semaphore_mem>>
      %dma_start3A_38 = arith.constant 0 : i32
      %dma_start3A_39 = tpu.memref_slice %arg7[%mul3A_27, %dma_start3A_38] : memref<10240x256xbf16, #tpu.memory_space<vmem_shared>> -> memref<640x256xbf16, #tpu.memory_space<vmem_shared>>
      tpu.enqueue_dma source(%arg5 : memref<640x256xbf16, #tpu.memory_space<hbm>>) target(%dma_start3A_39 : memref<640x256xbf16, #tpu.memory_space<vmem_shared>>) target_semaphore(%run_scoped3A : memref<!tpu.dma_semaphore, #tpu.memory_space<semaphore_mem>>)
      %dma_wait3A = arith.constant 0 : i32
      %dma_wait3A_40 = tpu.memref_slice %arg7[%mul3A_27, %dma_wait3A] : memref<10240x256xbf16, #tpu.memory_space<vmem_shared>> -> memref<640x256xbf16, #tpu.memory_space<vmem_shared>>
      tpu.wait_dma2 semaphore(%run_scoped3A : memref<!tpu.dma_semaphore, #tpu.memory_space<semaphore_mem>>) src(%arg5 : memref<640x256xbf16, #tpu.memory_space<hbm>>) dst(%dma_wait3A_40 : memref<640x256xbf16, #tpu.memory_space<vmem_shared>>)
      tpu.yield
    }) : () -> ()
    %barrier3A = arith.constant 0 : index
    tpu.barrier barrier_id(%barrier3A)
    %scan3A = arith.constant 0 : i32
    %scan3A_28 = arith.constant 0 : i32
    %scan3A_29 = arith.constant 25 : i32
    %scan3A_30 = arith.addi %scan3A_28, %scan3A_29 : i32
    %scan3A_31 = arith.constant 1 : i32
    scf.for %scan3A_38 = %scan3A_28 to %scan3A_30 step %scan3A_31  : i32 {
      %mul3A_39 = arith.constant 4 : i32
      %mul3A_40 = arith.muli %mul3A_39, %scan3A_38 : i32
      %add3A = arith.constant 0 : i32
      %add3A_41 = arith.addi %mul3A_40, %add3A : i32
      %dma_wait3A = arith.constant 0 : i32
      %dma_wait3A_42 = tpu.memref_slice %arg8[%add3A_41, %dma_wait3A] : memref<100x50xi32, #tpu.memory_space<vmem>> -> memref<1x50xi32, #tpu.memory_space<vmem>>
      %dma_wait3A_43 = tpu.memref_squeeze %dma_wait3A_42 : memref<1x50xi32, #tpu.memory_space<vmem>> -> memref<50xi32, #tpu.memory_space<vmem>>
      %dma_wait3A_44 = arith.constant 0 : i32
      %dma_wait3A_45 = arith.constant 0 : i32
      %dma_wait3A_46 = tpu.memref_slice %arg2[%dma_wait3A_44, %dma_wait3A_45] : memref<10000x256xbf16, #tpu.memory_space<hbm>> -> memref<10000x256xbf16, #tpu.memory_space<hbm>>
      tpu.wait_indirect_dma semaphore(%arg14 : memref<!tpu.dma_semaphore, #tpu.memory_space<semaphore_mem>>) src(%dma_wait3A_46 : memref<10000x256xbf16, #tpu.memory_space<hbm>>) dst(%arg10 : memref<50x256xbf16, #tpu.memory_space<vmem>>)
      "tpu.region"() ({
        %run_scoped3A = tpu.sem_alloc : memref<!tpu.dma_semaphore, #tpu.memory_space<semaphore_mem>>
        %dma_start3A_88 = arith.constant 0 : i32
        %dma_start3A_89 = tpu.memref_slice %arg9[%add3A_41, %dma_start3A_88] : memref<100x50xi32, #tpu.memory_space<vmem>> -> memref<1x50xi32, #tpu.memory_space<vmem>>
        %dma_start3A_90 = tpu.memref_squeeze %dma_start3A_89 : memref<1x50xi32, #tpu.memory_space<vmem>> -> memref<50xi32, #tpu.memory_space<vmem>>
        %dma_start3A_91 = arith.constant 0 : i32
        %dma_start3A_92 = arith.constant 0 : i32
        %dma_start3A_93 = tpu.memref_slice %arg7[%dma_start3A_91, %dma_start3A_92] : memref<10240x256xbf16, #tpu.memory_space<vmem_shared>> -> memref<10240x256xbf16, #tpu.memory_space<vmem_shared>>
        tpu.enqueue_indirect_dma source(%arg10 : memref<50x256xbf16, #tpu.memory_space<vmem>>) target(%dma_start3A_93 : memref<10240x256xbf16, #tpu.memory_space<vmem_shared>>) offsets(%dma_start3A_90 : memref<50xi32, #tpu.memory_space<vmem>>) semaphore(%run_scoped3A : memref<!tpu.dma_semaphore, #tpu.memory_space<semaphore_mem>>) {add = true}
        %dma_wait3A_94 = arith.constant 0 : i32
        %dma_wait3A_95 = tpu.memref_slice %arg9[%add3A_41, %dma_wait3A_94] : memref<100x50xi32, #tpu.memory_space<vmem>> -> memref<1x50xi32, #tpu.memory_space<vmem>>
        %dma_wait3A_96 = tpu.memref_squeeze %dma_wait3A_95 : memref<1x50xi32, #tpu.memory_space<vmem>> -> memref<50xi32, #tpu.memory_space<vmem>>
        %dma_wait3A_97 = arith.constant 0 : i32
        %dma_wait3A_98 = arith.constant 0 : i32
        %dma_wait3A_99 = tpu.memref_slice %arg7[%dma_wait3A_97, %dma_wait3A_98] : memref<10240x256xbf16, #tpu.memory_space<vmem_shared>> -> memref<10240x256xbf16, #tpu.memory_space<vmem_shared>>
        tpu.wait_indirect_dma semaphore(%run_scoped3A : memref<!tpu.dma_semaphore, #tpu.memory_space<semaphore_mem>>) src(%arg10 : memref<50x256xbf16, #tpu.memory_space<vmem>>) dst(%dma_wait3A_99 : memref<10240x256xbf16, #tpu.memory_space<vmem_shared>>)
        tpu.yield
      }) : () -> ()
      %lt3A = arith.constant 24 : i32
      %lt3A_47 = arith.cmpi slt, %scan3A_38, %lt3A : i32
      %convert_element_type3A = arith.extui %lt3A_47 : i1 to i32
      %cond3A = arith.constant 0 : i32
      %cond3A_48 = arith.cmpi ne, %convert_element_type3A, %cond3A : i32
      scf.if %cond3A_48 {
        %add3A_88 = arith.constant 4 : i32
        %add3A_89 = arith.addi %add3A_41, %add3A_88 : i32
        %dma_start3A_90 = arith.constant 0 : i32
        %dma_start3A_91 = tpu.memref_slice %arg8[%add3A_89, %dma_start3A_90] : memref<100x50xi32, #tpu.memory_space<vmem>> -> memref<1x50xi32, #tpu.memory_space<vmem>>
        %dma_start3A_92 = tpu.memref_squeeze %dma_start3A_91 : memref<1x50xi32, #tpu.memory_space<vmem>> -> memref<50xi32, #tpu.memory_space<vmem>>
        %dma_start3A_93 = arith.constant 0 : i32
        %dma_start3A_94 = arith.constant 0 : i32
        %dma_start3A_95 = tpu.memref_slice %arg2[%dma_start3A_93, %dma_start3A_94] : memref<10000x256xbf16, #tpu.memory_space<hbm>> -> memref<10000x256xbf16, #tpu.memory_space<hbm>>
        tpu.enqueue_indirect_dma source(%dma_start3A_95 : memref<10000x256xbf16, #tpu.memory_space<hbm>>) target(%arg10 : memref<50x256xbf16, #tpu.memory_space<vmem>>) offsets(%dma_start3A_92 : memref<50xi32, #tpu.memory_space<vmem>>) semaphore(%arg14 : memref<!tpu.dma_semaphore, #tpu.memory_space<semaphore_mem>>)
      } else {
      }
      %add3A_49 = arith.constant 1 : i32
      %add3A_50 = arith.addi %mul3A_40, %add3A_49 : i32
      %dma_wait3A_51 = arith.constant 0 : i32
      %dma_wait3A_52 = tpu.memref_slice %arg8[%add3A_50, %dma_wait3A_51] : memref<100x50xi32, #tpu.memory_space<vmem>> -> memref<1x50xi32, #tpu.memory_space<vmem>>
      %dma_wait3A_53 = tpu.memref_squeeze %dma_wait3A_52 : memref<1x50xi32, #tpu.memory_space<vmem>> -> memref<50xi32, #tpu.memory_space<vmem>>
      %dma_wait3A_54 = arith.constant 0 : i32
      %dma_wait3A_55 = arith.constant 0 : i32
      %dma_wait3A_56 = tpu.memref_slice %arg2[%dma_wait3A_54, %dma_wait3A_55] : memref<10000x256xbf16, #tpu.memory_space<hbm>> -> memref<10000x256xbf16, #tpu.memory_space<hbm>>
      tpu.wait_indirect_dma semaphore(%arg15 : memref<!tpu.dma_semaphore, #tpu.memory_space<semaphore_mem>>) src(%dma_wait3A_56 : memref<10000x256xbf16, #tpu.memory_space<hbm>>) dst(%arg11 : memref<50x256xbf16, #tpu.memory_space<vmem>>)
      "tpu.region"() ({
        %run_scoped3A = tpu.sem_alloc : memref<!tpu.dma_semaphore, #tpu.memory_space<semaphore_mem>>
        %dma_start3A_88 = arith.constant 0 : i32
        %dma_start3A_89 = tpu.memref_slice %arg9[%add3A_50, %dma_start3A_88] : memref<100x50xi32, #tpu.memory_space<vmem>> -> memref<1x50xi32, #tpu.memory_space<vmem>>
        %dma_start3A_90 = tpu.memref_squeeze %dma_start3A_89 : memref<1x50xi32, #tpu.memory_space<vmem>> -> memref<50xi32, #tpu.memory_space<vmem>>
        %dma_start3A_91 = arith.constant 0 : i32
        %dma_start3A_92 = arith.constant 0 : i32
        %dma_start3A_93 = tpu.memref_slice %arg7[%dma_start3A_91, %dma_start3A_92] : memref<10240x256xbf16, #tpu.memory_space<vmem_shared>> -> memref<10240x256xbf16, #tpu.memory_space<vmem_shared>>
        tpu.enqueue_indirect_dma source(%arg11 : memref<50x256xbf16, #tpu.memory_space<vmem>>) target(%dma_start3A_93 : memref<10240x256xbf16, #tpu.memory_space<vmem_shared>>) offsets(%dma_start3A_90 : memref<50xi32, #tpu.memory_space<vmem>>) semaphore(%run_scoped3A : memref<!tpu.dma_semaphore, #tpu.memory_space<semaphore_mem>>) {add = true}
        %dma_wait3A_94 = arith.constant 0 : i32
        %dma_wait3A_95 = tpu.memref_slice %arg9[%add3A_50, %dma_wait3A_94] : memref<100x50xi32, #tpu.memory_space<vmem>> -> memref<1x50xi32, #tpu.memory_space<vmem>>
        %dma_wait3A_96 = tpu.memref_squeeze %dma_wait3A_95 : memref<1x50xi32, #tpu.memory_space<vmem>> -> memref<50xi32, #tpu.memory_space<vmem>>
        %dma_wait3A_97 = arith.constant 0 : i32
        %dma_wait3A_98 = arith.constant 0 : i32
        %dma_wait3A_99 = tpu.memref_slice %arg7[%dma_wait3A_97, %dma_wait3A_98] : memref<10240x256xbf16, #tpu.memory_space<vmem_shared>> -> memref<10240x256xbf16, #tpu.memory_space<vmem_shared>>
        tpu.wait_indirect_dma semaphore(%run_scoped3A : memref<!tpu.dma_semaphore, #tpu.memory_space<semaphore_mem>>) src(%arg11 : memref<50x256xbf16, #tpu.memory_space<vmem>>) dst(%dma_wait3A_99 : memref<10240x256xbf16, #tpu.memory_space<vmem_shared>>)
        tpu.yield
      }) : () -> ()
      %lt3A_57 = arith.constant 24 : i32
      %lt3A_58 = arith.cmpi slt, %scan3A_38, %lt3A_57 : i32
      %convert_element_type3A_59 = arith.extui %lt3A_58 : i1 to i32
      %cond3A_60 = arith.constant 0 : i32
      %cond3A_61 = arith.cmpi ne, %convert_element_type3A_59, %cond3A_60 : i32
      scf.if %cond3A_61 {
        %add3A_88 = arith.constant 4 : i32
        %add3A_89 = arith.addi %add3A_50, %add3A_88 : i32
        %dma_start3A_90 = arith.constant 0 : i32
        %dma_start3A_91 = tpu.memref_slice %arg8[%add3A_89, %dma_start3A_90] : memref<100x50xi32, #tpu.memory_space<vmem>> -> memref<1x50xi32, #tpu.memory_space<vmem>>
        %dma_start3A_92 = tpu.memref_squeeze %dma_start3A_91 : memref<1x50xi32, #tpu.memory_space<vmem>> -> memref<50xi32, #tpu.memory_space<vmem>>
        %dma_start3A_93 = arith.constant 0 : i32
        %dma_start3A_94 = arith.constant 0 : i32
        %dma_start3A_95 = tpu.memref_slice %arg2[%dma_start3A_93, %dma_start3A_94] : memref<10000x256xbf16, #tpu.memory_space<hbm>> -> memref<10000x256xbf16, #tpu.memory_space<hbm>>
        tpu.enqueue_indirect_dma source(%dma_start3A_95 : memref<10000x256xbf16, #tpu.memory_space<hbm>>) target(%arg11 : memref<50x256xbf16, #tpu.memory_space<vmem>>) offsets(%dma_start3A_92 : memref<50xi32, #tpu.memory_space<vmem>>) semaphore(%arg15 : memref<!tpu.dma_semaphore, #tpu.memory_space<semaphore_mem>>)
      } else {
      }
      %add3A_62 = arith.constant 2 : i32
      %add3A_63 = arith.addi %mul3A_40, %add3A_62 : i32
      %dma_wait3A_64 = arith.constant 0 : i32
      %dma_wait3A_65 = tpu.memref_slice %arg8[%add3A_63, %dma_wait3A_64] : memref<100x50xi32, #tpu.memory_space<vmem>> -> memref<1x50xi32, #tpu.memory_space<vmem>>
      %dma_wait3A_66 = tpu.memref_squeeze %dma_wait3A_65 : memref<1x50xi32, #tpu.memory_space<vmem>> -> memref<50xi32, #tpu.memory_space<vmem>>
      %dma_wait3A_67 = arith.constant 0 : i32
      %dma_wait3A_68 = arith.constant 0 : i32
      %dma_wait3A_69 = tpu.memref_slice %arg2[%dma_wait3A_67, %dma_wait3A_68] : memref<10000x256xbf16, #tpu.memory_space<hbm>> -> memref<10000x256xbf16, #tpu.memory_space<hbm>>
      tpu.wait_indirect_dma semaphore(%arg16 : memref<!tpu.dma_semaphore, #tpu.memory_space<semaphore_mem>>) src(%dma_wait3A_69 : memref<10000x256xbf16, #tpu.memory_space<hbm>>) dst(%arg12 : memref<50x256xbf16, #tpu.memory_space<vmem>>)
      "tpu.region"() ({
        %run_scoped3A = tpu.sem_alloc : memref<!tpu.dma_semaphore, #tpu.memory_space<semaphore_mem>>
        %dma_start3A_88 = arith.constant 0 : i32
        %dma_start3A_89 = tpu.memref_slice %arg9[%add3A_63, %dma_start3A_88] : memref<100x50xi32, #tpu.memory_space<vmem>> -> memref<1x50xi32, #tpu.memory_space<vmem>>
        %dma_start3A_90 = tpu.memref_squeeze %dma_start3A_89 : memref<1x50xi32, #tpu.memory_space<vmem>> -> memref<50xi32, #tpu.memory_space<vmem>>
        %dma_start3A_91 = arith.constant 0 : i32
        %dma_start3A_92 = arith.constant 0 : i32
        %dma_start3A_93 = tpu.memref_slice %arg7[%dma_start3A_91, %dma_start3A_92] : memref<10240x256xbf16, #tpu.memory_space<vmem_shared>> -> memref<10240x256xbf16, #tpu.memory_space<vmem_shared>>
        tpu.enqueue_indirect_dma source(%arg12 : memref<50x256xbf16, #tpu.memory_space<vmem>>) target(%dma_start3A_93 : memref<10240x256xbf16, #tpu.memory_space<vmem_shared>>) offsets(%dma_start3A_90 : memref<50xi32, #tpu.memory_space<vmem>>) semaphore(%run_scoped3A : memref<!tpu.dma_semaphore, #tpu.memory_space<semaphore_mem>>) {add = true}
        %dma_wait3A_94 = arith.constant 0 : i32
        %dma_wait3A_95 = tpu.memref_slice %arg9[%add3A_63, %dma_wait3A_94] : memref<100x50xi32, #tpu.memory_space<vmem>> -> memref<1x50xi32, #tpu.memory_space<vmem>>
        %dma_wait3A_96 = tpu.memref_squeeze %dma_wait3A_95 : memref<1x50xi32, #tpu.memory_space<vmem>> -> memref<50xi32, #tpu.memory_space<vmem>>
        %dma_wait3A_97 = arith.constant 0 : i32
        %dma_wait3A_98 = arith.constant 0 : i32
        %dma_wait3A_99 = tpu.memref_slice %arg7[%dma_wait3A_97, %dma_wait3A_98] : memref<10240x256xbf16, #tpu.memory_space<vmem_shared>> -> memref<10240x256xbf16, #tpu.memory_space<vmem_shared>>
        tpu.wait_indirect_dma semaphore(%run_scoped3A : memref<!tpu.dma_semaphore, #tpu.memory_space<semaphore_mem>>) src(%arg12 : memref<50x256xbf16, #tpu.memory_space<vmem>>) dst(%dma_wait3A_99 : memref<10240x256xbf16, #tpu.memory_space<vmem_shared>>)
        tpu.yield
      }) : () -> ()
      %lt3A_70 = arith.constant 24 : i32
      %lt3A_71 = arith.cmpi slt, %scan3A_38, %lt3A_70 : i32
      %convert_element_type3A_72 = arith.extui %lt3A_71 : i1 to i32
      %cond3A_73 = arith.constant 0 : i32
      %cond3A_74 = arith.cmpi ne, %convert_element_type3A_72, %cond3A_73 : i32
      scf.if %cond3A_74 {
        %add3A_88 = arith.constant 4 : i32
        %add3A_89 = arith.addi %add3A_63, %add3A_88 : i32
        %dma_start3A_90 = arith.constant 0 : i32
        %dma_start3A_91 = tpu.memref_slice %arg8[%add3A_89, %dma_start3A_90] : memref<100x50xi32, #tpu.memory_space<vmem>> -> memref<1x50xi32, #tpu.memory_space<vmem>>
        %dma_start3A_92 = tpu.memref_squeeze %dma_start3A_91 : memref<1x50xi32, #tpu.memory_space<vmem>> -> memref<50xi32, #tpu.memory_space<vmem>>
        %dma_start3A_93 = arith.constant 0 : i32
        %dma_start3A_94 = arith.constant 0 : i32
        %dma_start3A_95 = tpu.memref_slice %arg2[%dma_start3A_93, %dma_start3A_94] : memref<10000x256xbf16, #tpu.memory_space<hbm>> -> memref<10000x256xbf16, #tpu.memory_space<hbm>>
        tpu.enqueue_indirect_dma source(%dma_start3A_95 : memref<10000x256xbf16, #tpu.memory_space<hbm>>) target(%arg12 : memref<50x256xbf16, #tpu.memory_space<vmem>>) offsets(%dma_start3A_92 : memref<50xi32, #tpu.memory_space<vmem>>) semaphore(%arg16 : memref<!tpu.dma_semaphore, #tpu.memory_space<semaphore_mem>>)
      } else {
      }
      %add3A_75 = arith.constant 3 : i32
      %add3A_76 = arith.addi %mul3A_40, %add3A_75 : i32
      %dma_wait3A_77 = arith.constant 0 : i32
      %dma_wait3A_78 = tpu.memref_slice %arg8[%add3A_76, %dma_wait3A_77] : memref<100x50xi32, #tpu.memory_space<vmem>> -> memref<1x50xi32, #tpu.memory_space<vmem>>
      %dma_wait3A_79 = tpu.memref_squeeze %dma_wait3A_78 : memref<1x50xi32, #tpu.memory_space<vmem>> -> memref<50xi32, #tpu.memory_space<vmem>>
      %dma_wait3A_80 = arith.constant 0 : i32
      %dma_wait3A_81 = arith.constant 0 : i32
      %dma_wait3A_82 = tpu.memref_slice %arg2[%dma_wait3A_80, %dma_wait3A_81] : memref<10000x256xbf16, #tpu.memory_space<hbm>> -> memref<10000x256xbf16, #tpu.memory_space<hbm>>
      tpu.wait_indirect_dma semaphore(%arg17 : memref<!tpu.dma_semaphore, #tpu.memory_space<semaphore_mem>>) src(%dma_wait3A_82 : memref<10000x256xbf16, #tpu.memory_space<hbm>>) dst(%arg13 : memref<50x256xbf16, #tpu.memory_space<vmem>>)
      "tpu.region"() ({
        %run_scoped3A = tpu.sem_alloc : memref<!tpu.dma_semaphore, #tpu.memory_space<semaphore_mem>>
        %dma_start3A_88 = arith.constant 0 : i32
        %dma_start3A_89 = tpu.memref_slice %arg9[%add3A_76, %dma_start3A_88] : memref<100x50xi32, #tpu.memory_space<vmem>> -> memref<1x50xi32, #tpu.memory_space<vmem>>
        %dma_start3A_90 = tpu.memref_squeeze %dma_start3A_89 : memref<1x50xi32, #tpu.memory_space<vmem>> -> memref<50xi32, #tpu.memory_space<vmem>>
        %dma_start3A_91 = arith.constant 0 : i32
        %dma_start3A_92 = arith.constant 0 : i32
        %dma_start3A_93 = tpu.memref_slice %arg7[%dma_start3A_91, %dma_start3A_92] : memref<10240x256xbf16, #tpu.memory_space<vmem_shared>> -> memref<10240x256xbf16, #tpu.memory_space<vmem_shared>>
        tpu.enqueue_indirect_dma source(%arg13 : memref<50x256xbf16, #tpu.memory_space<vmem>>) target(%dma_start3A_93 : memref<10240x256xbf16, #tpu.memory_space<vmem_shared>>) offsets(%dma_start3A_90 : memref<50xi32, #tpu.memory_space<vmem>>) semaphore(%run_scoped3A : memref<!tpu.dma_semaphore, #tpu.memory_space<semaphore_mem>>) {add = true}
        %dma_wait3A_94 = arith.constant 0 : i32
        %dma_wait3A_95 = tpu.memref_slice %arg9[%add3A_76, %dma_wait3A_94] : memref<100x50xi32, #tpu.memory_space<vmem>> -> memref<1x50xi32, #tpu.memory_space<vmem>>
        %dma_wait3A_96 = tpu.memref_squeeze %dma_wait3A_95 : memref<1x50xi32, #tpu.memory_space<vmem>> -> memref<50xi32, #tpu.memory_space<vmem>>
        %dma_wait3A_97 = arith.constant 0 : i32
        %dma_wait3A_98 = arith.constant 0 : i32
        %dma_wait3A_99 = tpu.memref_slice %arg7[%dma_wait3A_97, %dma_wait3A_98] : memref<10240x256xbf16, #tpu.memory_space<vmem_shared>> -> memref<10240x256xbf16, #tpu.memory_space<vmem_shared>>
        tpu.wait_indirect_dma semaphore(%run_scoped3A : memref<!tpu.dma_semaphore, #tpu.memory_space<semaphore_mem>>) src(%arg13 : memref<50x256xbf16, #tpu.memory_space<vmem>>) dst(%dma_wait3A_99 : memref<10240x256xbf16, #tpu.memory_space<vmem_shared>>)
        tpu.yield
      }) : () -> ()
      %lt3A_83 = arith.constant 24 : i32
      %lt3A_84 = arith.cmpi slt, %scan3A_38, %lt3A_83 : i32
      %convert_element_type3A_85 = arith.extui %lt3A_84 : i1 to i32
      %cond3A_86 = arith.constant 0 : i32
      %cond3A_87 = arith.cmpi ne, %convert_element_type3A_85, %cond3A_86 : i32
      scf.if %cond3A_87 {
        %add3A_88 = arith.constant 4 : i32
        %add3A_89 = arith.addi %add3A_76, %add3A_88 : i32
        %dma_start3A_90 = arith.constant 0 : i32
        %dma_start3A_91 = tpu.memref_slice %arg8[%add3A_89, %dma_start3A_90] : memref<100x50xi32, #tpu.memory_space<vmem>> -> memref<1x50xi32, #tpu.memory_space<vmem>>
        %dma_start3A_92 = tpu.memref_squeeze %dma_start3A_91 : memref<1x50xi32, #tpu.memory_space<vmem>> -> memref<50xi32, #tpu.memory_space<vmem>>
        %dma_start3A_93 = arith.constant 0 : i32
        %dma_start3A_94 = arith.constant 0 : i32
        %dma_start3A_95 = tpu.memref_slice %arg2[%dma_start3A_93, %dma_start3A_94] : memref<10000x256xbf16, #tpu.memory_space<hbm>> -> memref<10000x256xbf16, #tpu.memory_space<hbm>>
        tpu.enqueue_indirect_dma source(%dma_start3A_95 : memref<10000x256xbf16, #tpu.memory_space<hbm>>) target(%arg13 : memref<50x256xbf16, #tpu.memory_space<vmem>>) offsets(%dma_start3A_92 : memref<50xi32, #tpu.memory_space<vmem>>) semaphore(%arg17 : memref<!tpu.dma_semaphore, #tpu.memory_space<semaphore_mem>>)
      } else {
      }
    }
    %scan3A_32 = arith.constant 25 : i32
    %barrier3A_33 = arith.constant 0 : index
    tpu.barrier barrier_id(%barrier3A_33)
    %mul3A_34 = arith.constant 640 : i32
    %mul3A_35 = arith.muli %arg1, %mul3A_34 : i32
    %mul3A_36 = arith.constant 640 : i32
    %mul3A_37 = arith.muli %arg1, %mul3A_36 : i32
    "tpu.region"() ({
      %run_scoped3A = tpu.sem_alloc : memref<!tpu.dma_semaphore, #tpu.memory_space<semaphore_mem>>
      %dma_start3A_38 = arith.constant 0 : i32
      %dma_start3A_39 = tpu.memref_slice %arg6[%arg0, %mul3A_37, %dma_start3A_38] : memref<2x10240x256xbf16, #tpu.memory_space<hbm>> -> memref<1x640x256xbf16, #tpu.memory_space<hbm>>
      %dma_start3A_40 = tpu.memref_squeeze %dma_start3A_39 : memref<1x640x256xbf16, #tpu.memory_space<hbm>> -> memref<640x256xbf16, #tpu.memory_space<hbm>>
      %dma_start3A_41 = arith.constant 0 : i32
      %dma_start3A_42 = tpu.memref_slice %arg7[%mul3A_35, %dma_start3A_41] : memref<10240x256xbf16, #tpu.memory_space<vmem_shared>> -> memref<640x256xbf16, #tpu.memory_space<vmem_shared>>
      tpu.enqueue_dma source(%dma_start3A_42 : memref<640x256xbf16, #tpu.memory_space<vmem_shared>>) target(%dma_start3A_40 : memref<640x256xbf16, #tpu.memory_space<hbm>>) target_semaphore(%run_scoped3A : memref<!tpu.dma_semaphore, #tpu.memory_space<semaphore_mem>>)
      %dma_wait3A = arith.constant 0 : i32
      %dma_wait3A_43 = tpu.memref_slice %arg6[%arg0, %mul3A_37, %dma_wait3A] : memref<2x10240x256xbf16, #tpu.memory_space<hbm>> -> memref<1x640x256xbf16, #tpu.memory_space<hbm>>
      %dma_wait3A_44 = tpu.memref_squeeze %dma_wait3A_43 : memref<1x640x256xbf16, #tpu.memory_space<hbm>> -> memref<640x256xbf16, #tpu.memory_space<hbm>>
      %dma_wait3A_45 = arith.constant 0 : i32
      %dma_wait3A_46 = tpu.memref_slice %arg7[%mul3A_35, %dma_wait3A_45] : memref<10240x256xbf16, #tpu.memory_space<vmem_shared>> -> memref<640x256xbf16, #tpu.memory_space<vmem_shared>>
      tpu.wait_dma2 semaphore(%run_scoped3A : memref<!tpu.dma_semaphore, #tpu.memory_space<semaphore_mem>>) src(%dma_wait3A_46 : memref<640x256xbf16, #tpu.memory_space<vmem_shared>>) dst(%dma_wait3A_44 : memref<640x256xbf16, #tpu.memory_space<hbm>>)
      tpu.yield
    }) : () -> ()
    return
  }
}

#map = affine_map<(d0, d1) -> (0, 0)>
#map1 = affine_map<(d0, d1) -> (0, 0, 0, 0)>
#map2 = affine_map<(d0, d1) -> (0, 0, 0)>
module attributes {stable_mosaic.version = 14 : i64} {
  func.func @body(%arg0: i32, %arg1: i32, %arg2: memref<10000x256xbf16, #tpu.memory_space<hbm>>, %arg3: memref<2x16x100x50xi32, #tpu.memory_space<hbm>>, %arg4: memref<2x16x100x50xi32, #tpu.memory_space<hbm>>, %arg5: memref<640x256xbf16, #tpu.memory_space<hbm>>, %arg6: memref<2x10240x256xbf16, #tpu.memory_space<hbm>>, %arg7: memref<10240x256xbf16, #tpu.memory_space<vmem_shared>>, %arg8: memref<100x50xi32, #tpu.memory_space<vmem>>, %arg9: memref<100x50xi32, #tpu.memory_space<vmem>>, %arg10: memref<50x256xbf16, #tpu.memory_space<vmem>>, %arg11: memref<50x256xbf16, #tpu.memory_space<vmem>>, %arg12: memref<50x256xbf16, #tpu.memory_space<vmem>>, %arg13: memref<50x256xbf16, #tpu.memory_space<vmem>>, %arg14: memref<!tpu.dma_semaphore, #tpu.memory_space<semaphore_mem>>, %arg15: memref<!tpu.dma_semaphore, #tpu.memory_space<semaphore_mem>>, %arg16: memref<!tpu.dma_semaphore, #tpu.memory_space<semaphore_mem>>, %arg17: memref<!tpu.dma_semaphore, #tpu.memory_space<semaphore_mem>>) attributes {dimension_semantics = [#tpu.dimension_semantics<core_parallel>, #tpu.dimension_semantics<subcore_parallel>], iteration_bounds = array<i64: 2, 16>, scalar_prefetch = 0 : i64, scratch_operands = 11 : i64, tpu.core_type = #tpu.core_type<sc_vector_subcore>, window_params = [{transform_indices = #map}, {transform_indices = #map1}, {transform_indices = #map1}, {transform_indices = #map}, {transform_indices = #map2}]} {
    "tpu.region"() ({
      %run_scoped3A = tpu.sem_alloc : memref<!tpu.dma_semaphore, #tpu.memory_space<semaphore_mem>>
      %dma_start3A_38 = arith.constant 0 : i32
      %dma_start3A_39 = arith.constant 0 : i32
      %dma_start3A_40 = tpu.memref_slice %arg3[%arg0, %arg1, %dma_start3A_38, %dma_start3A_39] : memref<2x16x100x50xi32, #tpu.memory_space<hbm>> -> memref<1x1x100x50xi32, #tpu.memory_space<hbm>>
      %dma_start3A_41 = tpu.memref_squeeze %dma_start3A_40 : memref<1x1x100x50xi32, #tpu.memory_space<hbm>> -> memref<100x50xi32, #tpu.memory_space<hbm>>
      %dma_start3A_42 = arith.constant 0 : i32
      %dma_start3A_43 = arith.constant 0 : i32
      %dma_start3A_44 = tpu.memref_slice %arg3[%arg0, %arg1, %dma_start3A_42, %dma_start3A_43] : memref<2x16x100x50xi32, #tpu.memory_space<hbm>> -> memref<1x1x100x50xi32, #tpu.memory_space<hbm>>
      %dma_start3A_45 = tpu.memref_squeeze %dma_start3A_44 : memref<1x1x100x50xi32, #tpu.memory_space<hbm>> -> memref<100x50xi32, #tpu.memory_space<hbm>>
      tpu.enqueue_dma source(%dma_start3A_45 : memref<100x50xi32, #tpu.memory_space<hbm>>) target(%arg8 : memref<100x50xi32, #tpu.memory_space<vmem>>) target_semaphore(%run_scoped3A : memref<!tpu.dma_semaphore, #tpu.memory_space<semaphore_mem>>)
      %dma_wait3A = arith.constant 0 : i32
      %dma_wait3A_46 = arith.constant 0 : i32
      %dma_wait3A_47 = tpu.memref_slice %arg3[%arg0, %arg1, %dma_wait3A, %dma_wait3A_46] : memref<2x16x100x50xi32, #tpu.memory_space<hbm>> -> memref<1x1x100x50xi32, #tpu.memory_space<hbm>>
      %dma_wait3A_48 = tpu.memref_squeeze %dma_wait3A_47 : memref<1x1x100x50xi32, #tpu.memory_space<hbm>> -> memref<100x50xi32, #tpu.memory_space<hbm>>
      %dma_wait3A_49 = arith.constant 0 : i32
      %dma_wait3A_50 = arith.constant 0 : i32
      %dma_wait3A_51 = tpu.memref_slice %arg3[%arg0, %arg1, %dma_wait3A_49, %dma_wait3A_50] : memref<2x16x100x50xi32, #tpu.memory_space<hbm>> -> memref<1x1x100x50xi32, #tpu.memory_space<hbm>>
      %dma_wait3A_52 = tpu.memref_squeeze %dma_wait3A_51 : memref<1x1x100x50xi32, #tpu.memory_space<hbm>> -> memref<100x50xi32, #tpu.memory_space<hbm>>
      tpu.wait_dma2 semaphore(%run_scoped3A : memref<!tpu.dma_semaphore, #tpu.memory_space<semaphore_mem>>) src(%dma_wait3A_52 : memref<100x50xi32, #tpu.memory_space<hbm>>) dst(%arg8 : memref<100x50xi32, #tpu.memory_space<vmem>>)
      tpu.yield
    }) : () -> ()
    "tpu.region"() ({
      %run_scoped3A = tpu.sem_alloc : memref<!tpu.dma_semaphore, #tpu.memory_space<semaphore_mem>>
      %dma_start3A_38 = arith.constant 0 : i32
      %dma_start3A_39 = arith.constant 0 : i32
      %dma_start3A_40 = tpu.memref_slice %arg4[%arg0, %arg1, %dma_start3A_38, %dma_start3A_39] : memref<2x16x100x50xi32, #tpu.memory_space<hbm>> -> memref<1x1x100x50xi32, #tpu.memory_space<hbm>>
      %dma_start3A_41 = tpu.memref_squeeze %dma_start3A_40 : memref<1x1x100x50xi32, #tpu.memory_space<hbm>> -> memref<100x50xi32, #tpu.memory_space<hbm>>
      %dma_start3A_42 = arith.constant 0 : i32
      %dma_start3A_43 = arith.constant 0 : i32
      %dma_start3A_44 = tpu.memref_slice %arg4[%arg0, %arg1, %dma_start3A_42, %dma_start3A_43] : memref<2x16x100x50xi32, #tpu.memory_space<hbm>> -> memref<1x1x100x50xi32, #tpu.memory_space<hbm>>
      %dma_start3A_45 = tpu.memref_squeeze %dma_start3A_44 : memref<1x1x100x50xi32, #tpu.memory_space<hbm>> -> memref<100x50xi32, #tpu.memory_space<hbm>>
      tpu.enqueue_dma source(%dma_start3A_45 : memref<100x50xi32, #tpu.memory_space<hbm>>) target(%arg9 : memref<100x50xi32, #tpu.memory_space<vmem>>) target_semaphore(%run_scoped3A : memref<!tpu.dma_semaphore, #tpu.memory_space<semaphore_mem>>)
      %dma_wait3A = arith.constant 0 : i32
      %dma_wait3A_46 = arith.constant 0 : i32
      %dma_wait3A_47 = tpu.memref_slice %arg4[%arg0, %arg1, %dma_wait3A, %dma_wait3A_46] : memref<2x16x100x50xi32, #tpu.memory_space<hbm>> -> memref<1x1x100x50xi32, #tpu.memory_space<hbm>>
      %dma_wait3A_48 = tpu.memref_squeeze %dma_wait3A_47 : memref<1x1x100x50xi32, #tpu.memory_space<hbm>> -> memref<100x50xi32, #tpu.memory_space<hbm>>
      %dma_wait3A_49 = arith.constant 0 : i32
      %dma_wait3A_50 = arith.constant 0 : i32
      %dma_wait3A_51 = tpu.memref_slice %arg4[%arg0, %arg1, %dma_wait3A_49, %dma_wait3A_50] : memref<2x16x100x50xi32, #tpu.memory_space<hbm>> -> memref<1x1x100x50xi32, #tpu.memory_space<hbm>>
      %dma_wait3A_52 = tpu.memref_squeeze %dma_wait3A_51 : memref<1x1x100x50xi32, #tpu.memory_space<hbm>> -> memref<100x50xi32, #tpu.memory_space<hbm>>
      tpu.wait_dma2 semaphore(%run_scoped3A : memref<!tpu.dma_semaphore, #tpu.memory_space<semaphore_mem>>) src(%dma_wait3A_52 : memref<100x50xi32, #tpu.memory_space<hbm>>) dst(%arg9 : memref<100x50xi32, #tpu.memory_space<vmem>>)
      tpu.yield
    }) : () -> ()
    %dma_start3A = arith.constant 0 : i32
    %dma_start3A_0 = arith.constant 0 : i32
    %dma_start3A_1 = tpu.memref_slice %arg8[%dma_start3A, %dma_start3A_0] : memref<100x50xi32, #tpu.memory_space<vmem>> -> memref<1x50xi32, #tpu.memory_space<vmem>>
    %dma_start3A_2 = tpu.memref_squeeze %dma_start3A_1 : memref<1x50xi32, #tpu.memory_space<vmem>> -> memref<50xi32, #tpu.memory_space<vmem>>
    %dma_start3A_3 = arith.constant 0 : i32
    %dma_start3A_4 = arith.constant 0 : i32
    %dma_start3A_5 = tpu.memref_slice %arg2[%dma_start3A_3, %dma_start3A_4] : memref<10000x256xbf16, #tpu.memory_space<hbm>> -> memref<10000x256xbf16, #tpu.memory_space<hbm>>
    tpu.enqueue_indirect_dma source(%dma_start3A_5 : memref<10000x256xbf16, #tpu.memory_space<hbm>>) target(%arg10 : memref<50x256xbf16, #tpu.memory_space<vmem>>) offsets(%dma_start3A_2 : memref<50xi32, #tpu.memory_space<vmem>>) semaphore(%arg14 : memref<!tpu.dma_semaphore, #tpu.memory_space<semaphore_mem>>)
    %dma_start3A_6 = arith.constant 1 : i32
    %dma_start3A_7 = arith.constant 0 : i32
    %dma_start3A_8 = tpu.memref_slice %arg8[%dma_start3A_6, %dma_start3A_7] : memref<100x50xi32, #tpu.memory_space<vmem>> -> memref<1x50xi32, #tpu.memory_space<vmem>>
    %dma_start3A_9 = tpu.memref_squeeze %dma_start3A_8 : memref<1x50xi32, #tpu.memory_space<vmem>> -> memref<50xi32, #tpu.memory_space<vmem>>
    %dma_start3A_10 = arith.constant 0 : i32
    %dma_start3A_11 = arith.constant 0 : i32
    %dma_start3A_12 = tpu.memref_slice %arg2[%dma_start3A_10, %dma_start3A_11] : memref<10000x256xbf16, #tpu.memory_space<hbm>> -> memref<10000x256xbf16, #tpu.memory_space<hbm>>
    tpu.enqueue_indirect_dma source(%dma_start3A_12 : memref<10000x256xbf16, #tpu.memory_space<hbm>>) target(%arg11 : memref<50x256xbf16, #tpu.memory_space<vmem>>) offsets(%dma_start3A_9 : memref<50xi32, #tpu.memory_space<vmem>>) semaphore(%arg15 : memref<!tpu.dma_semaphore, #tpu.memory_space<semaphore_mem>>)
    %dma_start3A_13 = arith.constant 2 : i32
    %dma_start3A_14 = arith.constant 0 : i32
    %dma_start3A_15 = tpu.memref_slice %arg8[%dma_start3A_13, %dma_start3A_14] : memref<100x50xi32, #tpu.memory_space<vmem>> -> memref<1x50xi32, #tpu.memory_space<vmem>>
    %dma_start3A_16 = tpu.memref_squeeze %dma_start3A_15 : memref<1x50xi32, #tpu.memory_space<vmem>> -> memref<50xi32, #tpu.memory_space<vmem>>
    %dma_start3A_17 = arith.constant 0 : i32
    %dma_start3A_18 = arith.constant 0 : i32
    %dma_start3A_19 = tpu.memref_slice %arg2[%dma_start3A_17, %dma_start3A_18] : memref<10000x256xbf16, #tpu.memory_space<hbm>> -> memref<10000x256xbf16, #tpu.memory_space<hbm>>
    tpu.enqueue_indirect_dma source(%dma_start3A_19 : memref<10000x256xbf16, #tpu.memory_space<hbm>>) target(%arg12 : memref<50x256xbf16, #tpu.memory_space<vmem>>) offsets(%dma_start3A_16 : memref<50xi32, #tpu.memory_space<vmem>>) semaphore(%arg16 : memref<!tpu.dma_semaphore, #tpu.memory_space<semaphore_mem>>)
    %dma_start3A_20 = arith.constant 3 : i32
    %dma_start3A_21 = arith.constant 0 : i32
    %dma_start3A_22 = tpu.memref_slice %arg8[%dma_start3A_20, %dma_start3A_21] : memref<100x50xi32, #tpu.memory_space<vmem>> -> memref<1x50xi32, #tpu.memory_space<vmem>>
    %dma_start3A_23 = tpu.memref_squeeze %dma_start3A_22 : memref<1x50xi32, #tpu.memory_space<vmem>> -> memref<50xi32, #tpu.memory_space<vmem>>
    %dma_start3A_24 = arith.constant 0 : i32
    %dma_start3A_25 = arith.constant 0 : i32
    %dma_start3A_26 = tpu.memref_slice %arg2[%dma_start3A_24, %dma_start3A_25] : memref<10000x256xbf16, #tpu.memory_space<hbm>> -> memref<10000x256xbf16, #tpu.memory_space<hbm>>
    tpu.enqueue_indirect_dma source(%dma_start3A_26 : memref<10000x256xbf16, #tpu.memory_space<hbm>>) target(%arg13 : memref<50x256xbf16, #tpu.memory_space<vmem>>) offsets(%dma_start3A_23 : memref<50xi32, #tpu.memory_space<vmem>>) semaphore(%arg17 : memref<!tpu.dma_semaphore, #tpu.memory_space<semaphore_mem>>)
    %mul3A = arith.constant 640 : i32
    %mul3A_27 = arith.muli %arg1, %mul3A : i32
    "tpu.region"() ({
      %run_scoped3A = tpu.sem_alloc : memref<!tpu.dma_semaphore, #tpu.memory_space<semaphore_mem>>
      %dma_start3A_38 = arith.constant 0 : i32
      %dma_start3A_39 = tpu.memref_slice %arg7[%mul3A_27, %dma_start3A_38] : memref<10240x256xbf16, #tpu.memory_space<vmem_shared>> -> memref<640x256xbf16, #tpu.memory_space<vmem_shared>>
      tpu.enqueue_dma source(%arg5 : memref<640x256xbf16, #tpu.memory_space<hbm>>) target(%dma_start3A_39 : memref<640x256xbf16, #tpu.memory_space<vmem_shared>>) target_semaphore(%run_scoped3A : memref<!tpu.dma_semaphore, #tpu.memory_space<semaphore_mem>>)
      %dma_wait3A = arith.constant 0 : i32
      %dma_wait3A_40 = tpu.memref_slice %arg7[%mul3A_27, %dma_wait3A] : memref<10240x256xbf16, #tpu.memory_space<vmem_shared>> -> memref<640x256xbf16, #tpu.memory_space<vmem_shared>>
      tpu.wait_dma2 semaphore(%run_scoped3A : memref<!tpu.dma_semaphore, #tpu.memory_space<semaphore_mem>>) src(%arg5 : memref<640x256xbf16, #tpu.memory_space<hbm>>) dst(%dma_wait3A_40 : memref<640x256xbf16, #tpu.memory_space<vmem_shared>>)
      tpu.yield
    }) : () -> ()
    %barrier3A = arith.constant 0 : index
    tpu.barrier barrier_id(%barrier3A)
    %scan3A = arith.constant 0 : i32
    %scan3A_28 = arith.constant 0 : i32
    %scan3A_29 = arith.constant 25 : i32
    %scan3A_30 = arith.addi %scan3A_28, %scan3A_29 : i32
    %scan3A_31 = arith.constant 1 : i32
    scf.for %scan3A_38 = %scan3A_28 to %scan3A_30 step %scan3A_31  : i32 {
      %mul3A_39 = arith.constant 4 : i32
      %mul3A_40 = arith.muli %mul3A_39, %scan3A_38 : i32
      %add3A = arith.constant 0 : i32
      %add3A_41 = arith.addi %mul3A_40, %add3A : i32
      %dma_wait3A = arith.constant 0 : i32
      %dma_wait3A_42 = tpu.memref_slice %arg8[%add3A_41, %dma_wait3A] : memref<100x50xi32, #tpu.memory_space<vmem>> -> memref<1x50xi32, #tpu.memory_space<vmem>>
      %dma_wait3A_43 = tpu.memref_squeeze %dma_wait3A_42 : memref<1x50xi32, #tpu.memory_space<vmem>> -> memref<50xi32, #tpu.memory_space<vmem>>
      %dma_wait3A_44 = arith.constant 0 : i32
      %dma_wait3A_45 = arith.constant 0 : i32
      %dma_wait3A_46 = tpu.memref_slice %arg2[%dma_wait3A_44, %dma_wait3A_45] : memref<10000x256xbf16, #tpu.memory_space<hbm>> -> memref<10000x256xbf16, #tpu.memory_space<hbm>>
      tpu.wait_indirect_dma semaphore(%arg14 : memref<!tpu.dma_semaphore, #tpu.memory_space<semaphore_mem>>) src(%dma_wait3A_46 : memref<10000x256xbf16, #tpu.memory_space<hbm>>) dst(%arg10 : memref<50x256xbf16, #tpu.memory_space<vmem>>)
      "tpu.region"() ({
        %run_scoped3A = tpu.sem_alloc : memref<!tpu.dma_semaphore, #tpu.memory_space<semaphore_mem>>
        %dma_start3A_88 = arith.constant 0 : i32
        %dma_start3A_89 = tpu.memref_slice %arg9[%add3A_41, %dma_start3A_88] : memref<100x50xi32, #tpu.memory_space<vmem>> -> memref<1x50xi32, #tpu.memory_space<vmem>>
        %dma_start3A_90 = tpu.memref_squeeze %dma_start3A_89 : memref<1x50xi32, #tpu.memory_space<vmem>> -> memref<50xi32, #tpu.memory_space<vmem>>
        %dma_start3A_91 = arith.constant 0 : i32
        %dma_start3A_92 = arith.constant 0 : i32
        %dma_start3A_93 = tpu.memref_slice %arg7[%dma_start3A_91, %dma_start3A_92] : memref<10240x256xbf16, #tpu.memory_space<vmem_shared>> -> memref<10240x256xbf16, #tpu.memory_space<vmem_shared>>
        tpu.enqueue_indirect_dma source(%arg10 : memref<50x256xbf16, #tpu.memory_space<vmem>>) target(%dma_start3A_93 : memref<10240x256xbf16, #tpu.memory_space<vmem_shared>>) offsets(%dma_start3A_90 : memref<50xi32, #tpu.memory_space<vmem>>) semaphore(%run_scoped3A : memref<!tpu.dma_semaphore, #tpu.memory_space<semaphore_mem>>) {add = true}
        %dma_wait3A_94 = arith.constant 0 : i32
        %dma_wait3A_95 = tpu.memref_slice %arg9[%add3A_41, %dma_wait3A_94] : memref<100x50xi32, #tpu.memory_space<vmem>> -> memref<1x50xi32, #tpu.memory_space<vmem>>
        %dma_wait3A_96 = tpu.memref_squeeze %dma_wait3A_95 : memref<1x50xi32, #tpu.memory_space<vmem>> -> memref<50xi32, #tpu.memory_space<vmem>>
        %dma_wait3A_97 = arith.constant 0 : i32
        %dma_wait3A_98 = arith.constant 0 : i32
        %dma_wait3A_99 = tpu.memref_slice %arg7[%dma_wait3A_97, %dma_wait3A_98] : memref<10240x256xbf16, #tpu.memory_space<vmem_shared>> -> memref<10240x256xbf16, #tpu.memory_space<vmem_shared>>
        tpu.wait_indirect_dma semaphore(%run_scoped3A : memref<!tpu.dma_semaphore, #tpu.memory_space<semaphore_mem>>) src(%arg10 : memref<50x256xbf16, #tpu.memory_space<vmem>>) dst(%dma_wait3A_99 : memref<10240x256xbf16, #tpu.memory_space<vmem_shared>>)
        tpu.yield
      }) : () -> ()
      %lt3A = arith.constant 24 : i32
      %lt3A_47 = arith.cmpi slt, %scan3A_38, %lt3A : i32
      %convert_element_type3A = arith.extui %lt3A_47 : i1 to i32
      %cond3A = arith.constant 0 : i32
      %cond3A_48 = arith.cmpi ne, %convert_element_type3A, %cond3A : i32
      scf.if %cond3A_48 {
        %add3A_88 = arith.constant 4 : i32
        %add3A_89 = arith.addi %add3A_41, %add3A_88 : i32
        %dma_start3A_90 = arith.constant 0 : i32
        %dma_start3A_91 = tpu.memref_slice %arg8[%add3A_89, %dma_start3A_90] : memref<100x50xi32, #tpu.memory_space<vmem>> -> memref<1x50xi32, #tpu.memory_space<vmem>>
        %dma_start3A_92 = tpu.memref_squeeze %dma_start3A_91 : memref<1x50xi32, #tpu.memory_space<vmem>> -> memref<50xi32, #tpu.memory_space<vmem>>
        %dma_start3A_93 = arith.constant 0 : i32
        %dma_start3A_94 = arith.constant 0 : i32
        %dma_start3A_95 = tpu.memref_slice %arg2[%dma_start3A_93, %dma_start3A_94] : memref<10000x256xbf16, #tpu.memory_space<hbm>> -> memref<10000x256xbf16, #tpu.memory_space<hbm>>
        tpu.enqueue_indirect_dma source(%dma_start3A_95 : memref<10000x256xbf16, #tpu.memory_space<hbm>>) target(%arg10 : memref<50x256xbf16, #tpu.memory_space<vmem>>) offsets(%dma_start3A_92 : memref<50xi32, #tpu.memory_space<vmem>>) semaphore(%arg14 : memref<!tpu.dma_semaphore, #tpu.memory_space<semaphore_mem>>)
      } else {
      }
      %add3A_49 = arith.constant 1 : i32
      %add3A_50 = arith.addi %mul3A_40, %add3A_49 : i32
      %dma_wait3A_51 = arith.constant 0 : i32
      %dma_wait3A_52 = tpu.memref_slice %arg8[%add3A_50, %dma_wait3A_51] : memref<100x50xi32, #tpu.memory_space<vmem>> -> memref<1x50xi32, #tpu.memory_space<vmem>>
      %dma_wait3A_53 = tpu.memref_squeeze %dma_wait3A_52 : memref<1x50xi32, #tpu.memory_space<vmem>> -> memref<50xi32, #tpu.memory_space<vmem>>
      %dma_wait3A_54 = arith.constant 0 : i32
      %dma_wait3A_55 = arith.constant 0 : i32
      %dma_wait3A_56 = tpu.memref_slice %arg2[%dma_wait3A_54, %dma_wait3A_55] : memref<10000x256xbf16, #tpu.memory_space<hbm>> -> memref<10000x256xbf16, #tpu.memory_space<hbm>>
      tpu.wait_indirect_dma semaphore(%arg15 : memref<!tpu.dma_semaphore, #tpu.memory_space<semaphore_mem>>) src(%dma_wait3A_56 : memref<10000x256xbf16, #tpu.memory_space<hbm>>) dst(%arg11 : memref<50x256xbf16, #tpu.memory_space<vmem>>)
      "tpu.region"() ({
        %run_scoped3A = tpu.sem_alloc : memref<!tpu.dma_semaphore, #tpu.memory_space<semaphore_mem>>
        %dma_start3A_88 = arith.constant 0 : i32
        %dma_start3A_89 = tpu.memref_slice %arg9[%add3A_50, %dma_start3A_88] : memref<100x50xi32, #tpu.memory_space<vmem>> -> memref<1x50xi32, #tpu.memory_space<vmem>>
        %dma_start3A_90 = tpu.memref_squeeze %dma_start3A_89 : memref<1x50xi32, #tpu.memory_space<vmem>> -> memref<50xi32, #tpu.memory_space<vmem>>
        %dma_start3A_91 = arith.constant 0 : i32
        %dma_start3A_92 = arith.constant 0 : i32
        %dma_start3A_93 = tpu.memref_slice %arg7[%dma_start3A_91, %dma_start3A_92] : memref<10240x256xbf16, #tpu.memory_space<vmem_shared>> -> memref<10240x256xbf16, #tpu.memory_space<vmem_shared>>
        tpu.enqueue_indirect_dma source(%arg11 : memref<50x256xbf16, #tpu.memory_space<vmem>>) target(%dma_start3A_93 : memref<10240x256xbf16, #tpu.memory_space<vmem_shared>>) offsets(%dma_start3A_90 : memref<50xi32, #tpu.memory_space<vmem>>) semaphore(%run_scoped3A : memref<!tpu.dma_semaphore, #tpu.memory_space<semaphore_mem>>) {add = true}
        %dma_wait3A_94 = arith.constant 0 : i32
        %dma_wait3A_95 = tpu.memref_slice %arg9[%add3A_50, %dma_wait3A_94] : memref<100x50xi32, #tpu.memory_space<vmem>> -> memref<1x50xi32, #tpu.memory_space<vmem>>
        %dma_wait3A_96 = tpu.memref_squeeze %dma_wait3A_95 : memref<1x50xi32, #tpu.memory_space<vmem>> -> memref<50xi32, #tpu.memory_space<vmem>>
        %dma_wait3A_97 = arith.constant 0 : i32
        %dma_wait3A_98 = arith.constant 0 : i32
        %dma_wait3A_99 = tpu.memref_slice %arg7[%dma_wait3A_97, %dma_wait3A_98] : memref<10240x256xbf16, #tpu.memory_space<vmem_shared>> -> memref<10240x256xbf16, #tpu.memory_space<vmem_shared>>
        tpu.wait_indirect_dma semaphore(%run_scoped3A : memref<!tpu.dma_semaphore, #tpu.memory_space<semaphore_mem>>) src(%arg11 : memref<50x256xbf16, #tpu.memory_space<vmem>>) dst(%dma_wait3A_99 : memref<10240x256xbf16, #tpu.memory_space<vmem_shared>>)
        tpu.yield
      }) : () -> ()
      %lt3A_57 = arith.constant 24 : i32
      %lt3A_58 = arith.cmpi slt, %scan3A_38, %lt3A_57 : i32
      %convert_element_type3A_59 = arith.extui %lt3A_58 : i1 to i32
      %cond3A_60 = arith.constant 0 : i32
      %cond3A_61 = arith.cmpi ne, %convert_element_type3A_59, %cond3A_60 : i32
      scf.if %cond3A_61 {
        %add3A_88 = arith.constant 4 : i32
        %add3A_89 = arith.addi %add3A_50, %add3A_88 : i32
        %dma_start3A_90 = arith.constant 0 : i32
        %dma_start3A_91 = tpu.memref_slice %arg8[%add3A_89, %dma_start3A_90] : memref<100x50xi32, #tpu.memory_space<vmem>> -> memref<1x50xi32, #tpu.memory_space<vmem>>
        %dma_start3A_92 = tpu.memref_squeeze %dma_start3A_91 : memref<1x50xi32, #tpu.memory_space<vmem>> -> memref<50xi32, #tpu.memory_space<vmem>>
        %dma_start3A_93 = arith.constant 0 : i32
        %dma_start3A_94 = arith.constant 0 : i32
        %dma_start3A_95 = tpu.memref_slice %arg2[%dma_start3A_93, %dma_start3A_94] : memref<10000x256xbf16, #tpu.memory_space<hbm>> -> memref<10000x256xbf16, #tpu.memory_space<hbm>>
        tpu.enqueue_indirect_dma source(%dma_start3A_95 : memref<10000x256xbf16, #tpu.memory_space<hbm>>) target(%arg11 : memref<50x256xbf16, #tpu.memory_space<vmem>>) offsets(%dma_start3A_92 : memref<50xi32, #tpu.memory_space<vmem>>) semaphore(%arg15 : memref<!tpu.dma_semaphore, #tpu.memory_space<semaphore_mem>>)
      } else {
      }
      %add3A_62 = arith.constant 2 : i32
      %add3A_63 = arith.addi %mul3A_40, %add3A_62 : i32
      %dma_wait3A_64 = arith.constant 0 : i32
      %dma_wait3A_65 = tpu.memref_slice %arg8[%add3A_63, %dma_wait3A_64] : memref<100x50xi32, #tpu.memory_space<vmem>> -> memref<1x50xi32, #tpu.memory_space<vmem>>
      %dma_wait3A_66 = tpu.memref_squeeze %dma_wait3A_65 : memref<1x50xi32, #tpu.memory_space<vmem>> -> memref<50xi32, #tpu.memory_space<vmem>>
      %dma_wait3A_67 = arith.constant 0 : i32
      %dma_wait3A_68 = arith.constant 0 : i32
      %dma_wait3A_69 = tpu.memref_slice %arg2[%dma_wait3A_67, %dma_wait3A_68] : memref<10000x256xbf16, #tpu.memory_space<hbm>> -> memref<10000x256xbf16, #tpu.memory_space<hbm>>
      tpu.wait_indirect_dma semaphore(%arg16 : memref<!tpu.dma_semaphore, #tpu.memory_space<semaphore_mem>>) src(%dma_wait3A_69 : memref<10000x256xbf16, #tpu.memory_space<hbm>>) dst(%arg12 : memref<50x256xbf16, #tpu.memory_space<vmem>>)
      "tpu.region"() ({
        %run_scoped3A = tpu.sem_alloc : memref<!tpu.dma_semaphore, #tpu.memory_space<semaphore_mem>>
        %dma_start3A_88 = arith.constant 0 : i32
        %dma_start3A_89 = tpu.memref_slice %arg9[%add3A_63, %dma_start3A_88] : memref<100x50xi32, #tpu.memory_space<vmem>> -> memref<1x50xi32, #tpu.memory_space<vmem>>
        %dma_start3A_90 = tpu.memref_squeeze %dma_start3A_89 : memref<1x50xi32, #tpu.memory_space<vmem>> -> memref<50xi32, #tpu.memory_space<vmem>>
        %dma_start3A_91 = arith.constant 0 : i32
        %dma_start3A_92 = arith.constant 0 : i32
        %dma_start3A_93 = tpu.memref_slice %arg7[%dma_start3A_91, %dma_start3A_92] : memref<10240x256xbf16, #tpu.memory_space<vmem_shared>> -> memref<10240x256xbf16, #tpu.memory_space<vmem_shared>>
        tpu.enqueue_indirect_dma source(%arg12 : memref<50x256xbf16, #tpu.memory_space<vmem>>) target(%dma_start3A_93 : memref<10240x256xbf16, #tpu.memory_space<vmem_shared>>) offsets(%dma_start3A_90 : memref<50xi32, #tpu.memory_space<vmem>>) semaphore(%run_scoped3A : memref<!tpu.dma_semaphore, #tpu.memory_space<semaphore_mem>>) {add = true}
        %dma_wait3A_94 = arith.constant 0 : i32
        %dma_wait3A_95 = tpu.memref_slice %arg9[%add3A_63, %dma_wait3A_94] : memref<100x50xi32, #tpu.memory_space<vmem>> -> memref<1x50xi32, #tpu.memory_space<vmem>>
        %dma_wait3A_96 = tpu.memref_squeeze %dma_wait3A_95 : memref<1x50xi32, #tpu.memory_space<vmem>> -> memref<50xi32, #tpu.memory_space<vmem>>
        %dma_wait3A_97 = arith.constant 0 : i32
        %dma_wait3A_98 = arith.constant 0 : i32
        %dma_wait3A_99 = tpu.memref_slice %arg7[%dma_wait3A_97, %dma_wait3A_98] : memref<10240x256xbf16, #tpu.memory_space<vmem_shared>> -> memref<10240x256xbf16, #tpu.memory_space<vmem_shared>>
        tpu.wait_indirect_dma semaphore(%run_scoped3A : memref<!tpu.dma_semaphore, #tpu.memory_space<semaphore_mem>>) src(%arg12 : memref<50x256xbf16, #tpu.memory_space<vmem>>) dst(%dma_wait3A_99 : memref<10240x256xbf16, #tpu.memory_space<vmem_shared>>)
        tpu.yield
      }) : () -> ()
      %lt3A_70 = arith.constant 24 : i32
      %lt3A_71 = arith.cmpi slt, %scan3A_38, %lt3A_70 : i32
      %convert_element_type3A_72 = arith.extui %lt3A_71 : i1 to i32
      %cond3A_73 = arith.constant 0 : i32
      %cond3A_74 = arith.cmpi ne, %convert_element_type3A_72, %cond3A_73 : i32
      scf.if %cond3A_74 {
        %add3A_88 = arith.constant 4 : i32
        %add3A_89 = arith.addi %add3A_63, %add3A_88 : i32
        %dma_start3A_90 = arith.constant 0 : i32
        %dma_start3A_91 = tpu.memref_slice %arg8[%add3A_89, %dma_start3A_90] : memref<100x50xi32, #tpu.memory_space<vmem>> -> memref<1x50xi32, #tpu.memory_space<vmem>>
        %dma_start3A_92 = tpu.memref_squeeze %dma_start3A_91 : memref<1x50xi32, #tpu.memory_space<vmem>> -> memref<50xi32, #tpu.memory_space<vmem>>
        %dma_start3A_93 = arith.constant 0 : i32
        %dma_start3A_94 = arith.constant 0 : i32
        %dma_start3A_95 = tpu.memref_slice %arg2[%dma_start3A_93, %dma_start3A_94] : memref<10000x256xbf16, #tpu.memory_space<hbm>> -> memref<10000x256xbf16, #tpu.memory_space<hbm>>
        tpu.enqueue_indirect_dma source(%dma_start3A_95 : memref<10000x256xbf16, #tpu.memory_space<hbm>>) target(%arg12 : memref<50x256xbf16, #tpu.memory_space<vmem>>) offsets(%dma_start3A_92 : memref<50xi32, #tpu.memory_space<vmem>>) semaphore(%arg16 : memref<!tpu.dma_semaphore, #tpu.memory_space<semaphore_mem>>)
      } else {
      }
      %add3A_75 = arith.constant 3 : i32
      %add3A_76 = arith.addi %mul3A_40, %add3A_75 : i32
      %dma_wait3A_77 = arith.constant 0 : i32
      %dma_wait3A_78 = tpu.memref_slice %arg8[%add3A_76, %dma_wait3A_77] : memref<100x50xi32, #tpu.memory_space<vmem>> -> memref<1x50xi32, #tpu.memory_space<vmem>>
      %dma_wait3A_79 = tpu.memref_squeeze %dma_wait3A_78 : memref<1x50xi32, #tpu.memory_space<vmem>> -> memref<50xi32, #tpu.memory_space<vmem>>
      %dma_wait3A_80 = arith.constant 0 : i32
      %dma_wait3A_81 = arith.constant 0 : i32
      %dma_wait3A_82 = tpu.memref_slice %arg2[%dma_wait3A_80, %dma_wait3A_81] : memref<10000x256xbf16, #tpu.memory_space<hbm>> -> memref<10000x256xbf16, #tpu.memory_space<hbm>>
      tpu.wait_indirect_dma semaphore(%arg17 : memref<!tpu.dma_semaphore, #tpu.memory_space<semaphore_mem>>) src(%dma_wait3A_82 : memref<10000x256xbf16, #tpu.memory_space<hbm>>) dst(%arg13 : memref<50x256xbf16, #tpu.memory_space<vmem>>)
      "tpu.region"() ({
        %run_scoped3A = tpu.sem_alloc : memref<!tpu.dma_semaphore, #tpu.memory_space<semaphore_mem>>
        %dma_start3A_88 = arith.constant 0 : i32
        %dma_start3A_89 = tpu.memref_slice %arg9[%add3A_76, %dma_start3A_88] : memref<100x50xi32, #tpu.memory_space<vmem>> -> memref<1x50xi32, #tpu.memory_space<vmem>>
        %dma_start3A_90 = tpu.memref_squeeze %dma_start3A_89 : memref<1x50xi32, #tpu.memory_space<vmem>> -> memref<50xi32, #tpu.memory_space<vmem>>
        %dma_start3A_91 = arith.constant 0 : i32
        %dma_start3A_92 = arith.constant 0 : i32
        %dma_start3A_93 = tpu.memref_slice %arg7[%dma_start3A_91, %dma_start3A_92] : memref<10240x256xbf16, #tpu.memory_space<vmem_shared>> -> memref<10240x256xbf16, #tpu.memory_space<vmem_shared>>
        tpu.enqueue_indirect_dma source(%arg13 : memref<50x256xbf16, #tpu.memory_space<vmem>>) target(%dma_start3A_93 : memref<10240x256xbf16, #tpu.memory_space<vmem_shared>>) offsets(%dma_start3A_90 : memref<50xi32, #tpu.memory_space<vmem>>) semaphore(%run_scoped3A : memref<!tpu.dma_semaphore, #tpu.memory_space<semaphore_mem>>) {add = true}
        %dma_wait3A_94 = arith.constant 0 : i32
        %dma_wait3A_95 = tpu.memref_slice %arg9[%add3A_76, %dma_wait3A_94] : memref<100x50xi32, #tpu.memory_space<vmem>> -> memref<1x50xi32, #tpu.memory_space<vmem>>
        %dma_wait3A_96 = tpu.memref_squeeze %dma_wait3A_95 : memref<1x50xi32, #tpu.memory_space<vmem>> -> memref<50xi32, #tpu.memory_space<vmem>>
        %dma_wait3A_97 = arith.constant 0 : i32
        %dma_wait3A_98 = arith.constant 0 : i32
        %dma_wait3A_99 = tpu.memref_slice %arg7[%dma_wait3A_97, %dma_wait3A_98] : memref<10240x256xbf16, #tpu.memory_space<vmem_shared>> -> memref<10240x256xbf16, #tpu.memory_space<vmem_shared>>
        tpu.wait_indirect_dma semaphore(%run_scoped3A : memref<!tpu.dma_semaphore, #tpu.memory_space<semaphore_mem>>) src(%arg13 : memref<50x256xbf16, #tpu.memory_space<vmem>>) dst(%dma_wait3A_99 : memref<10240x256xbf16, #tpu.memory_space<vmem_shared>>)
        tpu.yield
      }) : () -> ()
      %lt3A_83 = arith.constant 24 : i32
      %lt3A_84 = arith.cmpi slt, %scan3A_38, %lt3A_83 : i32
      %convert_element_type3A_85 = arith.extui %lt3A_84 : i1 to i32
      %cond3A_86 = arith.constant 0 : i32
      %cond3A_87 = arith.cmpi ne, %convert_element_type3A_85, %cond3A_86 : i32
      scf.if %cond3A_87 {
        %add3A_88 = arith.constant 4 : i32
        %add3A_89 = arith.addi %add3A_76, %add3A_88 : i32
        %dma_start3A_90 = arith.constant 0 : i32
        %dma_start3A_91 = tpu.memref_slice %arg8[%add3A_89, %dma_start3A_90] : memref<100x50xi32, #tpu.memory_space<vmem>> -> memref<1x50xi32, #tpu.memory_space<vmem>>
        %dma_start3A_92 = tpu.memref_squeeze %dma_start3A_91 : memref<1x50xi32, #tpu.memory_space<vmem>> -> memref<50xi32, #tpu.memory_space<vmem>>
        %dma_start3A_93 = arith.constant 0 : i32
        %dma_start3A_94 = arith.constant 0 : i32
        %dma_start3A_95 = tpu.memref_slice %arg2[%dma_start3A_93, %dma_start3A_94] : memref<10000x256xbf16, #tpu.memory_space<hbm>> -> memref<10000x256xbf16, #tpu.memory_space<hbm>>
        tpu.enqueue_indirect_dma source(%dma_start3A_95 : memref<10000x256xbf16, #tpu.memory_space<hbm>>) target(%arg13 : memref<50x256xbf16, #tpu.memory_space<vmem>>) offsets(%dma_start3A_92 : memref<50xi32, #tpu.memory_space<vmem>>) semaphore(%arg17 : memref<!tpu.dma_semaphore, #tpu.memory_space<semaphore_mem>>)
      } else {
      }
    }
    %scan3A_32 = arith.constant 25 : i32
    %barrier3A_33 = arith.constant 0 : index
    tpu.barrier barrier_id(%barrier3A_33)
    %mul3A_34 = arith.constant 640 : i32
    %mul3A_35 = arith.muli %arg1, %mul3A_34 : i32
    %mul3A_36 = arith.constant 640 : i32
    %mul3A_37 = arith.muli %arg1, %mul3A_36 : i32
    "tpu.region"() ({
      %run_scoped3A = tpu.sem_alloc : memref<!tpu.dma_semaphore, #tpu.memory_space<semaphore_mem>>
      %dma_start3A_38 = arith.constant 0 : i32
      %dma_start3A_39 = tpu.memref_slice %arg6[%arg0, %mul3A_37, %dma_start3A_38] : memref<2x10240x256xbf16, #tpu.memory_space<hbm>> -> memref<1x640x256xbf16, #tpu.memory_space<hbm>>
      %dma_start3A_40 = tpu.memref_squeeze %dma_start3A_39 : memref<1x640x256xbf16, #tpu.memory_space<hbm>> -> memref<640x256xbf16, #tpu.memory_space<hbm>>
      %dma_start3A_41 = arith.constant 0 : i32
      %dma_start3A_42 = tpu.memref_slice %arg7[%mul3A_35, %dma_start3A_41] : memref<10240x256xbf16, #tpu.memory_space<vmem_shared>> -> memref<640x256xbf16, #tpu.memory_space<vmem_shared>>
      tpu.enqueue_dma source(%dma_start3A_42 : memref<640x256xbf16, #tpu.memory_space<vmem_shared>>) target(%dma_start3A_40 : memref<640x256xbf16, #tpu.memory_space<hbm>>) target_semaphore(%run_scoped3A : memref<!tpu.dma_semaphore, #tpu.memory_space<semaphore_mem>>)
      %dma_wait3A = arith.constant 0 : i32
      %dma_wait3A_43 = tpu.memref_slice %arg6[%arg0, %mul3A_37, %dma_wait3A] : memref<2x10240x256xbf16, #tpu.memory_space<hbm>> -> memref<1x640x256xbf16, #tpu.memory_space<hbm>>
      %dma_wait3A_44 = tpu.memref_squeeze %dma_wait3A_43 : memref<1x640x256xbf16, #tpu.memory_space<hbm>> -> memref<640x256xbf16, #tpu.memory_space<hbm>>
      %dma_wait3A_45 = arith.constant 0 : i32
      %dma_wait3A_46 = tpu.memref_slice %arg7[%mul3A_35, %dma_wait3A_45] : memref<10240x256xbf16, #tpu.memory_space<vmem_shared>> -> memref<640x256xbf16, #tpu.memory_space<vmem_shared>>
      tpu.wait_dma2 semaphore(%run_scoped3A : memref<!tpu.dma_semaphore, #tpu.memory_space<semaphore_mem>>) src(%dma_wait3A_46 : memref<640x256xbf16, #tpu.memory_space<vmem_shared>>) dst(%dma_wait3A_44 : memref<640x256xbf16, #tpu.memory_space<hbm>>)
      tpu.yield
    }) : () -> ()
    return
  }
}

#map = affine_map<(d0, d1) -> (0, 0)>
#map1 = affine_map<(d0, d1) -> (0, 0, 0, 0)>
#map2 = affine_map<(d0, d1) -> (0, 0, 0)>
module attributes {stable_mosaic.version = 14 : i64} {
  func.func @body(%arg0: i32, %arg1: i32, %arg2: memref<10000x256xbf16, #tpu.memory_space<hbm>>, %arg3: memref<2x16x100x50xi32, #tpu.memory_space<hbm>>, %arg4: memref<2x16x100x50xi32, #tpu.memory_space<hbm>>, %arg5: memref<640x256xbf16, #tpu.memory_space<hbm>>, %arg6: memref<2x10240x256xbf16, #tpu.memory_space<hbm>>, %arg7: memref<10240x256xbf16, #tpu.memory_space<vmem_shared>>, %arg8: memref<100x50xi32, #tpu.memory_space<vmem>>, %arg9: memref<100x50xi32, #tpu.memory_space<vmem>>, %arg10: memref<50x256xbf16, #tpu.memory_space<vmem>>, %arg11: memref<50x256xbf16, #tpu.memory_space<vmem>>, %arg12: memref<50x256xbf16, #tpu.memory_space<vmem>>, %arg13: memref<50x256xbf16, #tpu.memory_space<vmem>>, %arg14: memref<!tpu.dma_semaphore, #tpu.memory_space<semaphore_mem>>, %arg15: memref<!tpu.dma_semaphore, #tpu.memory_space<semaphore_mem>>, %arg16: memref<!tpu.dma_semaphore, #tpu.memory_space<semaphore_mem>>, %arg17: memref<!tpu.dma_semaphore, #tpu.memory_space<semaphore_mem>>) attributes {dimension_semantics = [#tpu.dimension_semantics<core_parallel>, #tpu.dimension_semantics<subcore_parallel>], iteration_bounds = array<i64: 2, 16>, scalar_prefetch = 0 : i64, scratch_operands = 11 : i64, tpu.core_type = #tpu.core_type<sc_vector_subcore>, window_params = [{transform_indices = #map}, {transform_indices = #map1}, {transform_indices = #map1}, {transform_indices = #map}, {transform_indices = #map2}]} {
    "tpu.region"() ({
      %run_scoped3A = tpu.sem_alloc : memref<!tpu.dma_semaphore, #tpu.memory_space<semaphore_mem>>
      %dma_start3A_38 = arith.constant 0 : i32
      %dma_start3A_39 = arith.constant 0 : i32
      %dma_start3A_40 = tpu.memref_slice %arg3[%arg0, %arg1, %dma_start3A_38, %dma_start3A_39] : memref<2x16x100x50xi32, #tpu.memory_space<hbm>> -> memref<1x1x100x50xi32, #tpu.memory_space<hbm>>
      %dma_start3A_41 = tpu.memref_squeeze %dma_start3A_40 : memref<1x1x100x50xi32, #tpu.memory_space<hbm>> -> memref<100x50xi32, #tpu.memory_space<hbm>>
      %dma_start3A_42 = arith.constant 0 : i32
      %dma_start3A_43 = arith.constant 0 : i32
      %dma_start3A_44 = tpu.memref_slice %arg3[%arg0, %arg1, %dma_start3A_42, %dma_start3A_43] : memref<2x16x100x50xi32, #tpu.memory_space<hbm>> -> memref<1x1x100x50xi32, #tpu.memory_space<hbm>>
      %dma_start3A_45 = tpu.memref_squeeze %dma_start3A_44 : memref<1x1x100x50xi32, #tpu.memory_space<hbm>> -> memref<100x50xi32, #tpu.memory_space<hbm>>
      tpu.enqueue_dma source(%dma_start3A_45 : memref<100x50xi32, #tpu.memory_space<hbm>>) target(%arg8 : memref<100x50xi32, #tpu.memory_space<vmem>>) target_semaphore(%run_scoped3A : memref<!tpu.dma_semaphore, #tpu.memory_space<semaphore_mem>>)
      %dma_wait3A = arith.constant 0 : i32
      %dma_wait3A_46 = arith.constant 0 : i32
      %dma_wait3A_47 = tpu.memref_slice %arg3[%arg0, %arg1, %dma_wait3A, %dma_wait3A_46] : memref<2x16x100x50xi32, #tpu.memory_space<hbm>> -> memref<1x1x100x50xi32, #tpu.memory_space<hbm>>
      %dma_wait3A_48 = tpu.memref_squeeze %dma_wait3A_47 : memref<1x1x100x50xi32, #tpu.memory_space<hbm>> -> memref<100x50xi32, #tpu.memory_space<hbm>>
      %dma_wait3A_49 = arith.constant 0 : i32
      %dma_wait3A_50 = arith.constant 0 : i32
      %dma_wait3A_51 = tpu.memref_slice %arg3[%arg0, %arg1, %dma_wait3A_49, %dma_wait3A_50] : memref<2x16x100x50xi32, #tpu.memory_space<hbm>> -> memref<1x1x100x50xi32, #tpu.memory_space<hbm>>
      %dma_wait3A_52 = tpu.memref_squeeze %dma_wait3A_51 : memref<1x1x100x50xi32, #tpu.memory_space<hbm>> -> memref<100x50xi32, #tpu.memory_space<hbm>>
      tpu.wait_dma2 semaphore(%run_scoped3A : memref<!tpu.dma_semaphore, #tpu.memory_space<semaphore_mem>>) src(%dma_wait3A_52 : memref<100x50xi32, #tpu.memory_space<hbm>>) dst(%arg8 : memref<100x50xi32, #tpu.memory_space<vmem>>)
      tpu.yield
    }) : () -> ()
    "tpu.region"() ({
      %run_scoped3A = tpu.sem_alloc : memref<!tpu.dma_semaphore, #tpu.memory_space<semaphore_mem>>
      %dma_start3A_38 = arith.constant 0 : i32
      %dma_start3A_39 = arith.constant 0 : i32
      %dma_start3A_40 = tpu.memref_slice %arg4[%arg0, %arg1, %dma_start3A_38, %dma_start3A_39] : memref<2x16x100x50xi32, #tpu.memory_space<hbm>> -> memref<1x1x100x50xi32, #tpu.memory_space<hbm>>
      %dma_start3A_41 = tpu.memref_squeeze %dma_start3A_40 : memref<1x1x100x50xi32, #tpu.memory_space<hbm>> -> memref<100x50xi32, #tpu.memory_space<hbm>>
      %dma_start3A_42 = arith.constant 0 : i32
      %dma_start3A_43 = arith.constant 0 : i32
      %dma_start3A_44 = tpu.memref_slice %arg4[%arg0, %arg1, %dma_start3A_42, %dma_start3A_43] : memref<2x16x100x50xi32, #tpu.memory_space<hbm>> -> memref<1x1x100x50xi32, #tpu.memory_space<hbm>>
      %dma_start3A_45 = tpu.memref_squeeze %dma_start3A_44 : memref<1x1x100x50xi32, #tpu.memory_space<hbm>> -> memref<100x50xi32, #tpu.memory_space<hbm>>
      tpu.enqueue_dma source(%dma_start3A_45 : memref<100x50xi32, #tpu.memory_space<hbm>>) target(%arg9 : memref<100x50xi32, #tpu.memory_space<vmem>>) target_semaphore(%run_scoped3A : memref<!tpu.dma_semaphore, #tpu.memory_space<semaphore_mem>>)
      %dma_wait3A = arith.constant 0 : i32
      %dma_wait3A_46 = arith.constant 0 : i32
      %dma_wait3A_47 = tpu.memref_slice %arg4[%arg0, %arg1, %dma_wait3A, %dma_wait3A_46] : memref<2x16x100x50xi32, #tpu.memory_space<hbm>> -> memref<1x1x100x50xi32, #tpu.memory_space<hbm>>
      %dma_wait3A_48 = tpu.memref_squeeze %dma_wait3A_47 : memref<1x1x100x50xi32, #tpu.memory_space<hbm>> -> memref<100x50xi32, #tpu.memory_space<hbm>>
      %dma_wait3A_49 = arith.constant 0 : i32
      %dma_wait3A_50 = arith.constant 0 : i32
      %dma_wait3A_51 = tpu.memref_slice %arg4[%arg0, %arg1, %dma_wait3A_49, %dma_wait3A_50] : memref<2x16x100x50xi32, #tpu.memory_space<hbm>> -> memref<1x1x100x50xi32, #tpu.memory_space<hbm>>
      %dma_wait3A_52 = tpu.memref_squeeze %dma_wait3A_51 : memref<1x1x100x50xi32, #tpu.memory_space<hbm>> -> memref<100x50xi32, #tpu.memory_space<hbm>>
      tpu.wait_dma2 semaphore(%run_scoped3A : memref<!tpu.dma_semaphore, #tpu.memory_space<semaphore_mem>>) src(%dma_wait3A_52 : memref<100x50xi32, #tpu.memory_space<hbm>>) dst(%arg9 : memref<100x50xi32, #tpu.memory_space<vmem>>)
      tpu.yield
    }) : () -> ()
    %dma_start3A = arith.constant 0 : i32
    %dma_start3A_0 = arith.constant 0 : i32
    %dma_start3A_1 = tpu.memref_slice %arg8[%dma_start3A, %dma_start3A_0] : memref<100x50xi32, #tpu.memory_space<vmem>> -> memref<1x50xi32, #tpu.memory_space<vmem>>
    %dma_start3A_2 = tpu.memref_squeeze %dma_start3A_1 : memref<1x50xi32, #tpu.memory_space<vmem>> -> memref<50xi32, #tpu.memory_space<vmem>>
    %dma_start3A_3 = arith.constant 0 : i32
    %dma_start3A_4 = arith.constant 0 : i32
    %dma_start3A_5 = tpu.memref_slice %arg2[%dma_start3A_3, %dma_start3A_4] : memref<10000x256xbf16, #tpu.memory_space<hbm>> -> memref<10000x256xbf16, #tpu.memory_space<hbm>>
    tpu.enqueue_indirect_dma source(%dma_start3A_5 : memref<10000x256xbf16, #tpu.memory_space<hbm>>) target(%arg10 : memref<50x256xbf16, #tpu.memory_space<vmem>>) offsets(%dma_start3A_2 : memref<50xi32, #tpu.memory_space<vmem>>) semaphore(%arg14 : memref<!tpu.dma_semaphore, #tpu.memory_space<semaphore_mem>>)
    %dma_start3A_6 = arith.constant 1 : i32
    %dma_start3A_7 = arith.constant 0 : i32
    %dma_start3A_8 = tpu.memref_slice %arg8[%dma_start3A_6, %dma_start3A_7] : memref<100x50xi32, #tpu.memory_space<vmem>> -> memref<1x50xi32, #tpu.memory_space<vmem>>
    %dma_start3A_9 = tpu.memref_squeeze %dma_start3A_8 : memref<1x50xi32, #tpu.memory_space<vmem>> -> memref<50xi32, #tpu.memory_space<vmem>>
    %dma_start3A_10 = arith.constant 0 : i32
    %dma_start3A_11 = arith.constant 0 : i32
    %dma_start3A_12 = tpu.memref_slice %arg2[%dma_start3A_10, %dma_start3A_11] : memref<10000x256xbf16, #tpu.memory_space<hbm>> -> memref<10000x256xbf16, #tpu.memory_space<hbm>>
    tpu.enqueue_indirect_dma source(%dma_start3A_12 : memref<10000x256xbf16, #tpu.memory_space<hbm>>) target(%arg11 : memref<50x256xbf16, #tpu.memory_space<vmem>>) offsets(%dma_start3A_9 : memref<50xi32, #tpu.memory_space<vmem>>) semaphore(%arg15 : memref<!tpu.dma_semaphore, #tpu.memory_space<semaphore_mem>>)
    %dma_start3A_13 = arith.constant 2 : i32
    %dma_start3A_14 = arith.constant 0 : i32
    %dma_start3A_15 = tpu.memref_slice %arg8[%dma_start3A_13, %dma_start3A_14] : memref<100x50xi32, #tpu.memory_space<vmem>> -> memref<1x50xi32, #tpu.memory_space<vmem>>
    %dma_start3A_16 = tpu.memref_squeeze %dma_start3A_15 : memref<1x50xi32, #tpu.memory_space<vmem>> -> memref<50xi32, #tpu.memory_space<vmem>>
    %dma_start3A_17 = arith.constant 0 : i32
    %dma_start3A_18 = arith.constant 0 : i32
    %dma_start3A_19 = tpu.memref_slice %arg2[%dma_start3A_17, %dma_start3A_18] : memref<10000x256xbf16, #tpu.memory_space<hbm>> -> memref<10000x256xbf16, #tpu.memory_space<hbm>>
    tpu.enqueue_indirect_dma source(%dma_start3A_19 : memref<10000x256xbf16, #tpu.memory_space<hbm>>) target(%arg12 : memref<50x256xbf16, #tpu.memory_space<vmem>>) offsets(%dma_start3A_16 : memref<50xi32, #tpu.memory_space<vmem>>) semaphore(%arg16 : memref<!tpu.dma_semaphore, #tpu.memory_space<semaphore_mem>>)
    %dma_start3A_20 = arith.constant 3 : i32
    %dma_start3A_21 = arith.constant 0 : i32
    %dma_start3A_22 = tpu.memref_slice %arg8[%dma_start3A_20, %dma_start3A_21] : memref<100x50xi32, #tpu.memory_space<vmem>> -> memref<1x50xi32, #tpu.memory_space<vmem>>
    %dma_start3A_23 = tpu.memref_squeeze %dma_start3A_22 : memref<1x50xi32, #tpu.memory_space<vmem>> -> memref<50xi32, #tpu.memory_space<vmem>>
    %dma_start3A_24 = arith.constant 0 : i32
    %dma_start3A_25 = arith.constant 0 : i32
    %dma_start3A_26 = tpu.memref_slice %arg2[%dma_start3A_24, %dma_start3A_25] : memref<10000x256xbf16, #tpu.memory_space<hbm>> -> memref<10000x256xbf16, #tpu.memory_space<hbm>>
    tpu.enqueue_indirect_dma source(%dma_start3A_26 : memref<10000x256xbf16, #tpu.memory_space<hbm>>) target(%arg13 : memref<50x256xbf16, #tpu.memory_space<vmem>>) offsets(%dma_start3A_23 : memref<50xi32, #tpu.memory_space<vmem>>) semaphore(%arg17 : memref<!tpu.dma_semaphore, #tpu.memory_space<semaphore_mem>>)
    %mul3A = arith.constant 640 : i32
    %mul3A_27 = arith.muli %arg1, %mul3A : i32
    "tpu.region"() ({
      %run_scoped3A = tpu.sem_alloc : memref<!tpu.dma_semaphore, #tpu.memory_space<semaphore_mem>>
      %dma_start3A_38 = arith.constant 0 : i32
      %dma_start3A_39 = tpu.memref_slice %arg7[%mul3A_27, %dma_start3A_38] : memref<10240x256xbf16, #tpu.memory_space<vmem_shared>> -> memref<640x256xbf16, #tpu.memory_space<vmem_shared>>
      tpu.enqueue_dma source(%arg5 : memref<640x256xbf16, #tpu.memory_space<hbm>>) target(%dma_start3A_39 : memref<640x256xbf16, #tpu.memory_space<vmem_shared>>) target_semaphore(%run_scoped3A : memref<!tpu.dma_semaphore, #tpu.memory_space<semaphore_mem>>)
      %dma_wait3A = arith.constant 0 : i32
      %dma_wait3A_40 = tpu.memref_slice %arg7[%mul3A_27, %dma_wait3A] : memref<10240x256xbf16, #tpu.memory_space<vmem_shared>> -> memref<640x256xbf16, #tpu.memory_space<vmem_shared>>
      tpu.wait_dma2 semaphore(%run_scoped3A : memref<!tpu.dma_semaphore, #tpu.memory_space<semaphore_mem>>) src(%arg5 : memref<640x256xbf16, #tpu.memory_space<hbm>>) dst(%dma_wait3A_40 : memref<640x256xbf16, #tpu.memory_space<vmem_shared>>)
      tpu.yield
    }) : () -> ()
    %barrier3A = arith.constant 0 : index
    tpu.barrier barrier_id(%barrier3A)
    %scan3A = arith.constant 0 : i32
    %scan3A_28 = arith.constant 0 : i32
    %scan3A_29 = arith.constant 25 : i32
    %scan3A_30 = arith.addi %scan3A_28, %scan3A_29 : i32
    %scan3A_31 = arith.constant 1 : i32
    scf.for %scan3A_38 = %scan3A_28 to %scan3A_30 step %scan3A_31  : i32 {
      %mul3A_39 = arith.constant 4 : i32
      %mul3A_40 = arith.muli %mul3A_39, %scan3A_38 : i32
      %add3A = arith.constant 0 : i32
      %add3A_41 = arith.addi %mul3A_40, %add3A : i32
      %dma_wait3A = arith.constant 0 : i32
      %dma_wait3A_42 = tpu.memref_slice %arg8[%add3A_41, %dma_wait3A] : memref<100x50xi32, #tpu.memory_space<vmem>> -> memref<1x50xi32, #tpu.memory_space<vmem>>
      %dma_wait3A_43 = tpu.memref_squeeze %dma_wait3A_42 : memref<1x50xi32, #tpu.memory_space<vmem>> -> memref<50xi32, #tpu.memory_space<vmem>>
      %dma_wait3A_44 = arith.constant 0 : i32
      %dma_wait3A_45 = arith.constant 0 : i32
      %dma_wait3A_46 = tpu.memref_slice %arg2[%dma_wait3A_44, %dma_wait3A_45] : memref<10000x256xbf16, #tpu.memory_space<hbm>> -> memref<10000x256xbf16, #tpu.memory_space<hbm>>
      tpu.wait_indirect_dma semaphore(%arg14 : memref<!tpu.dma_semaphore, #tpu.memory_space<semaphore_mem>>) src(%dma_wait3A_46 : memref<10000x256xbf16, #tpu.memory_space<hbm>>) dst(%arg10 : memref<50x256xbf16, #tpu.memory_space<vmem>>)
      "tpu.region"() ({
        %run_scoped3A = tpu.sem_alloc : memref<!tpu.dma_semaphore, #tpu.memory_space<semaphore_mem>>
        %dma_start3A_88 = arith.constant 0 : i32
        %dma_start3A_89 = tpu.memref_slice %arg9[%add3A_41, %dma_start3A_88] : memref<100x50xi32, #tpu.memory_space<vmem>> -> memref<1x50xi32, #tpu.memory_space<vmem>>
        %dma_start3A_90 = tpu.memref_squeeze %dma_start3A_89 : memref<1x50xi32, #tpu.memory_space<vmem>> -> memref<50xi32, #tpu.memory_space<vmem>>
        %dma_start3A_91 = arith.constant 0 : i32
        %dma_start3A_92 = arith.constant 0 : i32
        %dma_start3A_93 = tpu.memref_slice %arg7[%dma_start3A_91, %dma_start3A_92] : memref<10240x256xbf16, #tpu.memory_space<vmem_shared>> -> memref<10240x256xbf16, #tpu.memory_space<vmem_shared>>
        tpu.enqueue_indirect_dma source(%arg10 : memref<50x256xbf16, #tpu.memory_space<vmem>>) target(%dma_start3A_93 : memref<10240x256xbf16, #tpu.memory_space<vmem_shared>>) offsets(%dma_start3A_90 : memref<50xi32, #tpu.memory_space<vmem>>) semaphore(%run_scoped3A : memref<!tpu.dma_semaphore, #tpu.memory_space<semaphore_mem>>) {add = true}
        %dma_wait3A_94 = arith.constant 0 : i32
        %dma_wait3A_95 = tpu.memref_slice %arg9[%add3A_41, %dma_wait3A_94] : memref<100x50xi32, #tpu.memory_space<vmem>> -> memref<1x50xi32, #tpu.memory_space<vmem>>
        %dma_wait3A_96 = tpu.memref_squeeze %dma_wait3A_95 : memref<1x50xi32, #tpu.memory_space<vmem>> -> memref<50xi32, #tpu.memory_space<vmem>>
        %dma_wait3A_97 = arith.constant 0 : i32
        %dma_wait3A_98 = arith.constant 0 : i32
        %dma_wait3A_99 = tpu.memref_slice %arg7[%dma_wait3A_97, %dma_wait3A_98] : memref<10240x256xbf16, #tpu.memory_space<vmem_shared>> -> memref<10240x256xbf16, #tpu.memory_space<vmem_shared>>
        tpu.wait_indirect_dma semaphore(%run_scoped3A : memref<!tpu.dma_semaphore, #tpu.memory_space<semaphore_mem>>) src(%arg10 : memref<50x256xbf16, #tpu.memory_space<vmem>>) dst(%dma_wait3A_99 : memref<10240x256xbf16, #tpu.memory_space<vmem_shared>>)
        tpu.yield
      }) : () -> ()
      %lt3A = arith.constant 24 : i32
      %lt3A_47 = arith.cmpi slt, %scan3A_38, %lt3A : i32
      %convert_element_type3A = arith.extui %lt3A_47 : i1 to i32
      %cond3A = arith.constant 0 : i32
      %cond3A_48 = arith.cmpi ne, %convert_element_type3A, %cond3A : i32
      scf.if %cond3A_48 {
        %add3A_88 = arith.constant 4 : i32
        %add3A_89 = arith.addi %add3A_41, %add3A_88 : i32
        %dma_start3A_90 = arith.constant 0 : i32
        %dma_start3A_91 = tpu.memref_slice %arg8[%add3A_89, %dma_start3A_90] : memref<100x50xi32, #tpu.memory_space<vmem>> -> memref<1x50xi32, #tpu.memory_space<vmem>>
        %dma_start3A_92 = tpu.memref_squeeze %dma_start3A_91 : memref<1x50xi32, #tpu.memory_space<vmem>> -> memref<50xi32, #tpu.memory_space<vmem>>
        %dma_start3A_93 = arith.constant 0 : i32
        %dma_start3A_94 = arith.constant 0 : i32
        %dma_start3A_95 = tpu.memref_slice %arg2[%dma_start3A_93, %dma_start3A_94] : memref<10000x256xbf16, #tpu.memory_space<hbm>> -> memref<10000x256xbf16, #tpu.memory_space<hbm>>
        tpu.enqueue_indirect_dma source(%dma_start3A_95 : memref<10000x256xbf16, #tpu.memory_space<hbm>>) target(%arg10 : memref<50x256xbf16, #tpu.memory_space<vmem>>) offsets(%dma_start3A_92 : memref<50xi32, #tpu.memory_space<vmem>>) semaphore(%arg14 : memref<!tpu.dma_semaphore, #tpu.memory_space<semaphore_mem>>)
      } else {
      }
      %add3A_49 = arith.constant 1 : i32
      %add3A_50 = arith.addi %mul3A_40, %add3A_49 : i32
      %dma_wait3A_51 = arith.constant 0 : i32
      %dma_wait3A_52 = tpu.memref_slice %arg8[%add3A_50, %dma_wait3A_51] : memref<100x50xi32, #tpu.memory_space<vmem>> -> memref<1x50xi32, #tpu.memory_space<vmem>>
      %dma_wait3A_53 = tpu.memref_squeeze %dma_wait3A_52 : memref<1x50xi32, #tpu.memory_space<vmem>> -> memref<50xi32, #tpu.memory_space<vmem>>
      %dma_wait3A_54 = arith.constant 0 : i32
      %dma_wait3A_55 = arith.constant 0 : i32
      %dma_wait3A_56 = tpu.memref_slice %arg2[%dma_wait3A_54, %dma_wait3A_55] : memref<10000x256xbf16, #tpu.memory_space<hbm>> -> memref<10000x256xbf16, #tpu.memory_space<hbm>>
      tpu.wait_indirect_dma semaphore(%arg15 : memref<!tpu.dma_semaphore, #tpu.memory_space<semaphore_mem>>) src(%dma_wait3A_56 : memref<10000x256xbf16, #tpu.memory_space<hbm>>) dst(%arg11 : memref<50x256xbf16, #tpu.memory_space<vmem>>)
      "tpu.region"() ({
        %run_scoped3A = tpu.sem_alloc : memref<!tpu.dma_semaphore, #tpu.memory_space<semaphore_mem>>
        %dma_start3A_88 = arith.constant 0 : i32
        %dma_start3A_89 = tpu.memref_slice %arg9[%add3A_50, %dma_start3A_88] : memref<100x50xi32, #tpu.memory_space<vmem>> -> memref<1x50xi32, #tpu.memory_space<vmem>>
        %dma_start3A_90 = tpu.memref_squeeze %dma_start3A_89 : memref<1x50xi32, #tpu.memory_space<vmem>> -> memref<50xi32, #tpu.memory_space<vmem>>
        %dma_start3A_91 = arith.constant 0 : i32
        %dma_start3A_92 = arith.constant 0 : i32
        %dma_start3A_93 = tpu.memref_slice %arg7[%dma_start3A_91, %dma_start3A_92] : memref<10240x256xbf16, #tpu.memory_space<vmem_shared>> -> memref<10240x256xbf16, #tpu.memory_space<vmem_shared>>
        tpu.enqueue_indirect_dma source(%arg11 : memref<50x256xbf16, #tpu.memory_space<vmem>>) target(%dma_start3A_93 : memref<10240x256xbf16, #tpu.memory_space<vmem_shared>>) offsets(%dma_start3A_90 : memref<50xi32, #tpu.memory_space<vmem>>) semaphore(%run_scoped3A : memref<!tpu.dma_semaphore, #tpu.memory_space<semaphore_mem>>) {add = true}
        %dma_wait3A_94 = arith.constant 0 : i32
        %dma_wait3A_95 = tpu.memref_slice %arg9[%add3A_50, %dma_wait3A_94] : memref<100x50xi32, #tpu.memory_space<vmem>> -> memref<1x50xi32, #tpu.memory_space<vmem>>
        %dma_wait3A_96 = tpu.memref_squeeze %dma_wait3A_95 : memref<1x50xi32, #tpu.memory_space<vmem>> -> memref<50xi32, #tpu.memory_space<vmem>>
        %dma_wait3A_97 = arith.constant 0 : i32
        %dma_wait3A_98 = arith.constant 0 : i32
        %dma_wait3A_99 = tpu.memref_slice %arg7[%dma_wait3A_97, %dma_wait3A_98] : memref<10240x256xbf16, #tpu.memory_space<vmem_shared>> -> memref<10240x256xbf16, #tpu.memory_space<vmem_shared>>
        tpu.wait_indirect_dma semaphore(%run_scoped3A : memref<!tpu.dma_semaphore, #tpu.memory_space<semaphore_mem>>) src(%arg11 : memref<50x256xbf16, #tpu.memory_space<vmem>>) dst(%dma_wait3A_99 : memref<10240x256xbf16, #tpu.memory_space<vmem_shared>>)
        tpu.yield
      }) : () -> ()
      %lt3A_57 = arith.constant 24 : i32
      %lt3A_58 = arith.cmpi slt, %scan3A_38, %lt3A_57 : i32
      %convert_element_type3A_59 = arith.extui %lt3A_58 : i1 to i32
      %cond3A_60 = arith.constant 0 : i32
      %cond3A_61 = arith.cmpi ne, %convert_element_type3A_59, %cond3A_60 : i32
      scf.if %cond3A_61 {
        %add3A_88 = arith.constant 4 : i32
        %add3A_89 = arith.addi %add3A_50, %add3A_88 : i32
        %dma_start3A_90 = arith.constant 0 : i32
        %dma_start3A_91 = tpu.memref_slice %arg8[%add3A_89, %dma_start3A_90] : memref<100x50xi32, #tpu.memory_space<vmem>> -> memref<1x50xi32, #tpu.memory_space<vmem>>
        %dma_start3A_92 = tpu.memref_squeeze %dma_start3A_91 : memref<1x50xi32, #tpu.memory_space<vmem>> -> memref<50xi32, #tpu.memory_space<vmem>>
        %dma_start3A_93 = arith.constant 0 : i32
        %dma_start3A_94 = arith.constant 0 : i32
        %dma_start3A_95 = tpu.memref_slice %arg2[%dma_start3A_93, %dma_start3A_94] : memref<10000x256xbf16, #tpu.memory_space<hbm>> -> memref<10000x256xbf16, #tpu.memory_space<hbm>>
        tpu.enqueue_indirect_dma source(%dma_start3A_95 : memref<10000x256xbf16, #tpu.memory_space<hbm>>) target(%arg11 : memref<50x256xbf16, #tpu.memory_space<vmem>>) offsets(%dma_start3A_92 : memref<50xi32, #tpu.memory_space<vmem>>) semaphore(%arg15 : memref<!tpu.dma_semaphore, #tpu.memory_space<semaphore_mem>>)
      } else {
      }
      %add3A_62 = arith.constant 2 : i32
      %add3A_63 = arith.addi %mul3A_40, %add3A_62 : i32
      %dma_wait3A_64 = arith.constant 0 : i32
      %dma_wait3A_65 = tpu.memref_slice %arg8[%add3A_63, %dma_wait3A_64] : memref<100x50xi32, #tpu.memory_space<vmem>> -> memref<1x50xi32, #tpu.memory_space<vmem>>
      %dma_wait3A_66 = tpu.memref_squeeze %dma_wait3A_65 : memref<1x50xi32, #tpu.memory_space<vmem>> -> memref<50xi32, #tpu.memory_space<vmem>>
      %dma_wait3A_67 = arith.constant 0 : i32
      %dma_wait3A_68 = arith.constant 0 : i32
      %dma_wait3A_69 = tpu.memref_slice %arg2[%dma_wait3A_67, %dma_wait3A_68] : memref<10000x256xbf16, #tpu.memory_space<hbm>> -> memref<10000x256xbf16, #tpu.memory_space<hbm>>
      tpu.wait_indirect_dma semaphore(%arg16 : memref<!tpu.dma_semaphore, #tpu.memory_space<semaphore_mem>>) src(%dma_wait3A_69 : memref<10000x256xbf16, #tpu.memory_space<hbm>>) dst(%arg12 : memref<50x256xbf16, #tpu.memory_space<vmem>>)
      "tpu.region"() ({
        %run_scoped3A = tpu.sem_alloc : memref<!tpu.dma_semaphore, #tpu.memory_space<semaphore_mem>>
        %dma_start3A_88 = arith.constant 0 : i32
        %dma_start3A_89 = tpu.memref_slice %arg9[%add3A_63, %dma_start3A_88] : memref<100x50xi32, #tpu.memory_space<vmem>> -> memref<1x50xi32, #tpu.memory_space<vmem>>
        %dma_start3A_90 = tpu.memref_squeeze %dma_start3A_89 : memref<1x50xi32, #tpu.memory_space<vmem>> -> memref<50xi32, #tpu.memory_space<vmem>>
        %dma_start3A_91 = arith.constant 0 : i32
        %dma_start3A_92 = arith.constant 0 : i32
        %dma_start3A_93 = tpu.memref_slice %arg7[%dma_start3A_91, %dma_start3A_92] : memref<10240x256xbf16, #tpu.memory_space<vmem_shared>> -> memref<10240x256xbf16, #tpu.memory_space<vmem_shared>>
        tpu.enqueue_indirect_dma source(%arg12 : memref<50x256xbf16, #tpu.memory_space<vmem>>) target(%dma_start3A_93 : memref<10240x256xbf16, #tpu.memory_space<vmem_shared>>) offsets(%dma_start3A_90 : memref<50xi32, #tpu.memory_space<vmem>>) semaphore(%run_scoped3A : memref<!tpu.dma_semaphore, #tpu.memory_space<semaphore_mem>>) {add = true}
        %dma_wait3A_94 = arith.constant 0 : i32
        %dma_wait3A_95 = tpu.memref_slice %arg9[%add3A_63, %dma_wait3A_94] : memref<100x50xi32, #tpu.memory_space<vmem>> -> memref<1x50xi32, #tpu.memory_space<vmem>>
        %dma_wait3A_96 = tpu.memref_squeeze %dma_wait3A_95 : memref<1x50xi32, #tpu.memory_space<vmem>> -> memref<50xi32, #tpu.memory_space<vmem>>
        %dma_wait3A_97 = arith.constant 0 : i32
        %dma_wait3A_98 = arith.constant 0 : i32
        %dma_wait3A_99 = tpu.memref_slice %arg7[%dma_wait3A_97, %dma_wait3A_98] : memref<10240x256xbf16, #tpu.memory_space<vmem_shared>> -> memref<10240x256xbf16, #tpu.memory_space<vmem_shared>>
        tpu.wait_indirect_dma semaphore(%run_scoped3A : memref<!tpu.dma_semaphore, #tpu.memory_space<semaphore_mem>>) src(%arg12 : memref<50x256xbf16, #tpu.memory_space<vmem>>) dst(%dma_wait3A_99 : memref<10240x256xbf16, #tpu.memory_space<vmem_shared>>)
        tpu.yield
      }) : () -> ()
      %lt3A_70 = arith.constant 24 : i32
      %lt3A_71 = arith.cmpi slt, %scan3A_38, %lt3A_70 : i32
      %convert_element_type3A_72 = arith.extui %lt3A_71 : i1 to i32
      %cond3A_73 = arith.constant 0 : i32
      %cond3A_74 = arith.cmpi ne, %convert_element_type3A_72, %cond3A_73 : i32
      scf.if %cond3A_74 {
        %add3A_88 = arith.constant 4 : i32
        %add3A_89 = arith.addi %add3A_63, %add3A_88 : i32
        %dma_start3A_90 = arith.constant 0 : i32
        %dma_start3A_91 = tpu.memref_slice %arg8[%add3A_89, %dma_start3A_90] : memref<100x50xi32, #tpu.memory_space<vmem>> -> memref<1x50xi32, #tpu.memory_space<vmem>>
        %dma_start3A_92 = tpu.memref_squeeze %dma_start3A_91 : memref<1x50xi32, #tpu.memory_space<vmem>> -> memref<50xi32, #tpu.memory_space<vmem>>
        %dma_start3A_93 = arith.constant 0 : i32
        %dma_start3A_94 = arith.constant 0 : i32
        %dma_start3A_95 = tpu.memref_slice %arg2[%dma_start3A_93, %dma_start3A_94] : memref<10000x256xbf16, #tpu.memory_space<hbm>> -> memref<10000x256xbf16, #tpu.memory_space<hbm>>
        tpu.enqueue_indirect_dma source(%dma_start3A_95 : memref<10000x256xbf16, #tpu.memory_space<hbm>>) target(%arg12 : memref<50x256xbf16, #tpu.memory_space<vmem>>) offsets(%dma_start3A_92 : memref<50xi32, #tpu.memory_space<vmem>>) semaphore(%arg16 : memref<!tpu.dma_semaphore, #tpu.memory_space<semaphore_mem>>)
      } else {
      }
      %add3A_75 = arith.constant 3 : i32
      %add3A_76 = arith.addi %mul3A_40, %add3A_75 : i32
      %dma_wait3A_77 = arith.constant 0 : i32
      %dma_wait3A_78 = tpu.memref_slice %arg8[%add3A_76, %dma_wait3A_77] : memref<100x50xi32, #tpu.memory_space<vmem>> -> memref<1x50xi32, #tpu.memory_space<vmem>>
      %dma_wait3A_79 = tpu.memref_squeeze %dma_wait3A_78 : memref<1x50xi32, #tpu.memory_space<vmem>> -> memref<50xi32, #tpu.memory_space<vmem>>
      %dma_wait3A_80 = arith.constant 0 : i32
      %dma_wait3A_81 = arith.constant 0 : i32
      %dma_wait3A_82 = tpu.memref_slice %arg2[%dma_wait3A_80, %dma_wait3A_81] : memref<10000x256xbf16, #tpu.memory_space<hbm>> -> memref<10000x256xbf16, #tpu.memory_space<hbm>>
      tpu.wait_indirect_dma semaphore(%arg17 : memref<!tpu.dma_semaphore, #tpu.memory_space<semaphore_mem>>) src(%dma_wait3A_82 : memref<10000x256xbf16, #tpu.memory_space<hbm>>) dst(%arg13 : memref<50x256xbf16, #tpu.memory_space<vmem>>)
      "tpu.region"() ({
        %run_scoped3A = tpu.sem_alloc : memref<!tpu.dma_semaphore, #tpu.memory_space<semaphore_mem>>
        %dma_start3A_88 = arith.constant 0 : i32
        %dma_start3A_89 = tpu.memref_slice %arg9[%add3A_76, %dma_start3A_88] : memref<100x50xi32, #tpu.memory_space<vmem>> -> memref<1x50xi32, #tpu.memory_space<vmem>>
        %dma_start3A_90 = tpu.memref_squeeze %dma_start3A_89 : memref<1x50xi32, #tpu.memory_space<vmem>> -> memref<50xi32, #tpu.memory_space<vmem>>
        %dma_start3A_91 = arith.constant 0 : i32
        %dma_start3A_92 = arith.constant 0 : i32
        %dma_start3A_93 = tpu.memref_slice %arg7[%dma_start3A_91, %dma_start3A_92] : memref<10240x256xbf16, #tpu.memory_space<vmem_shared>> -> memref<10240x256xbf16, #tpu.memory_space<vmem_shared>>
        tpu.enqueue_indirect_dma source(%arg13 : memref<50x256xbf16, #tpu.memory_space<vmem>>) target(%dma_start3A_93 : memref<10240x256xbf16, #tpu.memory_space<vmem_shared>>) offsets(%dma_start3A_90 : memref<50xi32, #tpu.memory_space<vmem>>) semaphore(%run_scoped3A : memref<!tpu.dma_semaphore, #tpu.memory_space<semaphore_mem>>) {add = true}
        %dma_wait3A_94 = arith.constant 0 : i32
        %dma_wait3A_95 = tpu.memref_slice %arg9[%add3A_76, %dma_wait3A_94] : memref<100x50xi32, #tpu.memory_space<vmem>> -> memref<1x50xi32, #tpu.memory_space<vmem>>
        %dma_wait3A_96 = tpu.memref_squeeze %dma_wait3A_95 : memref<1x50xi32, #tpu.memory_space<vmem>> -> memref<50xi32, #tpu.memory_space<vmem>>
        %dma_wait3A_97 = arith.constant 0 : i32
        %dma_wait3A_98 = arith.constant 0 : i32
        %dma_wait3A_99 = tpu.memref_slice %arg7[%dma_wait3A_97, %dma_wait3A_98] : memref<10240x256xbf16, #tpu.memory_space<vmem_shared>> -> memref<10240x256xbf16, #tpu.memory_space<vmem_shared>>
        tpu.wait_indirect_dma semaphore(%run_scoped3A : memref<!tpu.dma_semaphore, #tpu.memory_space<semaphore_mem>>) src(%arg13 : memref<50x256xbf16, #tpu.memory_space<vmem>>) dst(%dma_wait3A_99 : memref<10240x256xbf16, #tpu.memory_space<vmem_shared>>)
        tpu.yield
      }) : () -> ()
      %lt3A_83 = arith.constant 24 : i32
      %lt3A_84 = arith.cmpi slt, %scan3A_38, %lt3A_83 : i32
      %convert_element_type3A_85 = arith.extui %lt3A_84 : i1 to i32
      %cond3A_86 = arith.constant 0 : i32
      %cond3A_87 = arith.cmpi ne, %convert_element_type3A_85, %cond3A_86 : i32
      scf.if %cond3A_87 {
        %add3A_88 = arith.constant 4 : i32
        %add3A_89 = arith.addi %add3A_76, %add3A_88 : i32
        %dma_start3A_90 = arith.constant 0 : i32
        %dma_start3A_91 = tpu.memref_slice %arg8[%add3A_89, %dma_start3A_90] : memref<100x50xi32, #tpu.memory_space<vmem>> -> memref<1x50xi32, #tpu.memory_space<vmem>>
        %dma_start3A_92 = tpu.memref_squeeze %dma_start3A_91 : memref<1x50xi32, #tpu.memory_space<vmem>> -> memref<50xi32, #tpu.memory_space<vmem>>
        %dma_start3A_93 = arith.constant 0 : i32
        %dma_start3A_94 = arith.constant 0 : i32
        %dma_start3A_95 = tpu.memref_slice %arg2[%dma_start3A_93, %dma_start3A_94] : memref<10000x256xbf16, #tpu.memory_space<hbm>> -> memref<10000x256xbf16, #tpu.memory_space<hbm>>
        tpu.enqueue_indirect_dma source(%dma_start3A_95 : memref<10000x256xbf16, #tpu.memory_space<hbm>>) target(%arg13 : memref<50x256xbf16, #tpu.memory_space<vmem>>) offsets(%dma_start3A_92 : memref<50xi32, #tpu.memory_space<vmem>>) semaphore(%arg17 : memref<!tpu.dma_semaphore, #tpu.memory_space<semaphore_mem>>)
      } else {
      }
    }
    %scan3A_32 = arith.constant 25 : i32
    %barrier3A_33 = arith.constant 0 : index
    tpu.barrier barrier_id(%barrier3A_33)
    %mul3A_34 = arith.constant 640 : i32
    %mul3A_35 = arith.muli %arg1, %mul3A_34 : i32
    %mul3A_36 = arith.constant 640 : i32
    %mul3A_37 = arith.muli %arg1, %mul3A_36 : i32
    "tpu.region"() ({
      %run_scoped3A = tpu.sem_alloc : memref<!tpu.dma_semaphore, #tpu.memory_space<semaphore_mem>>
      %dma_start3A_38 = arith.constant 0 : i32
      %dma_start3A_39 = tpu.memref_slice %arg6[%arg0, %mul3A_37, %dma_start3A_38] : memref<2x10240x256xbf16, #tpu.memory_space<hbm>> -> memref<1x640x256xbf16, #tpu.memory_space<hbm>>
      %dma_start3A_40 = tpu.memref_squeeze %dma_start3A_39 : memref<1x640x256xbf16, #tpu.memory_space<hbm>> -> memref<640x256xbf16, #tpu.memory_space<hbm>>
      %dma_start3A_41 = arith.constant 0 : i32
      %dma_start3A_42 = tpu.memref_slice %arg7[%mul3A_35, %dma_start3A_41] : memref<10240x256xbf16, #tpu.memory_space<vmem_shared>> -> memref<640x256xbf16, #tpu.memory_space<vmem_shared>>
      tpu.enqueue_dma source(%dma_start3A_42 : memref<640x256xbf16, #tpu.memory_space<vmem_shared>>) target(%dma_start3A_40 : memref<640x256xbf16, #tpu.memory_space<hbm>>) target_semaphore(%run_scoped3A : memref<!tpu.dma_semaphore, #tpu.memory_space<semaphore_mem>>)
      %dma_wait3A = arith.constant 0 : i32
      %dma_wait3A_43 = tpu.memref_slice %arg6[%arg0, %mul3A_37, %dma_wait3A] : memref<2x10240x256xbf16, #tpu.memory_space<hbm>> -> memref<1x640x256xbf16, #tpu.memory_space<hbm>>
      %dma_wait3A_44 = tpu.memref_squeeze %dma_wait3A_43 : memref<1x640x256xbf16, #tpu.memory_space<hbm>> -> memref<640x256xbf16, #tpu.memory_space<hbm>>
      %dma_wait3A_45 = arith.constant 0 : i32
      %dma_wait3A_46 = tpu.memref_slice %arg7[%mul3A_35, %dma_wait3A_45] : memref<10240x256xbf16, #tpu.memory_space<vmem_shared>> -> memref<640x256xbf16, #tpu.memory_space<vmem_shared>>
      tpu.wait_dma2 semaphore(%run_scoped3A : memref<!tpu.dma_semaphore, #tpu.memory_space<semaphore_mem>>) src(%dma_wait3A_46 : memref<640x256xbf16, #tpu.memory_space<vmem_shared>>) dst(%dma_wait3A_44 : memref<640x256xbf16, #tpu.memory_space<hbm>>)
      tpu.yield
    }) : () -> ()
    return
  }
}

module attributes {stable_mosaic.version = 14 : i64} {
  func.func @kern(%arg0: i32, %arg1: memref<2000x256xf32, #tpu.memory_space<vmem>>, %arg2: memref<256x256xf32, #tpu.memory_space<vmem>>, %arg3: memref<1x256xf32, #tpu.memory_space<vmem>>, %arg4: memref<2000x256xf32, #tpu.memory_space<vmem>>, %arg5: memref<2000x256xbf16, #tpu.memory_space<vmem>>) attributes {dimension_semantics = [#tpu.dimension_semantics<arbitrary>], iteration_bounds = array<i64: 5>, scalar_prefetch = 0 : i64, scratch_operands = 0 : i64, tpu.core_type = #tpu.core_type<tc>, window_params = [{transform_indices = @transform_0, window_bounds = array<i64: 2000, 256>}, {pipeline_mode = #tpu.pipeline_mode<synchronous>, transform_indices = @transform_1, window_bounds = array<i64: 256, 256>}, {pipeline_mode = #tpu.pipeline_mode<synchronous>, transform_indices = @transform_2, window_bounds = array<i64: 1, 256>}, {transform_indices = @transform_3, window_bounds = array<i64: 2000, 256>}, {transform_indices = @transform_4, window_bounds = array<i64: 2000, 256>}]} {
    %get3A = arith.constant 0 : index
    %get3A_0 = arith.constant 0 : index
    %get3A_1 = vector.load %arg1[%get3A, %get3A_0] : memref<2000x256xf32, #tpu.memory_space<vmem>>, vector<2000x256xf32>
    %get3A_2 = arith.constant 0 : index
    %get3A_3 = arith.constant 0 : index
    %get3A_4 = vector.load %arg2[%get3A_2, %get3A_3] : memref<256x256xf32, #tpu.memory_space<vmem>>, vector<256x256xf32>
    %dot_general3A = arith.constant dense<0.000000e+00> : vector<2000x256xf32>
    %dot_general3A_5 = tpu.matmul %get3A_1, %get3A_4, %dot_general3A {dimension_numbers = #tpu.dot_dimension_numbers<[1], [0], [0], [1], [0, 0, 1, 1], [], []>, transpose_lhs_hint = false} : vector<2000x256xf32>, vector<256x256xf32>, vector<2000x256xf32> -> vector<2000x256xf32>
    %get3A_6 = arith.constant 0 : index
    %get3A_7 = arith.constant 0 : index
    %get3A_8 = vector.load %arg3[%get3A_6, %get3A_7] : memref<1x256xf32, #tpu.memory_space<vmem>>, vector<1x256xf32>
    %get3A_9 = vector.shape_cast %get3A_8 : vector<1x256xf32> to vector<256xf32>
    %broadcast_in_dim3A = vector.shape_cast %get3A_9 : vector<256xf32> to vector<1x256xf32>
    %add3A = vector.broadcast %broadcast_in_dim3A : vector<1x256xf32> to vector<2000x256xf32>
    %add3A_10 = arith.addf %dot_general3A_5, %add3A : vector<2000x256xf32>
    %swap3A = arith.constant 0 : index
    %swap3A_11 = arith.constant 0 : index
    %swap3A_12 = vector.load %arg4[%swap3A, %swap3A_11] : memref<2000x256xf32, #tpu.memory_space<vmem>>, vector<2000x256xf32>
    tpu.vector_store %arg4[%swap3A, %swap3A_11], %add3A_10 {strides = array<i32>} : memref<2000x256xf32, #tpu.memory_space<vmem>>, vector<2000x256xf32>,
    %convert_element_type3A = arith.truncf %add3A_10 : vector<2000x256xf32> to vector<2000x256xbf16>
    %swap3A_13 = arith.constant 0 : index
    %swap3A_14 = arith.constant 0 : index
    %swap3A_15 = vector.load %arg5[%swap3A_13, %swap3A_14] : memref<2000x256xbf16, #tpu.memory_space<vmem>>, vector<2000x256xbf16>
    tpu.vector_store %arg5[%swap3A_13, %swap3A_14], %convert_element_type3A {strides = array<i32>} : memref<2000x256xbf16, #tpu.memory_space<vmem>>, vector<2000x256xbf16>,
    return
  }
  func.func @transform_0(%arg0: i32) -> (i32, i32) {
    %c0_i32 = arith.constant 0 : i32
    %c0_i32_0 = arith.constant 0 : i32
    return %arg0, %c0_i32 : i32, i32
  }
  func.func @transform_1(%arg0: i32) -> (i32, i32) {
    %c0_i32 = arith.constant 0 : i32
    %c0_i32_0 = arith.constant 0 : i32
    %c0_i32_1 = arith.constant 0 : i32
    return %c0_i32, %c0_i32_0 : i32, i32
  }
  func.func @transform_2(%arg0: i32) -> (i32, i32) {
    %c0_i32 = arith.constant 0 : i32
    %c0_i32_0 = arith.constant 0 : i32
    %c0_i32_1 = arith.constant 0 : i32
    return %c0_i32, %c0_i32_0 : i32, i32
  }
  func.func @transform_3(%arg0: i32) -> (i32, i32) {
    %c0_i32 = arith.constant 0 : i32
    %c0_i32_0 = arith.constant 0 : i32
    return %arg0, %c0_i32 : i32, i32
  }
  func.func @transform_4(%arg0: i32) -> (i32, i32) {
    %c0_i32 = arith.constant 0 : i32
    %c0_i32_0 = arith.constant 0 : i32
    return %arg0, %c0_i32 : i32, i32
  }
}

module attributes {stable_mosaic.version = 14 : i64} {
  func.func @kern(%arg0: i32, %arg1: memref<2x2000x256xbf16, #tpu.memory_space<vmem>>, %arg2: memref<1x2000x16xf32, #tpu.memory_space<vmem>>, %arg3: memref<2000x1xf32, #tpu.memory_space<vmem>>, %arg4: memref<256x256xf32, #tpu.memory_space<vmem>>, %arg5: memref<1x256xf32, #tpu.memory_space<vmem>>, %arg6: memref<2000x256xbf16, #tpu.memory_space<vmem>>) attributes {dimension_semantics = [#tpu.dimension_semantics<arbitrary>], iteration_bounds = array<i64: 5>, scalar_prefetch = 0 : i64, scratch_operands = 0 : i64, tpu.core_type = #tpu.core_type<tc>, window_params = [{transform_indices = @transform_0, window_bounds = array<i64: 2, 2000, 256>}, {transform_indices = @transform_1, window_bounds = array<i64: 1, 2000, 16>}, {transform_indices = @transform_2, window_bounds = array<i64: 2000, 1>}, {pipeline_mode = #tpu.pipeline_mode<synchronous>, transform_indices = @transform_3, window_bounds = array<i64: 256, 256>}, {pipeline_mode = #tpu.pipeline_mode<synchronous>, transform_indices = @transform_4, window_bounds = array<i64: 1, 256>}, {transform_indices = @transform_5, window_bounds = array<i64: 2000, 256>}]} {
    %get3A = arith.constant 0 : index
    %get3A_0 = arith.constant 0 : index
    %get3A_1 = arith.constant 0 : index
    %get3A_2 = vector.load %arg2[%get3A, %get3A_0, %get3A_1] : memref<1x2000x16xf32, #tpu.memory_space<vmem>>, vector<1x2000x1xf32>
    %get3A_3 = vector.shape_cast %get3A_2 : vector<1x2000x1xf32> to vector<2000x1xf32>
    %add3A = arith.constant 9.99999993E-9 : f32
    %add3A_4 = vector.broadcast %add3A : f32 to vector<2000x1xf32>
    %add3A_5 = arith.addf %get3A_3, %add3A_4 : vector<2000x1xf32>
    %div3A = arith.constant 1.000000e+00 : f32
    %div3A_6 = vector.broadcast %div3A : f32 to vector<2000x1xf32>
    %div3A_7 = arith.divf %div3A_6, %add3A_5 : vector<2000x1xf32>
    %get3A_8 = arith.constant 0 : index
    %get3A_9 = arith.constant 0 : index
    %get3A_10 = arith.constant 0 : index
    %get3A_11 = vector.load %arg1[%get3A_8, %get3A_9, %get3A_10] : memref<2x2000x256xbf16, #tpu.memory_space<vmem>>, vector<1x2000x256xbf16>
    %get3A_12 = vector.shape_cast %get3A_11 : vector<1x2000x256xbf16> to vector<2000x256xbf16>
    %convert_element_type3A = arith.extf %get3A_12 : vector<2000x256xbf16> to vector<2000x256xf32>
    %get3A_13 = arith.constant 1 : index
    %get3A_14 = arith.constant 0 : index
    %get3A_15 = arith.constant 0 : index
    %get3A_16 = vector.load %arg1[%get3A_13, %get3A_14, %get3A_15] : memref<2x2000x256xbf16, #tpu.memory_space<vmem>>, vector<1x2000x256xbf16>
    %get3A_17 = vector.shape_cast %get3A_16 : vector<1x2000x256xbf16> to vector<2000x256xbf16>
    %convert_element_type3A_18 = arith.extf %get3A_17 : vector<2000x256xbf16> to vector<2000x256xf32>
    %add3A_19 = arith.addf %convert_element_type3A, %convert_element_type3A_18 : vector<2000x256xf32>
    %mul3A = vector.broadcast %div3A_7 : vector<2000x1xf32> to vector<2000x256xf32>
    %mul3A_20 = arith.mulf %add3A_19, %mul3A : vector<2000x256xf32>
    %get3A_21 = arith.constant 0 : index
    %get3A_22 = arith.constant 0 : index
    %get3A_23 = vector.load %arg4[%get3A_21, %get3A_22] : memref<256x256xf32, #tpu.memory_space<vmem>>, vector<256x256xf32>
    %dot_general3A = arith.constant dense<0.000000e+00> : vector<2000x256xf32>
    %dot_general3A_24 = tpu.matmul %mul3A_20, %get3A_23, %dot_general3A {dimension_numbers = #tpu.dot_dimension_numbers<[1], [0], [0], [1], [0, 0, 1, 1], [], []>, transpose_lhs_hint = false} : vector<2000x256xf32>, vector<256x256xf32>, vector<2000x256xf32> -> vector<2000x256xf32>
    %get3A_25 = arith.constant 0 : index
    %get3A_26 = arith.constant 0 : index
    %get3A_27 = vector.load %arg5[%get3A_25, %get3A_26] : memref<1x256xf32, #tpu.memory_space<vmem>>, vector<1x256xf32>
    %get3A_28 = vector.shape_cast %get3A_27 : vector<1x256xf32> to vector<256xf32>
    %broadcast_in_dim3A = vector.shape_cast %get3A_28 : vector<256xf32> to vector<1x256xf32>
    %add3A_29 = vector.broadcast %broadcast_in_dim3A : vector<1x256xf32> to vector<2000x256xf32>
    %add3A_30 = arith.addf %dot_general3A_24, %add3A_29 : vector<2000x256xf32>
    %get3A_31 = arith.constant 0 : index
    %get3A_32 = arith.constant 0 : index
    %get3A_33 = vector.load %arg3[%get3A_31, %get3A_32] : memref<2000x1xf32, #tpu.memory_space<vmem>>, vector<2000x1xf32>
    %mul3A_34 = vector.broadcast %get3A_33 : vector<2000x1xf32> to vector<2000x256xf32>
    %mul3A_35 = arith.mulf %add3A_30, %mul3A_34 : vector<2000x256xf32>
    %convert_element_type3A_36 = arith.truncf %mul3A_35 : vector<2000x256xf32> to vector<2000x256xbf16>
    %swap3A = arith.constant 0 : index
    %swap3A_37 = arith.constant 0 : index
    %swap3A_38 = vector.load %arg6[%swap3A, %swap3A_37] : memref<2000x256xbf16, #tpu.memory_space<vmem>>, vector<2000x256xbf16>
    tpu.vector_store %arg6[%swap3A, %swap3A_37], %convert_element_type3A_36 {strides = array<i32>} : memref<2000x256xbf16, #tpu.memory_space<vmem>>, vector<2000x256xbf16>,
    return
  }
  func.func @transform_0(%arg0: i32) -> (i32, i32, i32) {
    %c0_i32 = arith.constant 0 : i32
    %c0_i32_0 = arith.constant 0 : i32
    %c0_i32_1 = arith.constant 0 : i32
    return %c0_i32, %arg0, %c0_i32_0 : i32, i32, i32
  }
  func.func @transform_1(%arg0: i32) -> (i32, i32, i32) {
    %c0_i32 = arith.constant 0 : i32
    %c0_i32_0 = arith.constant 0 : i32
    %c0_i32_1 = arith.constant 0 : i32
    return %c0_i32, %arg0, %c0_i32_0 : i32, i32, i32
  }
  func.func @transform_2(%arg0: i32) -> (i32, i32) {
    %c0_i32 = arith.constant 0 : i32
    %c0_i32_0 = arith.constant 0 : i32
    return %arg0, %c0_i32 : i32, i32
  }
  func.func @transform_3(%arg0: i32) -> (i32, i32) {
    %c0_i32 = arith.constant 0 : i32
    %c0_i32_0 = arith.constant 0 : i32
    %c0_i32_1 = arith.constant 0 : i32
    return %c0_i32, %c0_i32_0 : i32, i32
  }
  func.func @transform_4(%arg0: i32) -> (i32, i32) {
    %c0_i32 = arith.constant 0 : i32
    %c0_i32_0 = arith.constant 0 : i32
    %c0_i32_1 = arith.constant 0 : i32
    return %c0_i32, %c0_i32_0 : i32, i32
  }
  func.func @transform_5(%arg0: i32) -> (i32, i32) {
    %c0_i32 = arith.constant 0 : i32
    %c0_i32_0 = arith.constant 0 : i32
    return %arg0, %c0_i32 : i32, i32
  }
}

module attributes {stable_mosaic.version = 14 : i64} {
  func.func @kern(%arg0: i32, %arg1: memref<2x2000x256xbf16, #tpu.memory_space<vmem>>, %arg2: memref<1x2000x16xf32, #tpu.memory_space<vmem>>, %arg3: memref<2000x256xf32, #tpu.memory_space<vmem>>, %arg4: memref<1x256xf32, #tpu.memory_space<vmem>>, %arg5: memref<1x256xf32, #tpu.memory_space<vmem>>, %arg6: memref<256x256xf32, #tpu.memory_space<vmem>>, %arg7: memref<1x256xf32, #tpu.memory_space<vmem>>, %arg8: memref<2000x256xf32, #tpu.memory_space<vmem>>, %arg9: memref<2000x256xf32, #tpu.memory_space<vmem>>, %arg10: memref<2000x256xbf16, #tpu.memory_space<vmem>>) attributes {dimension_semantics = [#tpu.dimension_semantics<arbitrary>], iteration_bounds = array<i64: 5>, scalar_prefetch = 0 : i64, scratch_operands = 0 : i64, tpu.core_type = #tpu.core_type<tc>, window_params = [{transform_indices = @transform_0, window_bounds = array<i64: 2, 2000, 256>}, {transform_indices = @transform_1, window_bounds = array<i64: 1, 2000, 16>}, {transform_indices = @transform_2, window_bounds = array<i64: 2000, 256>}, {pipeline_mode = #tpu.pipeline_mode<synchronous>, transform_indices = @transform_3, window_bounds = array<i64: 1, 256>}, {pipeline_mode = #tpu.pipeline_mode<synchronous>, transform_indices = @transform_4, window_bounds = array<i64: 1, 256>}, {pipeline_mode = #tpu.pipeline_mode<synchronous>, transform_indices = @transform_5, window_bounds = array<i64: 256, 256>}, {pipeline_mode = #tpu.pipeline_mode<synchronous>, transform_indices = @transform_6, window_bounds = array<i64: 1, 256>}, {transform_indices = @transform_7, window_bounds = array<i64: 2000, 256>}, {transform_indices = @transform_8, window_bounds = array<i64: 2000, 256>}, {transform_indices = @transform_9, window_bounds = array<i64: 2000, 256>}]} {
    %get3A = arith.constant 0 : index
    %get3A_0 = arith.constant 0 : index
    %get3A_1 = arith.constant 0 : index
    %get3A_2 = vector.load %arg2[%get3A, %get3A_0, %get3A_1] : memref<1x2000x16xf32, #tpu.memory_space<vmem>>, vector<1x2000x1xf32>
    %get3A_3 = vector.shape_cast %get3A_2 : vector<1x2000x1xf32> to vector<2000x1xf32>
    %max3A = arith.constant 1.000000e+00 : f32
    %max3A_4 = vector.broadcast %max3A : f32 to vector<2000x1xf32>
    %max3A_5 = arith.maximumf %get3A_3, %max3A_4 : vector<2000x1xf32>
    %div3A = arith.constant 1.000000e+00 : f32
    %div3A_6 = vector.broadcast %div3A : f32 to vector<2000x1xf32>
    %div3A_7 = arith.divf %div3A_6, %max3A_5 : vector<2000x1xf32>
    %get3A_8 = arith.constant 0 : index
    %get3A_9 = arith.constant 0 : index
    %get3A_10 = arith.constant 0 : index
    %get3A_11 = vector.load %arg1[%get3A_8, %get3A_9, %get3A_10] : memref<2x2000x256xbf16, #tpu.memory_space<vmem>>, vector<1x2000x256xbf16>
    %get3A_12 = vector.shape_cast %get3A_11 : vector<1x2000x256xbf16> to vector<2000x256xbf16>
    %convert_element_type3A = arith.extf %get3A_12 : vector<2000x256xbf16> to vector<2000x256xf32>
    %get3A_13 = arith.constant 1 : index
    %get3A_14 = arith.constant 0 : index
    %get3A_15 = arith.constant 0 : index
    %get3A_16 = vector.load %arg1[%get3A_13, %get3A_14, %get3A_15] : memref<2x2000x256xbf16, #tpu.memory_space<vmem>>, vector<1x2000x256xbf16>
    %get3A_17 = vector.shape_cast %get3A_16 : vector<1x2000x256xbf16> to vector<2000x256xbf16>
    %convert_element_type3A_18 = arith.extf %get3A_17 : vector<2000x256xbf16> to vector<2000x256xf32>
    %add3A = arith.addf %convert_element_type3A, %convert_element_type3A_18 : vector<2000x256xf32>
    %mul3A = vector.broadcast %div3A_7 : vector<2000x1xf32> to vector<2000x256xf32>
    %mul3A_19 = arith.mulf %add3A, %mul3A : vector<2000x256xf32>
    %get3A_20 = arith.constant 0 : index
    %get3A_21 = arith.constant 0 : index
    %get3A_22 = vector.load %arg3[%get3A_20, %get3A_21] : memref<2000x256xf32, #tpu.memory_space<vmem>>, vector<2000x256xf32>
    %add3A_23 = arith.addf %mul3A_19, %get3A_22 : vector<2000x256xf32>
    %reduce_sum3A = arith.constant dense<0.000000e+00> : vector<2000xf32>
    %reduce_sum3A_24 = vector.multi_reduction <add>, %add3A_23, %reduce_sum3A [1] : vector<2000x256xf32> to vector<2000xf32>
    %broadcast_in_dim3A = vector.shape_cast %reduce_sum3A_24 : vector<2000xf32> to vector<2000x1xf32>
    %div3A_25 = arith.constant 2.560000e+02 : f32
    %div3A_26 = vector.broadcast %div3A_25 : f32 to vector<2000x1xf32>
    %div3A_27 = arith.divf %broadcast_in_dim3A, %div3A_26 : vector<2000x1xf32>
    %sub3A = vector.broadcast %div3A_27 : vector<2000x1xf32> to vector<2000x256xf32>
    %sub3A_28 = arith.subf %add3A_23, %sub3A : vector<2000x256xf32>
    %mul3A_29 = arith.mulf %sub3A_28, %sub3A_28 : vector<2000x256xf32>
    %reduce_sum3A_30 = arith.constant dense<0.000000e+00> : vector<2000xf32>
    %reduce_sum3A_31 = vector.multi_reduction <add>, %mul3A_29, %reduce_sum3A_30 [1] : vector<2000x256xf32> to vector<2000xf32>
    %broadcast_in_dim3A_32 = vector.shape_cast %reduce_sum3A_31 : vector<2000xf32> to vector<2000x1xf32>
    %div3A_33 = arith.constant 2.560000e+02 : f32
    %div3A_34 = vector.broadcast %div3A_33 : f32 to vector<2000x1xf32>
    %div3A_35 = arith.divf %broadcast_in_dim3A_32, %div3A_34 : vector<2000x1xf32>
    %add3A_36 = arith.constant 9.99999974E-6 : f32
    %add3A_37 = vector.broadcast %add3A_36 : f32 to vector<2000x1xf32>
    %add3A_38 = arith.addf %div3A_35, %add3A_37 : vector<2000x1xf32>
    %rsqrt3A = math.rsqrt %add3A_38 : vector<2000x1xf32>
    %mul3A_39 = vector.broadcast %rsqrt3A : vector<2000x1xf32> to vector<2000x256xf32>
    %mul3A_40 = arith.mulf %sub3A_28, %mul3A_39 : vector<2000x256xf32>
    %get3A_41 = arith.constant 0 : index
    %get3A_42 = arith.constant 0 : index
    %get3A_43 = vector.load %arg4[%get3A_41, %get3A_42] : memref<1x256xf32, #tpu.memory_space<vmem>>, vector<1x256xf32>
    %get3A_44 = vector.shape_cast %get3A_43 : vector<1x256xf32> to vector<256xf32>
    %broadcast_in_dim3A_45 = vector.shape_cast %get3A_44 : vector<256xf32> to vector<1x256xf32>
    %mul3A_46 = vector.broadcast %broadcast_in_dim3A_45 : vector<1x256xf32> to vector<2000x256xf32>
    %mul3A_47 = arith.mulf %mul3A_40, %mul3A_46 : vector<2000x256xf32>
    %get3A_48 = arith.constant 0 : index
    %get3A_49 = arith.constant 0 : index
    %get3A_50 = vector.load %arg5[%get3A_48, %get3A_49] : memref<1x256xf32, #tpu.memory_space<vmem>>, vector<1x256xf32>
    %get3A_51 = vector.shape_cast %get3A_50 : vector<1x256xf32> to vector<256xf32>
    %broadcast_in_dim3A_52 = vector.shape_cast %get3A_51 : vector<256xf32> to vector<1x256xf32>
    %add3A_53 = vector.broadcast %broadcast_in_dim3A_52 : vector<1x256xf32> to vector<2000x256xf32>
    %add3A_54 = arith.addf %mul3A_47, %add3A_53 : vector<2000x256xf32>
    %ge3A = arith.constant 0.000000e+00 : f32
    %ge3A_55 = vector.broadcast %ge3A : f32 to vector<2000x256xf32>
    %ge3A_56 = arith.cmpf oge, %add3A_54, %ge3A_55 : vector<2000x256xf32>
    %mul3A_57 = arith.constant 2.000000e-01 : f32
    %mul3A_58 = vector.broadcast %mul3A_57 : f32 to vector<2000x256xf32>
    %mul3A_59 = arith.mulf %mul3A_58, %add3A_54 : vector<2000x256xf32>
    %select_n3A = arith.select %ge3A_56, %add3A_54, %mul3A_59 : vector<2000x256xi1>, vector<2000x256xf32>
    %swap3A = arith.constant 0 : index
    %swap3A_60 = arith.constant 0 : index
    %swap3A_61 = vector.load %arg8[%swap3A, %swap3A_60] : memref<2000x256xf32, #tpu.memory_space<vmem>>, vector<2000x256xf32>
    tpu.vector_store %arg8[%swap3A, %swap3A_60], %select_n3A {strides = array<i32>} : memref<2000x256xf32, #tpu.memory_space<vmem>>, vector<2000x256xf32>,
    %get3A_62 = arith.constant 0 : index
    %get3A_63 = arith.constant 0 : index
    %get3A_64 = vector.load %arg6[%get3A_62, %get3A_63] : memref<256x256xf32, #tpu.memory_space<vmem>>, vector<256x256xf32>
    %dot_general3A = arith.constant dense<0.000000e+00> : vector<2000x256xf32>
    %dot_general3A_65 = tpu.matmul %select_n3A, %get3A_64, %dot_general3A {dimension_numbers = #tpu.dot_dimension_numbers<[1], [0], [0], [1], [0, 0, 1, 1], [], []>, transpose_lhs_hint = false} : vector<2000x256xf32>, vector<256x256xf32>, vector<2000x256xf32> -> vector<2000x256xf32>
    %get3A_66 = arith.constant 0 : index
    %get3A_67 = arith.constant 0 : index
    %get3A_68 = vector.load %arg7[%get3A_66, %get3A_67] : memref<1x256xf32, #tpu.memory_space<vmem>>, vector<1x256xf32>
    %get3A_69 = vector.shape_cast %get3A_68 : vector<1x256xf32> to vector<256xf32>
    %broadcast_in_dim3A_70 = vector.shape_cast %get3A_69 : vector<256xf32> to vector<1x256xf32>
    %add3A_71 = vector.broadcast %broadcast_in_dim3A_70 : vector<1x256xf32> to vector<2000x256xf32>
    %add3A_72 = arith.addf %dot_general3A_65, %add3A_71 : vector<2000x256xf32>
    %swap3A_73 = arith.constant 0 : index
    %swap3A_74 = arith.constant 0 : index
    %swap3A_75 = vector.load %arg9[%swap3A_73, %swap3A_74] : memref<2000x256xf32, #tpu.memory_space<vmem>>, vector<2000x256xf32>
    tpu.vector_store %arg9[%swap3A_73, %swap3A_74], %add3A_72 {strides = array<i32>} : memref<2000x256xf32, #tpu.memory_space<vmem>>, vector<2000x256xf32>,
    %convert_element_type3A_76 = arith.truncf %add3A_72 : vector<2000x256xf32> to vector<2000x256xbf16>
    %swap3A_77 = arith.constant 0 : index
    %swap3A_78 = arith.constant 0 : index
    %swap3A_79 = vector.load %arg10[%swap3A_77, %swap3A_78] : memref<2000x256xbf16, #tpu.memory_space<vmem>>, vector<2000x256xbf16>
    tpu.vector_store %arg10[%swap3A_77, %swap3A_78], %convert_element_type3A_76 {strides = array<i32>} : memref<2000x256xbf16, #tpu.memory_space<vmem>>, vector<2000x256xbf16>,
    return
  }
  func.func @transform_0(%arg0: i32) -> (i32, i32, i32) {
    %c0_i32 = arith.constant 0 : i32
    %c0_i32_0 = arith.constant 0 : i32
    %c0_i32_1 = arith.constant 0 : i32
    return %c0_i32, %arg0, %c0_i32_0 : i32, i32, i32
  }
  func.func @transform_1(%arg0: i32) -> (i32, i32, i32) {
    %c1_i32 = arith.constant 1 : i32
    %c0_i32 = arith.constant 0 : i32
    %c0_i32_0 = arith.constant 0 : i32
    return %c1_i32, %arg0, %c0_i32 : i32, i32, i32
  }
  func.func @transform_2(%arg0: i32) -> (i32, i32) {
    %c0_i32 = arith.constant 0 : i32
    %c0_i32_0 = arith.constant 0 : i32
    return %arg0, %c0_i32 : i32, i32
  }
  func.func @transform_3(%arg0: i32) -> (i32, i32) {
    %c0_i32 = arith.constant 0 : i32
    %c0_i32_0 = arith.constant 0 : i32
    %c0_i32_1 = arith.constant 0 : i32
    return %c0_i32, %c0_i32_0 : i32, i32
  }
  func.func @transform_4(%arg0: i32) -> (i32, i32) {
    %c0_i32 = arith.constant 0 : i32
    %c0_i32_0 = arith.constant 0 : i32
    %c0_i32_1 = arith.constant 0 : i32
    return %c0_i32, %c0_i32_0 : i32, i32
  }
  func.func @transform_5(%arg0: i32) -> (i32, i32) {
    %c0_i32 = arith.constant 0 : i32
    %c0_i32_0 = arith.constant 0 : i32
    %c0_i32_1 = arith.constant 0 : i32
    return %c0_i32, %c0_i32_0 : i32, i32
  }
  func.func @transform_6(%arg0: i32) -> (i32, i32) {
    %c0_i32 = arith.constant 0 : i32
    %c0_i32_0 = arith.constant 0 : i32
    %c0_i32_1 = arith.constant 0 : i32
    return %c0_i32, %c0_i32_0 : i32, i32
  }
  func.func @transform_7(%arg0: i32) -> (i32, i32) {
    %c0_i32 = arith.constant 0 : i32
    %c0_i32_0 = arith.constant 0 : i32
    return %arg0, %c0_i32 : i32, i32
  }
  func.func @transform_8(%arg0: i32) -> (i32, i32) {
    %c0_i32 = arith.constant 0 : i32
    %c0_i32_0 = arith.constant 0 : i32
    return %arg0, %c0_i32 : i32, i32
  }
  func.func @transform_9(%arg0: i32) -> (i32, i32) {
    %c0_i32 = arith.constant 0 : i32
    %c0_i32_0 = arith.constant 0 : i32
    return %arg0, %c0_i32 : i32, i32
  }
}

module attributes {stable_mosaic.version = 14 : i64} {
  func.func @kern(%arg0: i32, %arg1: memref<2x2000x256xbf16, #tpu.memory_space<vmem>>, %arg2: memref<1x2000x16xf32, #tpu.memory_space<vmem>>, %arg3: memref<2000x256xf32, #tpu.memory_space<vmem>>, %arg4: memref<1x256xf32, #tpu.memory_space<vmem>>, %arg5: memref<1x256xf32, #tpu.memory_space<vmem>>, %arg6: memref<2000x256xf32, #tpu.memory_space<vmem>>, %arg7: memref<2000x256xf32, #tpu.memory_space<vmem>>) attributes {dimension_semantics = [#tpu.dimension_semantics<arbitrary>], iteration_bounds = array<i64: 5>, scalar_prefetch = 0 : i64, scratch_operands = 0 : i64, tpu.core_type = #tpu.core_type<tc>, window_params = [{transform_indices = @transform_0, window_bounds = array<i64: 2, 2000, 256>}, {transform_indices = @transform_1, window_bounds = array<i64: 1, 2000, 16>}, {transform_indices = @transform_2, window_bounds = array<i64: 2000, 256>}, {pipeline_mode = #tpu.pipeline_mode<synchronous>, transform_indices = @transform_3, window_bounds = array<i64: 1, 256>}, {pipeline_mode = #tpu.pipeline_mode<synchronous>, transform_indices = @transform_4, window_bounds = array<i64: 1, 256>}, {transform_indices = @transform_5, window_bounds = array<i64: 2000, 256>}, {transform_indices = @transform_6, window_bounds = array<i64: 2000, 256>}]} {
    %get3A = arith.constant 0 : index
    %get3A_0 = arith.constant 0 : index
    %get3A_1 = arith.constant 0 : index
    %get3A_2 = vector.load %arg2[%get3A, %get3A_0, %get3A_1] : memref<1x2000x16xf32, #tpu.memory_space<vmem>>, vector<1x2000x1xf32>
    %get3A_3 = vector.shape_cast %get3A_2 : vector<1x2000x1xf32> to vector<2000x1xf32>
    %max3A = arith.constant 1.000000e+00 : f32
    %max3A_4 = vector.broadcast %max3A : f32 to vector<2000x1xf32>
    %max3A_5 = arith.maximumf %get3A_3, %max3A_4 : vector<2000x1xf32>
    %div3A = arith.constant 1.000000e+00 : f32
    %div3A_6 = vector.broadcast %div3A : f32 to vector<2000x1xf32>
    %div3A_7 = arith.divf %div3A_6, %max3A_5 : vector<2000x1xf32>
    %get3A_8 = arith.constant 0 : index
    %get3A_9 = arith.constant 0 : index
    %get3A_10 = arith.constant 0 : index
    %get3A_11 = vector.load %arg1[%get3A_8, %get3A_9, %get3A_10] : memref<2x2000x256xbf16, #tpu.memory_space<vmem>>, vector<1x2000x256xbf16>
    %get3A_12 = vector.shape_cast %get3A_11 : vector<1x2000x256xbf16> to vector<2000x256xbf16>
    %convert_element_type3A = arith.extf %get3A_12 : vector<2000x256xbf16> to vector<2000x256xf32>
    %get3A_13 = arith.constant 1 : index
    %get3A_14 = arith.constant 0 : index
    %get3A_15 = arith.constant 0 : index
    %get3A_16 = vector.load %arg1[%get3A_13, %get3A_14, %get3A_15] : memref<2x2000x256xbf16, #tpu.memory_space<vmem>>, vector<1x2000x256xbf16>
    %get3A_17 = vector.shape_cast %get3A_16 : vector<1x2000x256xbf16> to vector<2000x256xbf16>
    %convert_element_type3A_18 = arith.extf %get3A_17 : vector<2000x256xbf16> to vector<2000x256xf32>
    %add3A = arith.addf %convert_element_type3A, %convert_element_type3A_18 : vector<2000x256xf32>
    %mul3A = vector.broadcast %div3A_7 : vector<2000x1xf32> to vector<2000x256xf32>
    %mul3A_19 = arith.mulf %add3A, %mul3A : vector<2000x256xf32>
    %get3A_20 = arith.constant 0 : index
    %get3A_21 = arith.constant 0 : index
    %get3A_22 = vector.load %arg3[%get3A_20, %get3A_21] : memref<2000x256xf32, #tpu.memory_space<vmem>>, vector<2000x256xf32>
    %add3A_23 = arith.addf %mul3A_19, %get3A_22 : vector<2000x256xf32>
    %reduce_sum3A = arith.constant dense<0.000000e+00> : vector<2000xf32>
    %reduce_sum3A_24 = vector.multi_reduction <add>, %add3A_23, %reduce_sum3A [1] : vector<2000x256xf32> to vector<2000xf32>
    %broadcast_in_dim3A = vector.shape_cast %reduce_sum3A_24 : vector<2000xf32> to vector<2000x1xf32>
    %div3A_25 = arith.constant 2.560000e+02 : f32
    %div3A_26 = vector.broadcast %div3A_25 : f32 to vector<2000x1xf32>
    %div3A_27 = arith.divf %broadcast_in_dim3A, %div3A_26 : vector<2000x1xf32>
    %sub3A = vector.broadcast %div3A_27 : vector<2000x1xf32> to vector<2000x256xf32>
    %sub3A_28 = arith.subf %add3A_23, %sub3A : vector<2000x256xf32>
    %mul3A_29 = arith.mulf %sub3A_28, %sub3A_28 : vector<2000x256xf32>
    %reduce_sum3A_30 = arith.constant dense<0.000000e+00> : vector<2000xf32>
    %reduce_sum3A_31 = vector.multi_reduction <add>, %mul3A_29, %reduce_sum3A_30 [1] : vector<2000x256xf32> to vector<2000xf32>
    %broadcast_in_dim3A_32 = vector.shape_cast %reduce_sum3A_31 : vector<2000xf32> to vector<2000x1xf32>
    %div3A_33 = arith.constant 2.560000e+02 : f32
    %div3A_34 = vector.broadcast %div3A_33 : f32 to vector<2000x1xf32>
    %div3A_35 = arith.divf %broadcast_in_dim3A_32, %div3A_34 : vector<2000x1xf32>
    %add3A_36 = arith.constant 9.99999974E-6 : f32
    %add3A_37 = vector.broadcast %add3A_36 : f32 to vector<2000x1xf32>
    %add3A_38 = arith.addf %div3A_35, %add3A_37 : vector<2000x1xf32>
    %rsqrt3A = math.rsqrt %add3A_38 : vector<2000x1xf32>
    %mul3A_39 = vector.broadcast %rsqrt3A : vector<2000x1xf32> to vector<2000x256xf32>
    %mul3A_40 = arith.mulf %sub3A_28, %mul3A_39 : vector<2000x256xf32>
    %get3A_41 = arith.constant 0 : index
    %get3A_42 = arith.constant 0 : index
    %get3A_43 = vector.load %arg4[%get3A_41, %get3A_42] : memref<1x256xf32, #tpu.memory_space<vmem>>, vector<1x256xf32>
    %get3A_44 = vector.shape_cast %get3A_43 : vector<1x256xf32> to vector<256xf32>
    %broadcast_in_dim3A_45 = vector.shape_cast %get3A_44 : vector<256xf32> to vector<1x256xf32>
    %mul3A_46 = vector.broadcast %broadcast_in_dim3A_45 : vector<1x256xf32> to vector<2000x256xf32>
    %mul3A_47 = arith.mulf %mul3A_40, %mul3A_46 : vector<2000x256xf32>
    %get3A_48 = arith.constant 0 : index
    %get3A_49 = arith.constant 0 : index
    %get3A_50 = vector.load %arg5[%get3A_48, %get3A_49] : memref<1x256xf32, #tpu.memory_space<vmem>>, vector<1x256xf32>
    %get3A_51 = vector.shape_cast %get3A_50 : vector<1x256xf32> to vector<256xf32>
    %broadcast_in_dim3A_52 = vector.shape_cast %get3A_51 : vector<256xf32> to vector<1x256xf32>
    %add3A_53 = vector.broadcast %broadcast_in_dim3A_52 : vector<1x256xf32> to vector<2000x256xf32>
    %add3A_54 = arith.addf %mul3A_47, %add3A_53 : vector<2000x256xf32>
    %ge3A = arith.constant 0.000000e+00 : f32
    %ge3A_55 = vector.broadcast %ge3A : f32 to vector<2000x256xf32>
    %ge3A_56 = arith.cmpf oge, %add3A_54, %ge3A_55 : vector<2000x256xf32>
    %mul3A_57 = arith.constant 2.000000e-01 : f32
    %mul3A_58 = vector.broadcast %mul3A_57 : f32 to vector<2000x256xf32>
    %mul3A_59 = arith.mulf %mul3A_58, %add3A_54 : vector<2000x256xf32>
    %select_n3A = arith.select %ge3A_56, %add3A_54, %mul3A_59 : vector<2000x256xi1>, vector<2000x256xf32>
    %get3A_60 = arith.constant 0 : index
    %get3A_61 = arith.constant 0 : index
    %get3A_62 = vector.load %arg6[%get3A_60, %get3A_61] : memref<2000x256xf32, #tpu.memory_space<vmem>>, vector<2000x256xf32>
    %add3A_63 = arith.addf %select_n3A, %get3A_62 : vector<2000x256xf32>
    %swap3A = arith.constant 0 : index
    %swap3A_64 = arith.constant 0 : index
    %swap3A_65 = vector.load %arg7[%swap3A, %swap3A_64] : memref<2000x256xf32, #tpu.memory_space<vmem>>, vector<2000x256xf32>
    tpu.vector_store %arg7[%swap3A, %swap3A_64], %add3A_63 {strides = array<i32>} : memref<2000x256xf32, #tpu.memory_space<vmem>>, vector<2000x256xf32>,
    return
  }
  func.func @transform_0(%arg0: i32) -> (i32, i32, i32) {
    %c0_i32 = arith.constant 0 : i32
    %c0_i32_0 = arith.constant 0 : i32
    %c0_i32_1 = arith.constant 0 : i32
    return %c0_i32, %arg0, %c0_i32_0 : i32, i32, i32
  }
  func.func @transform_1(%arg0: i32) -> (i32, i32, i32) {
    %c1_i32 = arith.constant 1 : i32
    %c0_i32 = arith.constant 0 : i32
    %c0_i32_0 = arith.constant 0 : i32
    return %c1_i32, %arg0, %c0_i32 : i32, i32, i32
  }
  func.func @transform_2(%arg0: i32) -> (i32, i32) {
    %c0_i32 = arith.constant 0 : i32
    %c0_i32_0 = arith.constant 0 : i32
    return %arg0, %c0_i32 : i32, i32
  }
  func.func @transform_3(%arg0: i32) -> (i32, i32) {
    %c0_i32 = arith.constant 0 : i32
    %c0_i32_0 = arith.constant 0 : i32
    %c0_i32_1 = arith.constant 0 : i32
    return %c0_i32, %c0_i32_0 : i32, i32
  }
  func.func @transform_4(%arg0: i32) -> (i32, i32) {
    %c0_i32 = arith.constant 0 : i32
    %c0_i32_0 = arith.constant 0 : i32
    %c0_i32_1 = arith.constant 0 : i32
    return %c0_i32, %c0_i32_0 : i32, i32
  }
  func.func @transform_5(%arg0: i32) -> (i32, i32) {
    %c0_i32 = arith.constant 0 : i32
    %c0_i32_0 = arith.constant 0 : i32
    return %arg0, %c0_i32 : i32, i32
  }
  func.func @transform_6(%arg0: i32) -> (i32, i32) {
    %c0_i32 = arith.constant 0 : i32
    %c0_i32_0 = arith.constant 0 : i32
    return %arg0, %c0_i32 : i32, i32
  }
}

</mosaic_0001>

<sc_bundles>
// kernel: kernel.12.cloned.1.call-start
scs
__scs_entry_jumppad:
0x0: {  	(pc) =	sbr.rel $0x88, $3  }
0x1: {  	(tag) =	ssettag $0x0;
	lr =	simm.s32 $0x1  }
0x2: {  	[smem:$0x3F92] =	sst lr;
	_ =	strace $0xD0000000  }
0x3: {  	_ = 	snop  }
0x4: {  	_ = 	snop  }
0x5: {  	_ = 	snop  }
0x6: {  	_ = 	snop  }
0x7: {  	_ = 	snop  }
__scs_overlays_trampoline_lowered:
0x8: {  	[smem:$0x3FA1] =	sst s0  }
0x9: {  	[smem:$0x3FA2] =	sst s1  }
0xa: {  	[smem:$0x3FA3] =	sst s2  }
0xb: {  	[smem:$0x3FA4] =	sst s3  }
0xc: {  	[smem:$0x3FA5] =	sst s4  }
0xd: {  	[smem:$0x3FA6] =	sst s5  }
0xe: {  	[smem:$0x3FA7] =	sst s6  }
0xf: {  	[smem:$0x3FA8] =	sst s7  }
0x10: {  	[smem:$0x3FA9] =	sst s8  }
0x11: {  	[smem:$0x3FAA] =	sst s9;
	s0 =	simm.s32 @!p0 $0x0  }
0x12: {  	s1 =	sld [smem:$0x3F90];
	s0 =	simm.s32 @p0 $0x1  }
0x13: {  	[smem:$0x3FAB] =	sst s0;
	s0 =	simm.s32 @!p1 $0x0  }
0x14: {  	s2 =	sld [smem:$0x3F8F];
	s0 =	simm.s32 @p1 $0x1  }
0x15: {  	[smem:$0x3FAC] =	sst s0;
	s0 =	simm.s32 @!p2 $0x0  }
0x16: {  	s3 =	sld [smem:$0x3FDB];
	s0 =	simm.s32 @p2 $0x1  }
0x17: {  	s4 =	simm.s32 $0x1BF5;
	[smem:$0x3FAE] =	sst s0  }
0x18: {  	s0 =	sld [smem:$0x3F91];
	_ =	swait.ge [sflag:s4], $0x0  }
0x19: {  	s7 =	sld [smem:$0x3F92]  }
0x1a: {  	s8 =	sadd.s32 $0xFFFFE003, lr  }
0x1b: {  	s9 =	sadd.s32 $0xFFFFFEF7, lr;
	s5 =	simm.s32 $0xFFFFFFFF;
	p2 =	slt.u32 s8, $0xFFFFF086  }
0x1c: {  	p1 =	slt.u32 s9, $0xF7A;
	s5 =	simm.s32 @!p2 $0x0  }
0x1d: {  	s5 =	simm.s32 @p1 $0x1;
	p0 =	seq.s32 s7, s2  }
0x1e: {  	s7 =	smul.u32 @!p0 $0xF7A, s2;
	p2 =	seq.s32 @!p0 s5, $0x0  }
0x1f: {  	s9 =	smul.u32 $0xF7A, s1;
	s8 =	simm.s32 @!p0 $0x1BF5;
	p2 =	por !p2, p0  }
0x20: {  	[sflag:s8] =	ssyncset.s32 @!p0 $0xFFFFF086;
	s6 =	sadd.s32 @!p0 s3, s7;
	s7 =	simm.s32 @!p0 $0x108  }
0x21: {  	s3 =	sadd.s32 s3, s9;
	s6 =	sadd.s32 @!p0 $0x88, s6;
	s7 =	simm.s32 @p2 $0x1082  }
0x22: {  	[simem:s7], [sflag:s8] =	dma.local @!p0 [hbm:s6], $0xF7A  }
0x23: {  	s9 =	sor.u32 $0xD0000000, s2;
	s6 =	simm.s32 $0x108;
	_ =	swait.ge @!p0 [sflag:s8], $0x0  }
0x24: {  	s3 =	sadd.s32 $0x88, s3;
	s6 =	simm.s32 @!p1 $0x1082;
	[sflag:s4] =	ssyncset.s32 $0xFFFFF086  }
0x25: {  	[simem:s6], [sflag:s4] =	dma.local [hbm:s3], $0xF7A  }
0x26: {  	[smem:$0x3F92] =	sst s1;
	(tag) =	ssettag s2;
	_ =	strace s9  }
0x27: {  	s1 =	sld [smem:$0x3FA2]  }
0x28: {  	s2 =	sld [smem:$0x3FA3]  }
0x29: {  	s4 =	sld [smem:$0x3FA5]  }
0x2a: {  	p0 =	seq.s32 s5, $0x0;
	s5 =	sld [smem:$0x3FA6]  }
0x2b: {  	s6 =	sld [smem:$0x3FA7]  }
0x2c: {  	s7 =	sld [smem:$0x3FA8]  }
0x2d: {  	s3 =	simm.s32 $0x108;
	s8 =	sld [smem:$0x3FA9]  }
0x2e: {  	s3 =	simm.s32 @!p0 $0x1082;
	s9 =	sld [smem:$0x3FAA]  }
0x2f: {  	lr =	sadd.s32 s0, s3;
	s0 =	sld [smem:$0x3FA1]  }
0x30: {  	s3 =	sld [smem:$0x3FA4]  }
0x31: {  	[smem:$0x3FAD] =	sst s10  }
0x32: {  	s10 =	sld [smem:$0x3FAB];
	_ =	sdelay $0x3  }
0x33: {  	p0 =	seq.s32 s10, $0x1;
	s10 =	sld [smem:$0x3FAD];
	_ =	sdelay $0x3  }
0x34: {  	[smem:$0x3FAD] =	sst s10  }
0x35: {  	s10 =	sld [smem:$0x3FAC];
	_ =	sdelay $0x3  }
0x36: {  	p1 =	seq.s32 s10, $0x1;
	s10 =	sld [smem:$0x3FAD];
	_ =	sdelay $0x3  }
0x37: {  	[smem:$0x3FAD] =	sst s10  }
0x38: {  	s10 =	sld [smem:$0x3FAE]  }
0x39: {  	_ = 	snop;
	(pc) =	sbr.ind lr, $3  }
0x3a: {  	_ = 	snop  }
0x3b: {  	_ = 	snop  }
0x3c: {  	p2 =	seq.s32 s10, $0x1;
	s10 =	sld [smem:$0x3FAD]  }
0x3d: {  	_ =	shalt  }
0x3e: {  	_ =	shalt  }
0x3f: {  	_ =	shalt  }
0x40: {  	_ =	shalt  }
0x41: {  	_ =	shalt  }
0x42: {  	_ =	shalt  }
0x43: {  	_ =	shalt  }
0x44: {  	_ =	shalt  }
0x45: {  	_ =	shalt  }
0x46: {  	_ =	shalt  }
0x47: {  	_ =	shalt  }
0x48: {  	_ =	shalt  }
0x49: {  	_ =	shalt  }
0x4a: {  	_ =	shalt  }
0x4b: {  	_ =	shalt  }
0x4c: {  	_ =	shalt  }
0x4d: {  	_ =	shalt  }
0x4e: {  	_ =	shalt  }
0x4f: {  	_ =	shalt  }
0x50: {  	_ =	shalt  }
0x51: {  	_ =	shalt  }
0x52: {  	_ =	shalt  }
0x53: {  	_ =	shalt  }
0x54: {  	_ =	shalt  }
0x55: {  	_ =	shalt  }
0x56: {  	_ =	shalt  }
0x57: {  	_ =	shalt  }
0x58: {  	_ =	shalt  }
0x59: {  	_ =	shalt  }
0x5a: {  	_ =	shalt  }
0x5b: {  	_ =	shalt  }
0x5c: {  	_ =	shalt  }
0x5d: {  	_ =	shalt  }
0x5e: {  	_ =	shalt  }
0x5f: {  	_ =	shalt  }
0x60: {  	_ =	shalt  }
0x61: {  	_ =	shalt  }
0x62: {  	_ =	shalt  }
0x63: {  	_ =	shalt  }
0x64: {  	_ =	shalt  }
0x65: {  	_ =	shalt  }
0x66: {  	_ =	shalt  }
0x67: {  	_ =	shalt  }
0x68: {  	_ =	shalt  }
0x69: {  	_ =	shalt  }
0x6a: {  	_ =	shalt  }
0x6b: {  	_ =	shalt  }
0x6c: {  	_ =	shalt  }
0x6d: {  	_ =	shalt  }
0x6e: {  	_ =	shalt  }
0x6f: {  	_ =	shalt  }
0x70: {  	_ =	shalt  }
0x71: {  	_ =	shalt  }
0x72: {  	_ =	shalt  }
0x73: {  	_ =	shalt  }
0x74: {  	_ =	shalt  }
0x75: {  	_ =	shalt  }
0x76: {  	_ =	shalt  }
0x77: {  	_ =	shalt  }
0x78: {  	_ =	shalt  }
0x79: {  	_ =	shalt  }
0x7a: {  	_ =	shalt  }
0x7b: {  	_ =	shalt  }
0x7c: {  	_ =	shalt  }
0x7d: {  	_ =	shalt  }
0x7e: {  	_ =	shalt  }
0x7f: {  	_ =	shalt  }
0x80: {  	_ =	shalt  }
0x81: {  	_ =	shalt  }
0x82: {  	_ =	shalt  }
0x83: {  	_ =	shalt  }
0x84: {  	_ =	shalt  }
0x85: {  	_ =	shalt  }
0x86: {  	_ =	shalt  }
0x87: {  	_ =	shalt  }
.Lfunc_end0:
.L_simem_size_0:
called_computation_lowered:
.L_overlay_start_0:
0x88: {  	s2 =	sld [smem:$0x3FD9]  }
0x89: {  	s3 =	sld [smem:$0x3FFE];
	_ =	sdelay $0x1  }
0x8a: {  	s1 =	srdreg.scid  }
0x8b: {  	s0 =	sand.u32 $0x1, s1  }
0x8c: {  	s16 =	sshll.u32 s0, $0xA;
	s2 =	sadd.s32 s3, s2  }
0x8d: {  	s2 =	sadd.s32 s2, s16  }
0x8e: {  	[smem:$0x3FB9] =	sst s2  }
0x8f: {  	_ = 	snop  }
0x90: {  	(tm) =	ssettm $0x1  }
0x91: {  	s17 =	sld [smem:$0x3FFB];
	_ =	sdelay $0x3  }
0x92: {  	_ =	strace s17  }
0x93: {  	s2 =	sld [smem:$0x3FFC];
	_ =	sdelay $0x3  }
0x94: {  	_ =	strace s2  }
0x95: {  	s2 =	sld [smem:$0x3FFD];
	_ =	sdelay $0x3  }
0x96: {  	_ =	strace s2  }
0x97: {  	_ =	strace $0x8FFFFFFF  }
0x98: {  	s18 =	sld [smem:$0x3FDB];
	_ =	sdelay $0x1  }
0x99: {  	s19 =	simm.s32 $_scs_section_size  }
0x9a: {  	s4 =	simm.s32 $_size__tile_overlayer_lowered;
	s5 =	simm.s32 $_tile_overlayer_lowered  }
0x9b: {  	s22 =	simm.s32 $0x1BFF;
	s21 =	sshll.u32 s5, $0x1;
	s2 =	sadd.s32 s19, s18  }
0x9c: {  	s6 =	simm.s32 $0x0;
	s20 =	sshll.u32 s4, $0x1;
	s4 =	sadd.s32 s21, s2  }
0x9d: {  	[timem:s6], [sflag:s22] =	dma.local [hbm:s4], s20  }
0x9e: {  	_ =	swait.ge [sflag:s22], s20  }
0x9f: {  	s3 =	ssub.s32 $0x0, s20;
	[sflag:s22] =	ssyncset.done $0x0  }
0xa0: {  	[sflag:s22] =	ssyncadd.s32 s3;
	_ =	sdelay $0x1  }
0xa1: {  	s23 =	simm.s32 $0x1B8B  }
0xa2: {  	_ =	swait.ge [sflag:s23], $0x1  }
0xa3: {  	[sflag:s23] =	ssyncset.done $0x0  }
0xa4: {  	s25 =	simm.s32 $0x1B8E;
	s24 =	sld [smem:$0x3FFE];
	[sflag:s23] =	ssyncadd.s32 $0xFFFFFFFF  }
0xa5: {  	s26 =	simm.s32 $execute0_lowered;
	[smem:$0x3FD2] =	sst s25  }
0xa6: {  	s4 =	sshll.u32 s26, $0x1;
	_ =	strace $0x80000046;
	[dreg:$0x1] =	wrdreg $0xFFFFFFFF  }
0xa7: {  	s28 =	simm.s32 $_size_execute0_lowered;
	s2 =	sadd.s32 s2, s4;
	[dreg:$0x0] =	wrdreg $0x0  }
0xa8: {  	s4 =	sshll.u32 s28, $0x1;
	[dreg:$0x2] =	wrdreg s2  }
0xa9: {  	[dreg:$0x3] =	wrdreg s4  }
0xaa: {  	[dreg:$0x4] =	wrdreg $0xC0  }
0xab: {  	_ =	task [dreg:s6], $0x5FFFF  }
0xac: {  	[dreg:$0x1] =	wrdreg $0xFFFFFFFF  }
0xad: {  	[dreg:$0x0] =	wrdreg $0x60  }
0xae: {  	[dreg:$0x2] =	wrdreg s24  }
0xaf: {  	[dreg:$0x3] =	wrdreg $0x0  }
0xb0: {  	[dreg:$0x4] =	wrdreg $0x9  }
0xb1: {  	_ =	task.clear_ibuf [dreg:s6], $0x5FFFF;
	_ =	strace $0x90000046  }
0xb2: {  	s29 =	simm.s32 $0x9;
	_ =	strace $0x80000048  }
0xb3: {  	_ =	swait.ge [sflag:s29], $0x1  }
0xb4: {  	[sflag:s29] =	ssyncadd.s32 $0xFFFFFFFF  }
0xb5: {  	_ =	strace $0x90000048  }
0xb6: {  	_ =	sfence  }
0xb7: {  	s30 =	sld [smem:$0x0];
	_ =	sdelay $0x2  }
0xb8: {  	s31 =	sshll.u32 s1, $0xD;
	s1 =	sshrl.u32 s1, $0x2  }
0xb9: {  	s3 =	sand.u32 $0x4000, s31;
	s1 =	sadd.s32 s1, s30  }
0xba: {  	s0 =	sor.u32 s3, s0;
	s1 =	sshll.u32 s1, $0x11  }
0xbb: {  	s0 =	sor.u32 s1, s0  }
0xbc: {  	s0 =	sadd.s32 $0x8F2B, s0  }
0xbd: {  	[sflag:s0] =	ssyncadd.remote.s32 $0x1  }
0xbe: {  	_ =	sfence.sel $0xFFFF  }
0xbf: {  	[dreg:$0x0] =	wrdreg $0xFFFFFFFF;
	(pc) =	sbr.abs _section_cstart, $3  }
0xc0: {  	[dreg:$0x1] =	wrdreg $0xFFFFFFFF  }
0xc1: {  	_ =	task.clear_ibuf [dreg:s6], $0x2FFFF;
	_ =	strace $0x9FFFFFFF  }
0xc2: {  	(tm) =	ssettm $0x7FFFFFFF  }
0xc3: {  	_ =	shalt  }
tec
execute0_lowered:
.L_overlay_start_1:
0x0: {  	(tag) =	ssettag $0x1  }
0x1: {  	s0 =	srdreg.scid;
	s6 =	rddreg [dreg:$0x0]  }
0x2: {  	s2 =	rddreg [dreg:$0x1];
	s7 =	sand.u32 $0x1, s0  }
0x3: {  	s0 =	stileid.u32;
	s4 =	smul.u32 $0x2BC00, s7  }
0x4: {  	s1 =	rddreg [dreg:$0x2];
	s3 =	simm.s32 $0x0;
	s5 =	smul.u32 $0x2BC0, s0  }
0x5: {  	s14 =	simm.s32 $0x32;
	s15 =	simm.s32 $0x0;
	s8 =	smul.u32 $0x2800, s0  }
0x6: {  	[smem:$0x7FF] =	sst s3;
	s30 =	smul.u32 $0x28000, s7;
	s7 =	ssub.s32 $0x2, s7  }
0x7: {  	_ =	strace $0x80000047;
	s11 =	sshll.u32 s0, $0x6;
	s31 =	sshrl.u32 s7, $0x1  }
0x8: {  	s4 =	sadd.s32 s5, s4;
	s10 =	sadd.s32 s8, s30;
	s5 =	sadd.s32 $0xF800, s6  }
0x9: {  	s12 =	ssub.s32 s7, s31;
	s13 =	sadd.s32 s8, s2;
	s4 =	sshrl.u32 s4, $0x3  }
0xa: {  	s10 =	sshrl.u32 s10, $0x3;
	s9 =	sadd.s32 s4, s6;
	s4 =	sadd.s32 $0xF600, s6  }
0xb: {  	s10 =	sadd.s32 s10, s6;
	s6 =	sor.u32 $0x1C01, s11;
	s11 =	simm.s32 $0x1  }
0xc: {  	s7 =	sadd.s32 $0x4600, s9;
	s8 =	sadd.s32 $0xFE00, s10;
	s9 =	smax.u32 s12, $0x1  }
0xd: {  	s10 =	sshrl.u32 s13, $0x3;
	s12 =	simm.s32 $0x2800;
	s13 =	simm.s32 $0x53C0  }
.LBB2_1:
0xe: {  	[spmem:s10], [sflag:s6] =	dma.local [hbm:s5], $0x500  }
0xf: {  	_ =	swait.ge [sflag:s11], $0x500  }
0x10: {  	[sflag:s11] =	ssyncset.done $0x0  }
0x11: {  	[sflag:s11] =	ssyncadd.s32 $0xFFFFFB00  }
0x12: {  	[tilespmem:s12], [sflag:$0x1] =	stream.linear.gather [hbm4b:s7+s3], $0x2BC0, $0x38;
	[tilespmem:$0x56E0] =	vst v63  }
0x13: {  	_ =	swait.ge [sflag:s11], $0x2BC0  }
0x14: {  	[sflag:s11] =	ssyncset.done $0x0  }
0x15: {  	[sflag:s11] =	ssyncadd.s32 $0xFFFFD440  }
0x16: {  	[tilespmem:s13], [sflag:$0x1] =	stream.linear.gather [hbm4b:s4+s3], $0x320, $0x38;
	[tilespmem:$0x56E0] =	vst v63  }
0x17: {  	_ =	swait.ge [sflag:s11], $0x320  }
0x18: {  	[sflag:s11] =	ssyncset.done $0x0  }
0x19: {  	[sflag:s11] =	ssyncadd.s32 $0xFFFFFCE0  }
0x1a: {  	s16 =	simm.s32 $0x2800;
	[bflag:$0x0] =	sbarrier.arrive $0xFFFF  }
0x1b: {  	[spmem:s2] =	stream.indirect.scatter.add.f32 [tilespmem:s13], [sflag:$0x1], $0x10, s16, s14, $0xb8;
	[tilespmem:$0x56E0] =	vst v63  }
0x1c: {  	s16 =	simm.s32 $0xE0;
	_ =	swait.ge [sflag:s11], $0x320  }
.LBB2_2:
0x1d: {  	s17 =	sshra.s32 s16, $0x2;
	[sflag:s11] =	ssyncset.done $0x0;
	p0 =	sne.s32 s16, $0xAE20  }
.Ltmp0:
0x1e: {  	s17 =	sadd.s32 $0x2800, s17;
	[sflag:s11] =	ssyncadd.s32 $0xFFFFFCE0;
	(pc) =	sbr.rel @p0 .LBB2_2-.Ltmp0, $3  }
0x1f: {  	[spmem:s2] =	stream.indirect.scatter.add.f32 [tilespmem:s13], [sflag:$0x1], $0x10, s17, s14, $0xb8;
	[tilespmem:$0x56E0] =	vst v63  }
0x20: {  	s16 =	sadd.s32 $0xE0, s16;
	_ =	sdelay $0x1  }
0x21: {  	_ =	swait.ge [sflag:s11], $0x320  }
0x22: {  	[sflag:s11] =	ssyncset.done $0x0;
	s15 =	sadd.s32 $0x1, s15  }
0x23: {  	[sflag:s11] =	ssyncadd.s32 $0xFFFFFCE0;
	p0 =	sne.s32 s15, s9  }
.Ltmp1:
0x24: {  	[bflag:$0x0] =	sbarrier.arrive $0xFFFF;
	(pc) =	sbr.rel @p0 .LBB2_1-.Ltmp1, $4  }
0x25: {  	[hbm:s8], [sflag:s6] =	dma.local [spmem:s10], $0x500  }
0x26: {  	_ =	swait.ge [sflag:s11], $0x500  }
0x27: {  	[sflag:s11] =	ssyncset.done $0x0  }
0x28: {  	[sflag:s11] =	ssyncadd.s32 $0xFFFFFB00  }
0x29: {  	_ =	sfence.sel $0x180000  }
0x2a: {  	[bflag:$0x0] =	sbarrier.arrive $0xFFFF  }
0x2b: {  	p0 =	sne.s32 s0, $0x0;
	_ =	strace $0x90000047  }
0x2c: {  	s0 =	sadd.s32 @!p0 $0x100000, s1;
	[bflag:$0x2] =	sbarrier.arrive $0xFFFF  }
0x2d: {  	[sflag:s0] =	ssyncadd.tile.s32 @!p0 $0x1;
	_ =	shalt  }
.Lfunc_end2:
_tile_overlayer_lowered:
.L_overlay_start_2:
0x2e: {  	(tag) =	ssettag $0x2  }
0x2f: {  	s0 =	rddreg [dreg:$0x0];
	s2 =	stileid.u32  }
0x30: {  	s1 =	rddreg [dreg:$0x1];
	p0 =	sne.s32 s2, $0x0  }
0x31: {  	s3 =	rddreg [dreg:$0x2];
	[bflag:$0x3] =	sbarrier.arrive $0xFFFF;
	s2 =	simm.s32 @!p0 $0x1C01  }
0x32: {  	[timem:s3], [sflag:s2] =	dma.local @!p0 [hbm:s0], s1  }
0x33: {  	s0 =	simm.s32 @!p0 $0x1  }
0x34: {  	_ =	swait.ge @!p0 [sflag:s0], s1  }
0x35: {  	s1 =	ssub.s32 @!p0 $0x0, s1;
	[sflag:s0] =	ssyncset.done @!p0 $0x0  }
0x36: {  	[sflag:s0] =	ssyncadd.s32 @!p0 s1  }
0x37: {  	[bflag:$0x3] =	sbarrier.arrive $0xFFFF  }
0x38: {  	_ =	shalt  }

// kernel: kernel.15.cloned.1.call-start
scs
__scs_entry_jumppad:
0x0: {  	(pc) =	sbr.rel $0x88, $3  }
0x1: {  	(tag) =	ssettag $0x0;
	lr =	simm.s32 $0x1  }
0x2: {  	[smem:$0x3F92] =	sst lr;
	_ =	strace $0xD0000000  }
0x3: {  	_ = 	snop  }
0x4: {  	_ = 	snop  }
0x5: {  	_ = 	snop  }
0x6: {  	_ = 	snop  }
0x7: {  	_ = 	snop  }
__scs_overlays_trampoline_lowered:
0x8: {  	[smem:$0x3FA1] =	sst s0  }
0x9: {  	[smem:$0x3FA2] =	sst s1  }
0xa: {  	[smem:$0x3FA3] =	sst s2  }
0xb: {  	[smem:$0x3FA4] =	sst s3  }
0xc: {  	[smem:$0x3FA5] =	sst s4  }
0xd: {  	[smem:$0x3FA6] =	sst s5  }
0xe: {  	[smem:$0x3FA7] =	sst s6  }
0xf: {  	[smem:$0x3FA8] =	sst s7  }
0x10: {  	[smem:$0x3FA9] =	sst s8  }
0x11: {  	[smem:$0x3FAA] =	sst s9;
	s0 =	simm.s32 @!p0 $0x0  }
0x12: {  	s1 =	sld [smem:$0x3F90];
	s0 =	simm.s32 @p0 $0x1  }
0x13: {  	[smem:$0x3FAB] =	sst s0;
	s0 =	simm.s32 @!p1 $0x0  }
0x14: {  	s2 =	sld [smem:$0x3F8F];
	s0 =	simm.s32 @p1 $0x1  }
0x15: {  	[smem:$0x3FAC] =	sst s0;
	s0 =	simm.s32 @!p2 $0x0  }
0x16: {  	s3 =	sld [smem:$0x3FDB];
	s0 =	simm.s32 @p2 $0x1  }
0x17: {  	s4 =	simm.s32 $0x1BF5;
	[smem:$0x3FAE] =	sst s0  }
0x18: {  	s0 =	sld [smem:$0x3F91];
	_ =	swait.ge [sflag:s4], $0x0  }
0x19: {  	s7 =	sld [smem:$0x3F92]  }
0x1a: {  	s8 =	sadd.s32 $0xFFFFE003, lr  }
0x1b: {  	s9 =	sadd.s32 $0xFFFFFEF7, lr;
	s5 =	simm.s32 $0xFFFFFFFF;
	p2 =	slt.u32 s8, $0xFFFFF086  }
0x1c: {  	p1 =	slt.u32 s9, $0xF7A;
	s5 =	simm.s32 @!p2 $0x0  }
0x1d: {  	s5 =	simm.s32 @p1 $0x1;
	p0 =	seq.s32 s7, s2  }
0x1e: {  	s7 =	smul.u32 @!p0 $0xF7A, s2;
	p2 =	seq.s32 @!p0 s5, $0x0  }
0x1f: {  	s9 =	smul.u32 $0xF7A, s1;
	s8 =	simm.s32 @!p0 $0x1BF5;
	p2 =	por !p2, p0  }
0x20: {  	[sflag:s8] =	ssyncset.s32 @!p0 $0xFFFFF086;
	s6 =	sadd.s32 @!p0 s3, s7;
	s7 =	simm.s32 @!p0 $0x108  }
0x21: {  	s3 =	sadd.s32 s3, s9;
	s6 =	sadd.s32 @!p0 $0x88, s6;
	s7 =	simm.s32 @p2 $0x1082  }
0x22: {  	[simem:s7], [sflag:s8] =	dma.local @!p0 [hbm:s6], $0xF7A  }
0x23: {  	s9 =	sor.u32 $0xD0000000, s2;
	s6 =	simm.s32 $0x108;
	_ =	swait.ge @!p0 [sflag:s8], $0x0  }
0x24: {  	s3 =	sadd.s32 $0x88, s3;
	s6 =	simm.s32 @!p1 $0x1082;
	[sflag:s4] =	ssyncset.s32 $0xFFFFF086  }
0x25: {  	[simem:s6], [sflag:s4] =	dma.local [hbm:s3], $0xF7A  }
0x26: {  	[smem:$0x3F92] =	sst s1;
	(tag) =	ssettag s2;
	_ =	strace s9  }
0x27: {  	s1 =	sld [smem:$0x3FA2]  }
0x28: {  	s2 =	sld [smem:$0x3FA3]  }
0x29: {  	s4 =	sld [smem:$0x3FA5]  }
0x2a: {  	p0 =	seq.s32 s5, $0x0;
	s5 =	sld [smem:$0x3FA6]  }
0x2b: {  	s6 =	sld [smem:$0x3FA7]  }
0x2c: {  	s7 =	sld [smem:$0x3FA8]  }
0x2d: {  	s3 =	simm.s32 $0x108;
	s8 =	sld [smem:$0x3FA9]  }
0x2e: {  	s3 =	simm.s32 @!p0 $0x1082;
	s9 =	sld [smem:$0x3FAA]  }
0x2f: {  	lr =	sadd.s32 s0, s3;
	s0 =	sld [smem:$0x3FA1]  }
0x30: {  	s3 =	sld [smem:$0x3FA4]  }
0x31: {  	[smem:$0x3FAD] =	sst s10  }
0x32: {  	s10 =	sld [smem:$0x3FAB];
	_ =	sdelay $0x3  }
0x33: {  	p0 =	seq.s32 s10, $0x1;
	s10 =	sld [smem:$0x3FAD];
	_ =	sdelay $0x3  }
0x34: {  	[smem:$0x3FAD] =	sst s10  }
0x35: {  	s10 =	sld [smem:$0x3FAC];
	_ =	sdelay $0x3  }
0x36: {  	p1 =	seq.s32 s10, $0x1;
	s10 =	sld [smem:$0x3FAD];
	_ =	sdelay $0x3  }
0x37: {  	[smem:$0x3FAD] =	sst s10  }
0x38: {  	s10 =	sld [smem:$0x3FAE]  }
0x39: {  	_ = 	snop;
	(pc) =	sbr.ind lr, $3  }
0x3a: {  	_ = 	snop  }
0x3b: {  	_ = 	snop  }
0x3c: {  	p2 =	seq.s32 s10, $0x1;
	s10 =	sld [smem:$0x3FAD]  }
0x3d: {  	_ =	shalt  }
0x3e: {  	_ =	shalt  }
0x3f: {  	_ =	shalt  }
0x40: {  	_ =	shalt  }
0x41: {  	_ =	shalt  }
0x42: {  	_ =	shalt  }
0x43: {  	_ =	shalt  }
0x44: {  	_ =	shalt  }
0x45: {  	_ =	shalt  }
0x46: {  	_ =	shalt  }
0x47: {  	_ =	shalt  }
0x48: {  	_ =	shalt  }
0x49: {  	_ =	shalt  }
0x4a: {  	_ =	shalt  }
0x4b: {  	_ =	shalt  }
0x4c: {  	_ =	shalt  }
0x4d: {  	_ =	shalt  }
0x4e: {  	_ =	shalt  }
0x4f: {  	_ =	shalt  }
0x50: {  	_ =	shalt  }
0x51: {  	_ =	shalt  }
0x52: {  	_ =	shalt  }
0x53: {  	_ =	shalt  }
0x54: {  	_ =	shalt  }
0x55: {  	_ =	shalt  }
0x56: {  	_ =	shalt  }
0x57: {  	_ =	shalt  }
0x58: {  	_ =	shalt  }
0x59: {  	_ =	shalt  }
0x5a: {  	_ =	shalt  }
0x5b: {  	_ =	shalt  }
0x5c: {  	_ =	shalt  }
0x5d: {  	_ =	shalt  }
0x5e: {  	_ =	shalt  }
0x5f: {  	_ =	shalt  }
0x60: {  	_ =	shalt  }
0x61: {  	_ =	shalt  }
0x62: {  	_ =	shalt  }
0x63: {  	_ =	shalt  }
0x64: {  	_ =	shalt  }
0x65: {  	_ =	shalt  }
0x66: {  	_ =	shalt  }
0x67: {  	_ =	shalt  }
0x68: {  	_ =	shalt  }
0x69: {  	_ =	shalt  }
0x6a: {  	_ =	shalt  }
0x6b: {  	_ =	shalt  }
0x6c: {  	_ =	shalt  }
0x6d: {  	_ =	shalt  }
0x6e: {  	_ =	shalt  }
0x6f: {  	_ =	shalt  }
0x70: {  	_ =	shalt  }
0x71: {  	_ =	shalt  }
0x72: {  	_ =	shalt  }
0x73: {  	_ =	shalt  }
0x74: {  	_ =	shalt  }
0x75: {  	_ =	shalt  }
0x76: {  	_ =	shalt  }
0x77: {  	_ =	shalt  }
0x78: {  	_ =	shalt  }
0x79: {  	_ =	shalt  }
0x7a: {  	_ =	shalt  }
0x7b: {  	_ =	shalt  }
0x7c: {  	_ =	shalt  }
0x7d: {  	_ =	shalt  }
0x7e: {  	_ =	shalt  }
0x7f: {  	_ =	shalt  }
0x80: {  	_ =	shalt  }
0x81: {  	_ =	shalt  }
0x82: {  	_ =	shalt  }
0x83: {  	_ =	shalt  }
0x84: {  	_ =	shalt  }
0x85: {  	_ =	shalt  }
0x86: {  	_ =	shalt  }
0x87: {  	_ =	shalt  }
.Lfunc_end0:
.L_simem_size_0:
called_computation.1_lowered:
.L_overlay_start_0:
0x88: {  	s2 =	sld [smem:$0x3FD9]  }
0x89: {  	s3 =	sld [smem:$0x3FFE];
	_ =	sdelay $0x1  }
0x8a: {  	s1 =	srdreg.scid  }
0x8b: {  	s0 =	sand.u32 $0x1, s1  }
0x8c: {  	s17 =	sshll.u32 s0, $0xA;
	s2 =	sadd.s32 s3, s2  }
0x8d: {  	s2 =	sadd.s32 s2, s17  }
0x8e: {  	[smem:$0x3FB9] =	sst s2  }
0x8f: {  	_ = 	snop  }
0x90: {  	(tm) =	ssettm $0x1  }
0x91: {  	s18 =	sld [smem:$0x3FFB];
	_ =	sdelay $0x3  }
0x92: {  	_ =	strace s18  }
0x93: {  	s2 =	sld [smem:$0x3FFC];
	_ =	sdelay $0x3  }
0x94: {  	_ =	strace s2  }
0x95: {  	s2 =	sld [smem:$0x3FFD];
	_ =	sdelay $0x3  }
0x96: {  	_ =	strace s2  }
0x97: {  	_ =	strace $0x8FFFFFFF  }
0x98: {  	s19 =	sld [smem:$0x3FDB];
	_ =	sdelay $0x1  }
0x99: {  	s20 =	simm.s32 $_scs_section_size  }
0x9a: {  	s4 =	simm.s32 $_size__tile_overlayer_lowered;
	s5 =	simm.s32 $_tile_overlayer_lowered  }
0x9b: {  	s6 =	simm.s32 $0x1BFF;
	s21 =	sshll.u32 s5, $0x1;
	s3 =	sadd.s32 s20, s19  }
0x9c: {  	s22 =	simm.s32 $0x0;
	s4 =	sshll.u32 s4, $0x1;
	s5 =	sadd.s32 s21, s3  }
0x9d: {  	[timem:s22], [sflag:s6] =	dma.local [hbm:s5], s4  }
0x9e: {  	_ =	swait.ge [sflag:s6], s4  }
0x9f: {  	s4 =	ssub.s32 $0x0, s4;
	[sflag:s6] =	ssyncset.done $0x0  }
0xa0: {  	[sflag:s6] =	ssyncadd.s32 s4;
	_ =	sdelay $0x1  }
0xa1: {  	s23 =	simm.s32 $0x1B8B  }
0xa2: {  	_ =	swait.ge [sflag:s23], $0x1  }
0xa3: {  	[sflag:s23] =	ssyncset.done $0x0  }
0xa4: {  	[sflag:s23] =	ssyncadd.s32 $0xFFFFFFFF  }
0xa5: {  	s4 =	sld [smem:$0x0]  }
0xa6: {  	s5 =	sand.u32 $0xFFFFFFFE, s1  }
0xa7: {  	p0 =	sne.s32 s1, s5  }
0xa8: {  	s5 =	sshll.u32 @p0 s5, $0xE  }
0xa9: {  	s5 =	sadd.s32 @p0 $0x11B8D, s5;
	s6 =	sshll.u32 @p0 s4, $0x11  }
0xaa: {  	s5 =	sor.u32 @p0 s6, s5  }
0xab: {  	[sflag:s5] =	ssyncadd.remote.s32 @p0 $0x1;
	_ =	sdelay $0x1  }
0xac: {  	s5 =	simm.s32 @p0 $0x1B8D  }
0xad: {  	_ =	swait.eq @p0 [sflag:s5], $0x1  }
0xae: {  	[sflag:s5] =	ssyncadd.s32 @p0 $0xFFFFFFFF  }
0xaf: {  	s6 =	sshll.u32 @!p0 s1, $0xE  }
0xb0: {  	s6 =	sor.u32 @!p0 $0x4000, s6;
	s5 =	simm.s32 @!p0 $0x1B8D  }
0xb1: {  	s4 =	sshll.u32 @!p0 s4, $0x11;
	s6 =	sadd.s32 @!p0 $0x11B8D, s6;
	_ =	swait.eq @!p0 [sflag:s5], $0x1  }
0xb2: {  	s4 =	sor.u32 @!p0 s4, s6;
	[sflag:s5] =	ssyncadd.s32 @!p0 $0xFFFFFFFF  }
0xb3: {  	s25 =	simm.s32 $0x1B8E;
	s24 =	sld [smem:$0x3FFE];
	[sflag:s4] =	ssyncadd.remote.s32 @!p0 $0x1  }
0xb4: {  	s26 =	simm.s32 $execute0_lowered;
	[smem:$0x3FD2] =	sst s25  }
0xb5: {  	s5 =	sshll.u32 s26, $0x1;
	_ =	strace $0x80000049;
	[dreg:$0x1] =	wrdreg $0xFFFFFFFF  }
0xb6: {  	s28 =	simm.s32 $_size_execute0_lowered;
	s3 =	sadd.s32 s3, s5;
	[dreg:$0x0] =	wrdreg $0x0  }
0xb7: {  	s5 =	sshll.u32 s28, $0x1;
	[dreg:$0x2] =	wrdreg s3  }
0xb8: {  	[dreg:$0x3] =	wrdreg s5  }
0xb9: {  	[dreg:$0x4] =	wrdreg $0xC0  }
0xba: {  	_ =	task [dreg:s22], $0x5FFFF  }
0xbb: {  	[dreg:$0x1] =	wrdreg $0xFFFFFFFF  }
0xbc: {  	[dreg:$0x0] =	wrdreg $0x60  }
0xbd: {  	[dreg:$0x2] =	wrdreg s24  }
0xbe: {  	[dreg:$0x3] =	wrdreg $0x0  }
0xbf: {  	[dreg:$0x4] =	wrdreg $0xA  }
0xc0: {  	_ =	task.clear_ibuf [dreg:s22], $0x5FFFF;
	_ =	strace $0x90000049  }
0xc1: {  	s29 =	simm.s32 $0xA;
	_ =	strace $0x8000004B  }
0xc2: {  	_ =	swait.ge [sflag:s29], $0x1  }
0xc3: {  	[sflag:s29] =	ssyncadd.s32 $0xFFFFFFFF  }
0xc4: {  	_ =	strace $0x9000004B  }
0xc5: {  	_ =	sfence  }
0xc6: {  	s30 =	sld [smem:$0x0];
	_ =	sdelay $0x2  }
0xc7: {  	s31 =	sshll.u32 s1, $0xD;
	s1 =	sshrl.u32 s1, $0x2  }
0xc8: {  	s4 =	sand.u32 $0x4000, s31;
	s1 =	sadd.s32 s1, s30  }
0xc9: {  	s0 =	sor.u32 s4, s0;
	s1 =	sshll.u32 s1, $0x11  }
0xca: {  	s0 =	sor.u32 s1, s0  }
0xcb: {  	s0 =	sadd.s32 $0x8F2B, s0  }
0xcc: {  	[sflag:s0] =	ssyncadd.remote.s32 $0x1  }
0xcd: {  	_ =	sfence.sel $0xFFFF  }
0xce: {  	[dreg:$0x0] =	wrdreg $0xFFFFFFFF;
	(pc) =	sbr.abs _section_cstart, $3  }
0xcf: {  	[dreg:$0x1] =	wrdreg $0xFFFFFFFF  }
0xd0: {  	_ =	task.clear_ibuf [dreg:s22], $0x2FFFF;
	_ =	strace $0x9FFFFFFF  }
0xd1: {  	(tm) =	ssettm $0x7FFFFFFF  }
tec
execute0_lowered:
.L_overlay_start_1:
0x0: {  	(tag) =	ssettag $0x1  }
0x1: {  	s0 =	srdreg.scid;
	s1 =	rddreg [dreg:$0x0]  }
0x2: {  	s15 =	stileid.u32;
	s2 =	rddreg [dreg:$0x1];
	s3 =	simm.s32 $0x0  }
0x3: {  	s10 =	simm.s32 $0x14000;
	s11 =	simm.s32 $0x5;
	s13 =	simm.s32 $0x32  }
0x4: {  	s14 =	simm.s32 $0x16BC0;
	s16 =	simm.s32 $0x184C0;
	s17 =	simm.s32 $0x14070  }
0x5: {  	s18 =	simm.s32 $0x19DC0;
	s19 =	simm.s32 $0x140A8;
	s20 =	simm.s32 $0x1B6C0  }
0x6: {  	s23 =	simm.s32 $0x1;
	s24 =	simm.s32 $0x2;
	s28 =	simm.s32 $0x16AE0  }
0x7: {  	s29 =	simm.s32 $0x16B18;
	s30 =	simm.s32 $0x16B50;
	s5 =	smul.u32 $0x15E0, s15  }
0x8: {  	s31 =	simm.s32 $0x16B88;
	s0 =	sand.u32 $0x1, s0;
	s7 =	smul.u32 $0x28000, s15  }
0x9: {  	[smem:$0x7FF] =	sst s3;
	s26 =	sshll.u32 s15, $0x6;
	s4 =	smul.u32 $0x15E00, s0  }
0xa: {  	s6 =	smul.u32 $0x280000, s0;
	_ =	strace $0x8000004A;
	s0 =	ssub.s32 $0x2, s0  }
0xb: {  	s21 =	sor.u32 $0x1C05, s26;
	s26 =	simm.s32 $0x4;
	s25 =	sshrl.u32 s0, $0x1  }
0xc: {  	s9 =	sshrl.u32 s7, $0x1;
	s5 =	sadd.s32 s5, s4;
	s4 =	sadd.s32 $0x27600, s1  }
0xd: {  	s6 =	sadd.s32 s7, s6;
	s0 =	ssub.s32 s0, s25;
	s12 =	sadd.s32 s9, s2  }
0xe: {  	s25 =	simm.s32 $0x3;
	s5 =	sshrl.u32 s5, $0x3;
	s6 =	sshrl.u32 s6, $0x4  }
0xf: {  	s9 =	smax.u32 s0, $0x1;
	s22 =	sshrl.u32 s12, $0x3;
	s8 =	sadd.s32 s5, s1  }
0x10: {  	s5 =	sadd.s32 $0x19E00, s1;
	s1 =	sadd.s32 s6, s1;
	s6 =	sadd.s32 $0x21E00, s8  }
0x11: {  	s7 =	sadd.s32 $0x1C600, s8;
	s8 =	sadd.s32 $0x4E800, s1;
	s1 =	simm.s32 $0x0  }
.LBB2_1:
0x12: {  	[tilespmem:s10], [sflag:$0x5] =	stream.linear.gather [hbm4b:s6+s3], $0x15E0, $0x38;
	[tilespmem:$0x1CFC0] =	vst v63  }
0x13: {  	_ =	swait.ge [sflag:s11], $0x15E0  }
0x14: {  	[sflag:s11] =	ssyncset.done $0x0  }
0x15: {  	s0 =	simm.s32 $0x155E0;
	[sflag:s11] =	ssyncadd.s32 $0xFFFFEA20  }
0x16: {  	[tilespmem:s0], [sflag:$0x5] =	stream.linear.gather [hbm4b:s7+s3], $0x15E0, $0x38;
	[tilespmem:$0x1CFC0] =	vst v63  }
0x17: {  	_ =	swait.ge [sflag:s11], $0x15E0  }
0x18: {  	[sflag:s11] =	ssyncset.done $0x0  }
0x19: {  	[sflag:s11] =	ssyncadd.s32 $0xFFFFEA20  }
0x1a: {  	[tilespmem:s14], [sflag:$0x1] =	stream.indirect.gather [hbm4b:s4+s13], $0x80, s10, s13, $0xb8;
	[tilespmem:$0x1CFC0] =	vst v63  }
0x1b: {  	s12 =	simm.s32 $0x14038  }
0x1c: {  	[tilespmem:s16], [sflag:$0x2] =	stream.indirect.gather [hbm4b:s4+s13], $0x80, s12, s13, $0xb8;
	[tilespmem:$0x1CFC0] =	vst v63  }
0x1d: {  	_ = 	snop  }
0x1e: {  	[tilespmem:s18], [sflag:$0x3] =	stream.indirect.gather [hbm4b:s4+s13], $0x80, s17, s13, $0xb8;
	[tilespmem:$0x1CFC0] =	vst v63  }
0x1f: {  	_ = 	snop  }
0x20: {  	[tilespmem:s20], [sflag:$0x4] =	stream.indirect.gather [hbm4b:s4+s13], $0x80, s19, s13, $0xb8;
	[tilespmem:$0x1CFC0] =	vst v63  }
0x21: {  	[spmem:s22], [sflag:s21] =	dma.local [hbm:s5], $0x2800  }
0x22: {  	_ =	swait.ge [sflag:s11], $0x2800  }
0x23: {  	[sflag:s11] =	ssyncset.done $0x0  }
0x24: {  	[sflag:s11] =	ssyncadd.s32 $0xFFFFD800  }
0x25: {  	[bflag:$0x0] =	sbarrier.arrive $0xFFFF  }
0x26: {  	_ =	swait.ge [sflag:s23], $0x1900  }
0x27: {  	[sflag:s23] =	ssyncset.done $0x0  }
0x28: {  	s15 =	simm.s32 $0x155E0;
	[sflag:s23] =	ssyncadd.s32 $0xFFFFE700  }
0x29: {  	[spmem:s2] =	stream.indirect.scatter.add.bf16 [tilespmem:s14], [sflag:$0x5], $0x80, s15, s13, $0xb8;
	[tilespmem:$0x1CFC0] =	vst v63  }
0x2a: {  	_ =	swait.ge [sflag:s11], $0x1900  }
0x2b: {  	[sflag:s11] =	ssyncset.done $0x0  }
0x2c: {  	s12 =	simm.s32 $0x140E0;
	[sflag:s11] =	ssyncadd.s32 $0xFFFFE700  }
0x2d: {  	[tilespmem:s14], [sflag:$0x1] =	stream.indirect.gather [hbm4b:s4+s13], $0x80, s12, s13, $0xb8;
	[tilespmem:$0x1CFC0] =	vst v63  }
0x2e: {  	_ =	swait.ge [sflag:s24], $0x1900  }
0x2f: {  	[sflag:s24] =	ssyncset.done $0x0  }
0x30: {  	s15 =	simm.s32 $0x15618;
	[sflag:s24] =	ssyncadd.s32 $0xFFFFE700  }
0x31: {  	[spmem:s2] =	stream.indirect.scatter.add.bf16 [tilespmem:s16], [sflag:$0x5], $0x80, s15, s13, $0xb8;
	[tilespmem:$0x1CFC0] =	vst v63  }
0x32: {  	_ =	swait.ge [sflag:s11], $0x1900  }
0x33: {  	[sflag:s11] =	ssyncset.done $0x0  }
0x34: {  	s12 =	simm.s32 $0x14118;
	[sflag:s11] =	ssyncadd.s32 $0xFFFFE700  }
0x35: {  	[tilespmem:s16], [sflag:$0x2] =	stream.indirect.gather [hbm4b:s4+s13], $0x80, s12, s13, $0xb8;
	[tilespmem:$0x1CFC0] =	vst v63  }
0x36: {  	_ =	swait.ge [sflag:s25], $0x1900  }
0x37: {  	[sflag:s25] =	ssyncset.done $0x0  }
0x38: {  	s15 =	simm.s32 $0x15650;
	[sflag:s25] =	ssyncadd.s32 $0xFFFFE700  }
0x39: {  	[spmem:s2] =	stream.indirect.scatter.add.bf16 [tilespmem:s18], [sflag:$0x5], $0x80, s15, s13, $0xb8;
	[tilespmem:$0x1CFC0] =	vst v63  }
0x3a: {  	_ =	swait.ge [sflag:s11], $0x1900  }
0x3b: {  	[sflag:s11] =	ssyncset.done $0x0  }
0x3c: {  	s12 =	simm.s32 $0x14150;
	[sflag:s11] =	ssyncadd.s32 $0xFFFFE700  }
0x3d: {  	[tilespmem:s18], [sflag:$0x3] =	stream.indirect.gather [hbm4b:s4+s13], $0x80, s12, s13, $0xb8;
	[tilespmem:$0x1CFC0] =	vst v63  }
0x3e: {  	_ =	swait.ge [sflag:s26], $0x1900  }
0x3f: {  	[sflag:s26] =	ssyncset.done $0x0  }
0x40: {  	s15 =	simm.s32 $0x15688;
	[sflag:s26] =	ssyncadd.s32 $0xFFFFE700  }
0x41: {  	[spmem:s2] =	stream.indirect.scatter.add.bf16 [tilespmem:s20], [sflag:$0x5], $0x80, s15, s13, $0xb8;
	[tilespmem:$0x1CFC0] =	vst v63  }
0x42: {  	_ =	swait.ge [sflag:s11], $0x1900  }
0x43: {  	[sflag:s11] =	ssyncset.done $0x0  }
0x44: {  	s0 =	simm.s32 $0x380;
	s12 =	simm.s32 $0x14188;
	[sflag:s11] =	ssyncadd.s32 $0xFFFFE700  }
.LBB2_2:
0x45: {  	[tilespmem:s20], [sflag:$0x4] =	stream.indirect.gather [hbm4b:s4+s13], $0x80, s12, s13, $0xb8;
	[tilespmem:$0x1CFC0] =	vst v63  }
0x46: {  	s12 =	smov.u32 s0  }
0x47: {  	p0 =	sne.s32 s0, $0x5080;
	s0 =	sadd.s32 $0x380, s0;
	_ =	swait.ge [sflag:s23], $0x1900  }
0x48: {  	s12 =	sshra.s32 s12, $0x2;
	[sflag:s23] =	ssyncset.done $0x0  }
0x49: {  	s15 =	sadd.s32 $0x155E0, s12;
	[sflag:s23] =	ssyncadd.s32 $0xFFFFE700  }
0x4a: {  	[spmem:s2] =	stream.indirect.scatter.add.bf16 [tilespmem:s14], [sflag:$0x5], $0x80, s15, s13, $0xb8;
	[tilespmem:$0x1CFC0] =	vst v63  }
0x4b: {  	_ =	swait.ge [sflag:s11], $0x1900  }
0x4c: {  	[sflag:s11] =	ssyncset.done $0x0  }
0x4d: {  	s15 =	sadd.s32 $0x140E0, s12;
	[sflag:s11] =	ssyncadd.s32 $0xFFFFE700  }
0x4e: {  	[tilespmem:s14], [sflag:$0x1] =	stream.indirect.gather [hbm4b:s4+s13], $0x80, s15, s13, $0xb8;
	[tilespmem:$0x1CFC0] =	vst v63  }
0x4f: {  	_ =	swait.ge [sflag:s24], $0x1900  }
0x50: {  	[sflag:s24] =	ssyncset.done $0x0  }
0x51: {  	s15 =	sadd.s32 $0x15618, s12;
	[sflag:s24] =	ssyncadd.s32 $0xFFFFE700  }
0x52: {  	[spmem:s2] =	stream.indirect.scatter.add.bf16 [tilespmem:s16], [sflag:$0x5], $0x80, s15, s13, $0xb8;
	[tilespmem:$0x1CFC0] =	vst v63  }
0x53: {  	_ =	swait.ge [sflag:s11], $0x1900  }
0x54: {  	[sflag:s11] =	ssyncset.done $0x0  }
0x55: {  	s15 =	sadd.s32 $0x14118, s12;
	[sflag:s11] =	ssyncadd.s32 $0xFFFFE700  }
0x56: {  	[tilespmem:s16], [sflag:$0x2] =	stream.indirect.gather [hbm4b:s4+s13], $0x80, s15, s13, $0xb8;
	[tilespmem:$0x1CFC0] =	vst v63  }
0x57: {  	_ =	swait.ge [sflag:s25], $0x1900  }
0x58: {  	[sflag:s25] =	ssyncset.done $0x0  }
0x59: {  	s15 =	sadd.s32 $0x15650, s12;
	[sflag:s25] =	ssyncadd.s32 $0xFFFFE700  }
0x5a: {  	[spmem:s2] =	stream.indirect.scatter.add.bf16 [tilespmem:s18], [sflag:$0x5], $0x80, s15, s13, $0xb8;
	[tilespmem:$0x1CFC0] =	vst v63  }
0x5b: {  	_ =	swait.ge [sflag:s11], $0x1900  }
0x5c: {  	[sflag:s11] =	ssyncset.done $0x0  }
0x5d: {  	s15 =	sadd.s32 $0x14150, s12;
	[sflag:s11] =	ssyncadd.s32 $0xFFFFE700  }
0x5e: {  	[tilespmem:s18], [sflag:$0x3] =	stream.indirect.gather [hbm4b:s4+s13], $0x80, s15, s13, $0xb8;
	[tilespmem:$0x1CFC0] =	vst v63  }
0x5f: {  	_ =	swait.ge [sflag:s26], $0x1900  }
0x60: {  	[sflag:s26] =	ssyncset.done $0x0  }
.Ltmp0:
0x61: {  	s15 =	sadd.s32 $0x15688, s12;
	[sflag:s26] =	ssyncadd.s32 $0xFFFFE700;
	(pc) =	sbr.rel @p0 .LBB2_2-.Ltmp0, $4  }
0x62: {  	[spmem:s2] =	stream.indirect.scatter.add.bf16 [tilespmem:s20], [sflag:$0x5], $0x80, s15, s13, $0xb8;
	[tilespmem:$0x1CFC0] =	vst v63  }
0x63: {  	_ =	swait.ge [sflag:s11], $0x1900  }
0x64: {  	[sflag:s11] =	ssyncset.done $0x0  }
0x65: {  	s12 =	sadd.s32 $0x14188, s12;
	[sflag:s11] =	ssyncadd.s32 $0xFFFFE700  }
0x66: {  	[tilespmem:s20], [sflag:$0x4] =	stream.indirect.gather [hbm4b:s4+s13], $0x80, s12, s13, $0xb8;
	[tilespmem:$0x1CFC0] =	vst v63  }
0x67: {  	_ =	swait.ge [sflag:s23], $0x1900  }
0x68: {  	[sflag:s23] =	ssyncset.done $0x0  }
0x69: {  	[sflag:s23] =	ssyncadd.s32 $0xFFFFE700  }
0x6a: {  	[spmem:s2] =	stream.indirect.scatter.add.bf16 [tilespmem:s14], [sflag:$0x5], $0x80, s28, s13, $0xb8;
	[tilespmem:$0x1CFC0] =	vst v63  }
0x6b: {  	_ =	swait.ge [sflag:s11], $0x1900  }
0x6c: {  	[sflag:s11] =	ssyncset.done $0x0  }
0x6d: {  	[sflag:s11] =	ssyncadd.s32 $0xFFFFE700  }
0x6e: {  	_ =	swait.ge [sflag:s24], $0x1900  }
0x6f: {  	[sflag:s24] =	ssyncset.done $0x0  }
0x70: {  	[sflag:s24] =	ssyncadd.s32 $0xFFFFE700  }
0x71: {  	[spmem:s2] =	stream.indirect.scatter.add.bf16 [tilespmem:s16], [sflag:$0x5], $0x80, s29, s13, $0xb8;
	[tilespmem:$0x1CFC0] =	vst v63  }
0x72: {  	_ =	swait.ge [sflag:s11], $0x1900  }
0x73: {  	[sflag:s11] =	ssyncset.done $0x0  }
0x74: {  	[sflag:s11] =	ssyncadd.s32 $0xFFFFE700  }
0x75: {  	_ =	swait.ge [sflag:s25], $0x1900  }
0x76: {  	[sflag:s25] =	ssyncset.done $0x0  }
0x77: {  	[sflag:s25] =	ssyncadd.s32 $0xFFFFE700  }
0x78: {  	[spmem:s2] =	stream.indirect.scatter.add.bf16 [tilespmem:s18], [sflag:$0x5], $0x80, s30, s13, $0xb8;
	[tilespmem:$0x1CFC0] =	vst v63  }
0x79: {  	_ =	swait.ge [sflag:s11], $0x1900  }
0x7a: {  	[sflag:s11] =	ssyncset.done $0x0  }
0x7b: {  	[sflag:s11] =	ssyncadd.s32 $0xFFFFE700  }
0x7c: {  	_ =	swait.ge [sflag:s26], $0x1900  }
0x7d: {  	[sflag:s26] =	ssyncset.done $0x0  }
0x7e: {  	[sflag:s26] =	ssyncadd.s32 $0xFFFFE700  }
0x7f: {  	[spmem:s2] =	stream.indirect.scatter.add.bf16 [tilespmem:s20], [sflag:$0x5], $0x80, s31, s13, $0xb8;
	[tilespmem:$0x1CFC0] =	vst v63  }
0x80: {  	_ =	swait.ge [sflag:s11], $0x1900  }
0x81: {  	s1 =	sadd.s32 $0x1, s1;
	[sflag:s11] =	ssyncset.done $0x0  }
0x82: {  	p0 =	sne.s32 s1, s9;
	[sflag:s11] =	ssyncadd.s32 $0xFFFFE700  }
.Ltmp1:
0x83: {  	[bflag:$0x0] =	sbarrier.arrive $0xFFFF;
	(pc) =	sbr.rel @p0 .LBB2_1-.Ltmp1, $4  }
0x84: {  	[hbm:s8], [sflag:s21] =	dma.local [spmem:s22], $0x2800  }
0x85: {  	_ =	swait.ge [sflag:s11], $0x2800  }
0x86: {  	[sflag:s11] =	ssyncset.done $0x0  }
0x87: {  	[sflag:s11] =	ssyncadd.s32 $0xFFFFD800  }
0x88: {  	_ =	sfence.sel $0x180000  }
0x89: {  	[bflag:$0x0] =	sbarrier.arrive $0xFFFF  }
0x8a: {  	_ =	strace $0x9000004A  }
0x8b: {  	s0 =	stileid.u32;
	[bflag:$0x2] =	sbarrier.arrive $0xFFFF  }
0x8c: {  	p0 =	sne.s32 s0, $0x0;
	s0 =	rddreg [dreg:$0x2]  }
0x8d: {  	s0 =	sadd.s32 @!p0 $0x100000, s0  }
0x8e: {  	[sflag:s0] =	ssyncadd.tile.s32 @!p0 $0x1;
	_ =	shalt  }
.Lfunc_end2:
_tile_overlayer_lowered:
.L_overlay_start_2:
0x8f: {  	(tag) =	ssettag $0x2  }
0x90: {  	s0 =	rddreg [dreg:$0x0];
	s2 =	stileid.u32  }
0x91: {  	s1 =	rddreg [dreg:$0x1];
	p0 =	sne.s32 s2, $0x0  }
0x92: {  	s3 =	rddreg [dreg:$0x2];
	[bflag:$0x3] =	sbarrier.arrive $0xFFFF;
	s2 =	simm.s32 @!p0 $0x1C05  }
0x93: {  	[timem:s3], [sflag:s2] =	dma.local @!p0 [hbm:s0], s1  }
0x94: {  	s0 =	simm.s32 @!p0 $0x5  }
0x95: {  	_ =	swait.ge @!p0 [sflag:s0], s1  }
0x96: {  	s1 =	ssub.s32 @!p0 $0x0, s1;
	[sflag:s0] =	ssyncset.done @!p0 $0x0  }
0x97: {  	[sflag:s0] =	ssyncadd.s32 @!p0 s1  }
0x98: {  	[bflag:$0x3] =	sbarrier.arrive $0xFFFF  }
0x99: {  	_ =	shalt  }

// kernel: kernel.18.cloned.1.call-start
scs
__scs_entry_jumppad:
0x0: {  	(pc) =	sbr.rel $0x88, $3  }
0x1: {  	(tag) =	ssettag $0x0;
	lr =	simm.s32 $0x1  }
0x2: {  	[smem:$0x3F92] =	sst lr;
	_ =	strace $0xD0000000  }
0x3: {  	_ = 	snop  }
0x4: {  	_ = 	snop  }
0x5: {  	_ = 	snop  }
0x6: {  	_ = 	snop  }
0x7: {  	_ = 	snop  }
__scs_overlays_trampoline_lowered:
0x8: {  	[smem:$0x3FA1] =	sst s0  }
0x9: {  	[smem:$0x3FA2] =	sst s1  }
0xa: {  	[smem:$0x3FA3] =	sst s2  }
0xb: {  	[smem:$0x3FA4] =	sst s3  }
0xc: {  	[smem:$0x3FA5] =	sst s4  }
0xd: {  	[smem:$0x3FA6] =	sst s5  }
0xe: {  	[smem:$0x3FA7] =	sst s6  }
0xf: {  	[smem:$0x3FA8] =	sst s7  }
0x10: {  	[smem:$0x3FA9] =	sst s8  }
0x11: {  	[smem:$0x3FAA] =	sst s9;
	s0 =	simm.s32 @!p0 $0x0  }
0x12: {  	s1 =	sld [smem:$0x3F90];
	s0 =	simm.s32 @p0 $0x1  }
0x13: {  	[smem:$0x3FAB] =	sst s0;
	s0 =	simm.s32 @!p1 $0x0  }
0x14: {  	s2 =	sld [smem:$0x3F8F];
	s0 =	simm.s32 @p1 $0x1  }
0x15: {  	[smem:$0x3FAC] =	sst s0;
	s0 =	simm.s32 @!p2 $0x0  }
0x16: {  	s3 =	sld [smem:$0x3FDB];
	s0 =	simm.s32 @p2 $0x1  }
0x17: {  	s4 =	simm.s32 $0x1BF5;
	[smem:$0x3FAE] =	sst s0  }
0x18: {  	s0 =	sld [smem:$0x3F91];
	_ =	swait.ge [sflag:s4], $0x0  }
0x19: {  	s7 =	sld [smem:$0x3F92]  }
0x1a: {  	s8 =	sadd.s32 $0xFFFFE003, lr  }
0x1b: {  	s9 =	sadd.s32 $0xFFFFFEF7, lr;
	s5 =	simm.s32 $0xFFFFFFFF;
	p2 =	slt.u32 s8, $0xFFFFF086  }
0x1c: {  	p1 =	slt.u32 s9, $0xF7A;
	s5 =	simm.s32 @!p2 $0x0  }
0x1d: {  	s5 =	simm.s32 @p1 $0x1;
	p0 =	seq.s32 s7, s2  }
0x1e: {  	s7 =	smul.u32 @!p0 $0xF7A, s2;
	p2 =	seq.s32 @!p0 s5, $0x0  }
0x1f: {  	s9 =	smul.u32 $0xF7A, s1;
	s8 =	simm.s32 @!p0 $0x1BF5;
	p2 =	por !p2, p0  }
0x20: {  	[sflag:s8] =	ssyncset.s32 @!p0 $0xFFFFF086;
	s6 =	sadd.s32 @!p0 s3, s7;
	s7 =	simm.s32 @!p0 $0x108  }
0x21: {  	s3 =	sadd.s32 s3, s9;
	s6 =	sadd.s32 @!p0 $0x88, s6;
	s7 =	simm.s32 @p2 $0x1082  }
0x22: {  	[simem:s7], [sflag:s8] =	dma.local @!p0 [hbm:s6], $0xF7A  }
0x23: {  	s9 =	sor.u32 $0xD0000000, s2;
	s6 =	simm.s32 $0x108;
	_ =	swait.ge @!p0 [sflag:s8], $0x0  }
0x24: {  	s3 =	sadd.s32 $0x88, s3;
	s6 =	simm.s32 @!p1 $0x1082;
	[sflag:s4] =	ssyncset.s32 $0xFFFFF086  }
0x25: {  	[simem:s6], [sflag:s4] =	dma.local [hbm:s3], $0xF7A  }
0x26: {  	[smem:$0x3F92] =	sst s1;
	(tag) =	ssettag s2;
	_ =	strace s9  }
0x27: {  	s1 =	sld [smem:$0x3FA2]  }
0x28: {  	s2 =	sld [smem:$0x3FA3]  }
0x29: {  	s4 =	sld [smem:$0x3FA5]  }
0x2a: {  	p0 =	seq.s32 s5, $0x0;
	s5 =	sld [smem:$0x3FA6]  }
0x2b: {  	s6 =	sld [smem:$0x3FA7]  }
0x2c: {  	s7 =	sld [smem:$0x3FA8]  }
0x2d: {  	s3 =	simm.s32 $0x108;
	s8 =	sld [smem:$0x3FA9]  }
0x2e: {  	s3 =	simm.s32 @!p0 $0x1082;
	s9 =	sld [smem:$0x3FAA]  }
0x2f: {  	lr =	sadd.s32 s0, s3;
	s0 =	sld [smem:$0x3FA1]  }
0x30: {  	s3 =	sld [smem:$0x3FA4]  }
0x31: {  	[smem:$0x3FAD] =	sst s10  }
0x32: {  	s10 =	sld [smem:$0x3FAB];
	_ =	sdelay $0x3  }
0x33: {  	p0 =	seq.s32 s10, $0x1;
	s10 =	sld [smem:$0x3FAD];
	_ =	sdelay $0x3  }
0x34: {  	[smem:$0x3FAD] =	sst s10  }
0x35: {  	s10 =	sld [smem:$0x3FAC];
	_ =	sdelay $0x3  }
0x36: {  	p1 =	seq.s32 s10, $0x1;
	s10 =	sld [smem:$0x3FAD];
	_ =	sdelay $0x3  }
0x37: {  	[smem:$0x3FAD] =	sst s10  }
0x38: {  	s10 =	sld [smem:$0x3FAE]  }
0x39: {  	_ = 	snop;
	(pc) =	sbr.ind lr, $3  }
0x3a: {  	_ = 	snop  }
0x3b: {  	_ = 	snop  }
0x3c: {  	p2 =	seq.s32 s10, $0x1;
	s10 =	sld [smem:$0x3FAD]  }
0x3d: {  	_ =	shalt  }
0x3e: {  	_ =	shalt  }
0x3f: {  	_ =	shalt  }
0x40: {  	_ =	shalt  }
0x41: {  	_ =	shalt  }
0x42: {  	_ =	shalt  }
0x43: {  	_ =	shalt  }
0x44: {  	_ =	shalt  }
0x45: {  	_ =	shalt  }
0x46: {  	_ =	shalt  }
0x47: {  	_ =	shalt  }
0x48: {  	_ =	shalt  }
0x49: {  	_ =	shalt  }
0x4a: {  	_ =	shalt  }
0x4b: {  	_ =	shalt  }
0x4c: {  	_ =	shalt  }
0x4d: {  	_ =	shalt  }
0x4e: {  	_ =	shalt  }
0x4f: {  	_ =	shalt  }
0x50: {  	_ =	shalt  }
0x51: {  	_ =	shalt  }
0x52: {  	_ =	shalt  }
0x53: {  	_ =	shalt  }
0x54: {  	_ =	shalt  }
0x55: {  	_ =	shalt  }
0x56: {  	_ =	shalt  }
0x57: {  	_ =	shalt  }
0x58: {  	_ =	shalt  }
0x59: {  	_ =	shalt  }
0x5a: {  	_ =	shalt  }
0x5b: {  	_ =	shalt  }
0x5c: {  	_ =	shalt  }
0x5d: {  	_ =	shalt  }
0x5e: {  	_ =	shalt  }
0x5f: {  	_ =	shalt  }
0x60: {  	_ =	shalt  }
0x61: {  	_ =	shalt  }
0x62: {  	_ =	shalt  }
0x63: {  	_ =	shalt  }
0x64: {  	_ =	shalt  }
0x65: {  	_ =	shalt  }
0x66: {  	_ =	shalt  }
0x67: {  	_ =	shalt  }
0x68: {  	_ =	shalt  }
0x69: {  	_ =	shalt  }
0x6a: {  	_ =	shalt  }
0x6b: {  	_ =	shalt  }
0x6c: {  	_ =	shalt  }
0x6d: {  	_ =	shalt  }
0x6e: {  	_ =	shalt  }
0x6f: {  	_ =	shalt  }
0x70: {  	_ =	shalt  }
0x71: {  	_ =	shalt  }
0x72: {  	_ =	shalt  }
0x73: {  	_ =	shalt  }
0x74: {  	_ =	shalt  }
0x75: {  	_ =	shalt  }
0x76: {  	_ =	shalt  }
0x77: {  	_ =	shalt  }
0x78: {  	_ =	shalt  }
0x79: {  	_ =	shalt  }
0x7a: {  	_ =	shalt  }
0x7b: {  	_ =	shalt  }
0x7c: {  	_ =	shalt  }
0x7d: {  	_ =	shalt  }
0x7e: {  	_ =	shalt  }
0x7f: {  	_ =	shalt  }
0x80: {  	_ =	shalt  }
0x81: {  	_ =	shalt  }
0x82: {  	_ =	shalt  }
0x83: {  	_ =	shalt  }
0x84: {  	_ =	shalt  }
0x85: {  	_ =	shalt  }
0x86: {  	_ =	shalt  }
0x87: {  	_ =	shalt  }
.Lfunc_end0:
.L_simem_size_0:
called_computation.2_lowered:
.L_overlay_start_0:
0x88: {  	s2 =	sld [smem:$0x3FD9]  }
0x89: {  	s3 =	sld [smem:$0x3FFE];
	_ =	sdelay $0x1  }
0x8a: {  	s1 =	srdreg.scid  }
0x8b: {  	s0 =	sand.u32 $0x1, s1  }
0x8c: {  	s16 =	sshll.u32 s0, $0xA;
	s2 =	sadd.s32 s3, s2  }
0x8d: {  	s2 =	sadd.s32 s2, s16  }
0x8e: {  	[smem:$0x3FB9] =	sst s2  }
0x8f: {  	_ = 	snop  }
0x90: {  	(tm) =	ssettm $0x1  }
0x91: {  	s17 =	sld [smem:$0x3FFB];
	_ =	sdelay $0x3  }
0x92: {  	_ =	strace s17  }
0x93: {  	s2 =	sld [smem:$0x3FFC];
	_ =	sdelay $0x3  }
0x94: {  	_ =	strace s2  }
0x95: {  	s2 =	sld [smem:$0x3FFD];
	_ =	sdelay $0x3  }
0x96: {  	_ =	strace s2  }
0x97: {  	_ =	strace $0x8FFFFFFF  }
0x98: {  	s18 =	sld [smem:$0x3FDB];
	_ =	sdelay $0x1  }
0x99: {  	s19 =	simm.s32 $_scs_section_size  }
0x9a: {  	s4 =	simm.s32 $_size__tile_overlayer_lowered;
	s5 =	simm.s32 $_tile_overlayer_lowered  }
0x9b: {  	s22 =	simm.s32 $0x1BFF;
	s21 =	sshll.u32 s5, $0x1;
	s2 =	sadd.s32 s19, s18  }
0x9c: {  	s6 =	simm.s32 $0x0;
	s20 =	sshll.u32 s4, $0x1;
	s4 =	sadd.s32 s21, s2  }
0x9d: {  	[timem:s6], [sflag:s22] =	dma.local [hbm:s4], s20  }
0x9e: {  	_ =	swait.ge [sflag:s22], s20  }
0x9f: {  	s3 =	ssub.s32 $0x0, s20;
	[sflag:s22] =	ssyncset.done $0x0  }
0xa0: {  	[sflag:s22] =	ssyncadd.s32 s3;
	_ =	sdelay $0x1  }
0xa1: {  	s23 =	simm.s32 $0x1B8B  }
0xa2: {  	_ =	swait.ge [sflag:s23], $0x1  }
0xa3: {  	[sflag:s23] =	ssyncset.done $0x0  }
0xa4: {  	s25 =	simm.s32 $0x1B8E;
	s24 =	sld [smem:$0x3FFE];
	[sflag:s23] =	ssyncadd.s32 $0xFFFFFFFF  }
0xa5: {  	s26 =	simm.s32 $execute0_lowered;
	[smem:$0x3FD2] =	sst s25  }
0xa6: {  	s4 =	sshll.u32 s26, $0x1;
	_ =	strace $0x8000004C;
	[dreg:$0x1] =	wrdreg $0xFFFFFFFF  }
0xa7: {  	s28 =	simm.s32 $_size_execute0_lowered;
	s2 =	sadd.s32 s2, s4;
	[dreg:$0x0] =	wrdreg $0x0  }
0xa8: {  	s4 =	sshll.u32 s28, $0x1;
	[dreg:$0x2] =	wrdreg s2  }
0xa9: {  	[dreg:$0x3] =	wrdreg s4  }
0xaa: {  	[dreg:$0x4] =	wrdreg $0xC0  }
0xab: {  	_ =	task [dreg:s6], $0x5FFFF  }
0xac: {  	[dreg:$0x1] =	wrdreg $0xFFFFFFFF  }
0xad: {  	[dreg:$0x0] =	wrdreg $0x60  }
0xae: {  	[dreg:$0x2] =	wrdreg s24  }
0xaf: {  	[dreg:$0x3] =	wrdreg $0x0  }
0xb0: {  	[dreg:$0x4] =	wrdreg $0x9  }
0xb1: {  	_ =	task.clear_ibuf [dreg:s6], $0x5FFFF;
	_ =	strace $0x9000004C  }
0xb2: {  	s29 =	simm.s32 $0x9;
	_ =	strace $0x8000004E  }
0xb3: {  	_ =	swait.ge [sflag:s29], $0x1  }
0xb4: {  	[sflag:s29] =	ssyncadd.s32 $0xFFFFFFFF  }
0xb5: {  	_ =	strace $0x9000004E  }
0xb6: {  	_ =	sfence  }
0xb7: {  	s30 =	sld [smem:$0x0];
	_ =	sdelay $0x2  }
0xb8: {  	s31 =	sshll.u32 s1, $0xD;
	s1 =	sshrl.u32 s1, $0x2  }
0xb9: {  	s3 =	sand.u32 $0x4000, s31;
	s1 =	sadd.s32 s1, s30  }
0xba: {  	s0 =	sor.u32 s3, s0;
	s1 =	sshll.u32 s1, $0x11  }
0xbb: {  	s0 =	sor.u32 s1, s0  }
0xbc: {  	s0 =	sadd.s32 $0x8F2B, s0  }
0xbd: {  	[sflag:s0] =	ssyncadd.remote.s32 $0x1  }
0xbe: {  	_ =	sfence.sel $0xFFFF  }
0xbf: {  	[dreg:$0x0] =	wrdreg $0xFFFFFFFF;
	(pc) =	sbr.abs _section_cstart, $3  }
0xc0: {  	[dreg:$0x1] =	wrdreg $0xFFFFFFFF  }
0xc1: {  	_ =	task.clear_ibuf [dreg:s6], $0x2FFFF;
	_ =	strace $0x9FFFFFFF  }
0xc2: {  	(tm) =	ssettm $0x7FFFFFFF  }
0xc3: {  	_ =	shalt  }
tec
execute0_lowered:
.L_overlay_start_1:
0x0: {  	(tag) =	ssettag $0x1  }
0x1: {  	s0 =	srdreg.scid;
	s1 =	rddreg [dreg:$0x0]  }
0x2: {  	s15 =	stileid.u32;
	s2 =	rddreg [dreg:$0x1];
	s3 =	simm.s32 $0x0  }
0x3: {  	s10 =	simm.s32 $0x14000;
	s11 =	simm.s32 $0x5;
	s13 =	simm.s32 $0x32  }
0x4: {  	s14 =	simm.s32 $0x16BC0;
	s16 =	simm.s32 $0x184C0;
	s17 =	simm.s32 $0x14070  }
0x5: {  	s18 =	simm.s32 $0x19DC0;
	s19 =	simm.s32 $0x140A8;
	s20 =	simm.s32 $0x1B6C0  }
0x6: {  	s23 =	simm.s32 $0x1;
	s24 =	simm.s32 $0x2;
	s28 =	simm.s32 $0x16AE0  }
0x7: {  	s29 =	simm.s32 $0x16B18;
	s30 =	simm.s32 $0x16B50;
	s5 =	smul.u32 $0x15E0, s15  }
0x8: {  	s31 =	simm.s32 $0x16B88;
	s0 =	sand.u32 $0x1, s0;
	s7 =	smul.u32 $0x28000, s15  }
0x9: {  	[smem:$0x7FF] =	sst s3;
	s26 =	sshll.u32 s15, $0x6;
	s4 =	smul.u32 $0x15E00, s0  }
0xa: {  	s6 =	smul.u32 $0x280000, s0;
	_ =	strace $0x8000004D;
	s0 =	ssub.s32 $0x2, s0  }
0xb: {  	s21 =	sor.u32 $0x1C05, s26;
	s26 =	simm.s32 $0x4;
	s25 =	sshrl.u32 s0, $0x1  }
0xc: {  	s9 =	sshrl.u32 s7, $0x1;
	s5 =	sadd.s32 s5, s4;
	s4 =	sadd.s32 $0x27600, s1  }
0xd: {  	s6 =	sadd.s32 s7, s6;
	s0 =	ssub.s32 s0, s25;
	s12 =	sadd.s32 s9, s2  }
0xe: {  	s25 =	simm.s32 $0x3;
	s5 =	sshrl.u32 s5, $0x3;
	s6 =	sshrl.u32 s6, $0x4  }
0xf: {  	s9 =	smax.u32 s0, $0x1;
	s22 =	sshrl.u32 s12, $0x3;
	s8 =	sadd.s32 s5, s1  }
0x10: {  	s5 =	sadd.s32 $0x19E00, s1;
	s1 =	sadd.s32 s6, s1;
	s6 =	sadd.s32 $0x1C600, s8  }
0x11: {  	s7 =	sadd.s32 $0x21E00, s8;
	s8 =	sadd.s32 $0x4E800, s1;
	s1 =	simm.s32 $0x0  }
.LBB2_1:
0x12: {  	[tilespmem:s10], [sflag:$0x5] =	stream.linear.gather [hbm4b:s6+s3], $0x15E0, $0x38;
	[tilespmem:$0x1CFC0] =	vst v63  }
0x13: {  	_ =	swait.ge [sflag:s11], $0x15E0  }
0x14: {  	[sflag:s11] =	ssyncset.done $0x0  }
0x15: {  	s0 =	simm.s32 $0x155E0;
	[sflag:s11] =	ssyncadd.s32 $0xFFFFEA20  }
0x16: {  	[tilespmem:s0], [sflag:$0x5] =	stream.linear.gather [hbm4b:s7+s3], $0x15E0, $0x38;
	[tilespmem:$0x1CFC0] =	vst v63  }
0x17: {  	_ =	swait.ge [sflag:s11], $0x15E0  }
0x18: {  	[sflag:s11] =	ssyncset.done $0x0  }
0x19: {  	[sflag:s11] =	ssyncadd.s32 $0xFFFFEA20  }
0x1a: {  	[tilespmem:s14], [sflag:$0x1] =	stream.indirect.gather [hbm4b:s4+s13], $0x80, s10, s13, $0xb8;
	[tilespmem:$0x1CFC0] =	vst v63  }
0x1b: {  	s12 =	simm.s32 $0x14038  }
0x1c: {  	[tilespmem:s16], [sflag:$0x2] =	stream.indirect.gather [hbm4b:s4+s13], $0x80, s12, s13, $0xb8;
	[tilespmem:$0x1CFC0] =	vst v63  }
0x1d: {  	_ = 	snop  }
0x1e: {  	[tilespmem:s18], [sflag:$0x3] =	stream.indirect.gather [hbm4b:s4+s13], $0x80, s17, s13, $0xb8;
	[tilespmem:$0x1CFC0] =	vst v63  }
0x1f: {  	_ = 	snop  }
0x20: {  	[tilespmem:s20], [sflag:$0x4] =	stream.indirect.gather [hbm4b:s4+s13], $0x80, s19, s13, $0xb8;
	[tilespmem:$0x1CFC0] =	vst v63  }
0x21: {  	[spmem:s22], [sflag:s21] =	dma.local [hbm:s5], $0x2800  }
0x22: {  	_ =	swait.ge [sflag:s11], $0x2800  }
0x23: {  	[sflag:s11] =	ssyncset.done $0x0  }
0x24: {  	[sflag:s11] =	ssyncadd.s32 $0xFFFFD800  }
0x25: {  	[bflag:$0x0] =	sbarrier.arrive $0xFFFF  }
0x26: {  	_ =	swait.ge [sflag:s23], $0x1900  }
0x27: {  	[sflag:s23] =	ssyncset.done $0x0  }
0x28: {  	s15 =	simm.s32 $0x155E0;
	[sflag:s23] =	ssyncadd.s32 $0xFFFFE700  }
0x29: {  	[spmem:s2] =	stream.indirect.scatter.add.bf16 [tilespmem:s14], [sflag:$0x5], $0x80, s15, s13, $0xb8;
	[tilespmem:$0x1CFC0] =	vst v63  }
0x2a: {  	_ =	swait.ge [sflag:s11], $0x1900  }
0x2b: {  	[sflag:s11] =	ssyncset.done $0x0  }
0x2c: {  	s12 =	simm.s32 $0x140E0;
	[sflag:s11] =	ssyncadd.s32 $0xFFFFE700  }
0x2d: {  	[tilespmem:s14], [sflag:$0x1] =	stream.indirect.gather [hbm4b:s4+s13], $0x80, s12, s13, $0xb8;
	[tilespmem:$0x1CFC0] =	vst v63  }
0x2e: {  	_ =	swait.ge [sflag:s24], $0x1900  }
0x2f: {  	[sflag:s24] =	ssyncset.done $0x0  }
0x30: {  	s15 =	simm.s32 $0x15618;
	[sflag:s24] =	ssyncadd.s32 $0xFFFFE700  }
0x31: {  	[spmem:s2] =	stream.indirect.scatter.add.bf16 [tilespmem:s16], [sflag:$0x5], $0x80, s15, s13, $0xb8;
	[tilespmem:$0x1CFC0] =	vst v63  }
0x32: {  	_ =	swait.ge [sflag:s11], $0x1900  }
0x33: {  	[sflag:s11] =	ssyncset.done $0x0  }
0x34: {  	s12 =	simm.s32 $0x14118;
	[sflag:s11] =	ssyncadd.s32 $0xFFFFE700  }
0x35: {  	[tilespmem:s16], [sflag:$0x2] =	stream.indirect.gather [hbm4b:s4+s13], $0x80, s12, s13, $0xb8;
	[tilespmem:$0x1CFC0] =	vst v63  }
0x36: {  	_ =	swait.ge [sflag:s25], $0x1900  }
0x37: {  	[sflag:s25] =	ssyncset.done $0x0  }
0x38: {  	s15 =	simm.s32 $0x15650;
	[sflag:s25] =	ssyncadd.s32 $0xFFFFE700  }
0x39: {  	[spmem:s2] =	stream.indirect.scatter.add.bf16 [tilespmem:s18], [sflag:$0x5], $0x80, s15, s13, $0xb8;
	[tilespmem:$0x1CFC0] =	vst v63  }
0x3a: {  	_ =	swait.ge [sflag:s11], $0x1900  }
0x3b: {  	[sflag:s11] =	ssyncset.done $0x0  }
0x3c: {  	s12 =	simm.s32 $0x14150;
	[sflag:s11] =	ssyncadd.s32 $0xFFFFE700  }
0x3d: {  	[tilespmem:s18], [sflag:$0x3] =	stream.indirect.gather [hbm4b:s4+s13], $0x80, s12, s13, $0xb8;
	[tilespmem:$0x1CFC0] =	vst v63  }
0x3e: {  	_ =	swait.ge [sflag:s26], $0x1900  }
0x3f: {  	[sflag:s26] =	ssyncset.done $0x0  }
0x40: {  	s15 =	simm.s32 $0x15688;
	[sflag:s26] =	ssyncadd.s32 $0xFFFFE700  }
0x41: {  	[spmem:s2] =	stream.indirect.scatter.add.bf16 [tilespmem:s20], [sflag:$0x5], $0x80, s15, s13, $0xb8;
	[tilespmem:$0x1CFC0] =	vst v63  }
0x42: {  	_ =	swait.ge [sflag:s11], $0x1900  }
0x43: {  	[sflag:s11] =	ssyncset.done $0x0  }
0x44: {  	s0 =	simm.s32 $0x380;
	s12 =	simm.s32 $0x14188;
	[sflag:s11] =	ssyncadd.s32 $0xFFFFE700  }
.LBB2_2:
0x45: {  	[tilespmem:s20], [sflag:$0x4] =	stream.indirect.gather [hbm4b:s4+s13], $0x80, s12, s13, $0xb8;
	[tilespmem:$0x1CFC0] =	vst v63  }
0x46: {  	s12 =	smov.u32 s0  }
0x47: {  	p0 =	sne.s32 s0, $0x5080;
	s0 =	sadd.s32 $0x380, s0;
	_ =	swait.ge [sflag:s23], $0x1900  }
0x48: {  	s12 =	sshra.s32 s12, $0x2;
	[sflag:s23] =	ssyncset.done $0x0  }
0x49: {  	s15 =	sadd.s32 $0x155E0, s12;
	[sflag:s23] =	ssyncadd.s32 $0xFFFFE700  }
0x4a: {  	[spmem:s2] =	stream.indirect.scatter.add.bf16 [tilespmem:s14], [sflag:$0x5], $0x80, s15, s13, $0xb8;
	[tilespmem:$0x1CFC0] =	vst v63  }
0x4b: {  	_ =	swait.ge [sflag:s11], $0x1900  }
0x4c: {  	[sflag:s11] =	ssyncset.done $0x0  }
0x4d: {  	s15 =	sadd.s32 $0x140E0, s12;
	[sflag:s11] =	ssyncadd.s32 $0xFFFFE700  }
0x4e: {  	[tilespmem:s14], [sflag:$0x1] =	stream.indirect.gather [hbm4b:s4+s13], $0x80, s15, s13, $0xb8;
	[tilespmem:$0x1CFC0] =	vst v63  }
0x4f: {  	_ =	swait.ge [sflag:s24], $0x1900  }
0x50: {  	[sflag:s24] =	ssyncset.done $0x0  }
0x51: {  	s15 =	sadd.s32 $0x15618, s12;
	[sflag:s24] =	ssyncadd.s32 $0xFFFFE700  }
0x52: {  	[spmem:s2] =	stream.indirect.scatter.add.bf16 [tilespmem:s16], [sflag:$0x5], $0x80, s15, s13, $0xb8;
	[tilespmem:$0x1CFC0] =	vst v63  }
0x53: {  	_ =	swait.ge [sflag:s11], $0x1900  }
0x54: {  	[sflag:s11] =	ssyncset.done $0x0  }
0x55: {  	s15 =	sadd.s32 $0x14118, s12;
	[sflag:s11] =	ssyncadd.s32 $0xFFFFE700  }
0x56: {  	[tilespmem:s16], [sflag:$0x2] =	stream.indirect.gather [hbm4b:s4+s13], $0x80, s15, s13, $0xb8;
	[tilespmem:$0x1CFC0] =	vst v63  }
0x57: {  	_ =	swait.ge [sflag:s25], $0x1900  }
0x58: {  	[sflag:s25] =	ssyncset.done $0x0  }
0x59: {  	s15 =	sadd.s32 $0x15650, s12;
	[sflag:s25] =	ssyncadd.s32 $0xFFFFE700  }
0x5a: {  	[spmem:s2] =	stream.indirect.scatter.add.bf16 [tilespmem:s18], [sflag:$0x5], $0x80, s15, s13, $0xb8;
	[tilespmem:$0x1CFC0] =	vst v63  }
0x5b: {  	_ =	swait.ge [sflag:s11], $0x1900  }
0x5c: {  	[sflag:s11] =	ssyncset.done $0x0  }
0x5d: {  	s15 =	sadd.s32 $0x14150, s12;
	[sflag:s11] =	ssyncadd.s32 $0xFFFFE700  }
0x5e: {  	[tilespmem:s18], [sflag:$0x3] =	stream.indirect.gather [hbm4b:s4+s13], $0x80, s15, s13, $0xb8;
	[tilespmem:$0x1CFC0] =	vst v63  }
0x5f: {  	_ =	swait.ge [sflag:s26], $0x1900  }
0x60: {  	[sflag:s26] =	ssyncset.done $0x0  }
.Ltmp0:
0x61: {  	s15 =	sadd.s32 $0x15688, s12;
	[sflag:s26] =	ssyncadd.s32 $0xFFFFE700;
	(pc) =	sbr.rel @p0 .LBB2_2-.Ltmp0, $4  }
0x62: {  	[spmem:s2] =	stream.indirect.scatter.add.bf16 [tilespmem:s20], [sflag:$0x5], $0x80, s15, s13, $0xb8;
	[tilespmem:$0x1CFC0] =	vst v63  }
0x63: {  	_ =	swait.ge [sflag:s11], $0x1900  }
0x64: {  	[sflag:s11] =	ssyncset.done $0x0  }
0x65: {  	s12 =	sadd.s32 $0x14188, s12;
	[sflag:s11] =	ssyncadd.s32 $0xFFFFE700  }
0x66: {  	[tilespmem:s20], [sflag:$0x4] =	stream.indirect.gather [hbm4b:s4+s13], $0x80, s12, s13, $0xb8;
	[tilespmem:$0x1CFC0] =	vst v63  }
0x67: {  	_ =	swait.ge [sflag:s23], $0x1900  }
0x68: {  	[sflag:s23] =	ssyncset.done $0x0  }
0x69: {  	[sflag:s23] =	ssyncadd.s32 $0xFFFFE700  }
0x6a: {  	[spmem:s2] =	stream.indirect.scatter.add.bf16 [tilespmem:s14], [sflag:$0x5], $0x80, s28, s13, $0xb8;
	[tilespmem:$0x1CFC0] =	vst v63  }
0x6b: {  	_ =	swait.ge [sflag:s11], $0x1900  }
0x6c: {  	[sflag:s11] =	ssyncset.done $0x0  }
0x6d: {  	[sflag:s11] =	ssyncadd.s32 $0xFFFFE700  }
0x6e: {  	_ =	swait.ge [sflag:s24], $0x1900  }
0x6f: {  	[sflag:s24] =	ssyncset.done $0x0  }
0x70: {  	[sflag:s24] =	ssyncadd.s32 $0xFFFFE700  }
0x71: {  	[spmem:s2] =	stream.indirect.scatter.add.bf16 [tilespmem:s16], [sflag:$0x5], $0x80, s29, s13, $0xb8;
	[tilespmem:$0x1CFC0] =	vst v63  }
0x72: {  	_ =	swait.ge [sflag:s11], $0x1900  }
0x73: {  	[sflag:s11] =	ssyncset.done $0x0  }
0x74: {  	[sflag:s11] =	ssyncadd.s32 $0xFFFFE700  }
0x75: {  	_ =	swait.ge [sflag:s25], $0x1900  }
0x76: {  	[sflag:s25] =	ssyncset.done $0x0  }
0x77: {  	[sflag:s25] =	ssyncadd.s32 $0xFFFFE700  }
0x78: {  	[spmem:s2] =	stream.indirect.scatter.add.bf16 [tilespmem:s18], [sflag:$0x5], $0x80, s30, s13, $0xb8;
	[tilespmem:$0x1CFC0] =	vst v63  }
0x79: {  	_ =	swait.ge [sflag:s11], $0x1900  }
0x7a: {  	[sflag:s11] =	ssyncset.done $0x0  }
0x7b: {  	[sflag:s11] =	ssyncadd.s32 $0xFFFFE700  }
0x7c: {  	_ =	swait.ge [sflag:s26], $0x1900  }
0x7d: {  	[sflag:s26] =	ssyncset.done $0x0  }
0x7e: {  	[sflag:s26] =	ssyncadd.s32 $0xFFFFE700  }
0x7f: {  	[spmem:s2] =	stream.indirect.scatter.add.bf16 [tilespmem:s20], [sflag:$0x5], $0x80, s31, s13, $0xb8;
	[tilespmem:$0x1CFC0] =	vst v63  }
0x80: {  	_ =	swait.ge [sflag:s11], $0x1900  }
0x81: {  	s1 =	sadd.s32 $0x1, s1;
	[sflag:s11] =	ssyncset.done $0x0  }
0x82: {  	p0 =	sne.s32 s1, s9;
	[sflag:s11] =	ssyncadd.s32 $0xFFFFE700  }
.Ltmp1:
0x83: {  	[bflag:$0x0] =	sbarrier.arrive $0xFFFF;
	(pc) =	sbr.rel @p0 .LBB2_1-.Ltmp1, $4  }
0x84: {  	[hbm:s8], [sflag:s21] =	dma.local [spmem:s22], $0x2800  }
0x85: {  	_ =	swait.ge [sflag:s11], $0x2800  }
0x86: {  	[sflag:s11] =	ssyncset.done $0x0  }
0x87: {  	[sflag:s11] =	ssyncadd.s32 $0xFFFFD800  }
0x88: {  	_ =	sfence.sel $0x180000  }
0x89: {  	[bflag:$0x0] =	sbarrier.arrive $0xFFFF  }
0x8a: {  	_ =	strace $0x9000004D  }
0x8b: {  	s0 =	stileid.u32;
	[bflag:$0x2] =	sbarrier.arrive $0xFFFF  }
0x8c: {  	p0 =	sne.s32 s0, $0x0;
	s0 =	rddreg [dreg:$0x2]  }
0x8d: {  	s0 =	sadd.s32 @!p0 $0x100000, s0  }
0x8e: {  	[sflag:s0] =	ssyncadd.tile.s32 @!p0 $0x1;
	_ =	shalt  }
.Lfunc_end2:
_tile_overlayer_lowered:
.L_overlay_start_2:
0x8f: {  	(tag) =	ssettag $0x2  }
0x90: {  	s0 =	rddreg [dreg:$0x0];
	s2 =	stileid.u32  }
0x91: {  	s1 =	rddreg [dreg:$0x1];
	p0 =	sne.s32 s2, $0x0  }
0x92: {  	s3 =	rddreg [dreg:$0x2];
	[bflag:$0x3] =	sbarrier.arrive $0xFFFF;
	s2 =	simm.s32 @!p0 $0x1C05  }
0x93: {  	[timem:s3], [sflag:s2] =	dma.local @!p0 [hbm:s0], s1  }
0x94: {  	s0 =	simm.s32 @!p0 $0x5  }
0x95: {  	_ =	swait.ge @!p0 [sflag:s0], s1  }
0x96: {  	s1 =	ssub.s32 @!p0 $0x0, s1;
	[sflag:s0] =	ssyncset.done @!p0 $0x0  }
0x97: {  	[sflag:s0] =	ssyncadd.s32 @!p0 s1  }
0x98: {  	[bflag:$0x3] =	sbarrier.arrive $0xFFFF  }
0x99: {  	_ =	shalt  }

// kernel: kernel.21.cloned.1.call-start
scs
__scs_entry_jumppad:
0x0: {  	(pc) =	sbr.rel $0x88, $3  }
0x1: {  	(tag) =	ssettag $0x0;
	lr =	simm.s32 $0x1  }
0x2: {  	[smem:$0x3F92] =	sst lr;
	_ =	strace $0xD0000000  }
0x3: {  	_ = 	snop  }
0x4: {  	_ = 	snop  }
0x5: {  	_ = 	snop  }
0x6: {  	_ = 	snop  }
0x7: {  	_ = 	snop  }
__scs_overlays_trampoline_lowered:
0x8: {  	[smem:$0x3FA1] =	sst s0  }
0x9: {  	[smem:$0x3FA2] =	sst s1  }
0xa: {  	[smem:$0x3FA3] =	sst s2  }
0xb: {  	[smem:$0x3FA4] =	sst s3  }
0xc: {  	[smem:$0x3FA5] =	sst s4  }
0xd: {  	[smem:$0x3FA6] =	sst s5  }
0xe: {  	[smem:$0x3FA7] =	sst s6  }
0xf: {  	[smem:$0x3FA8] =	sst s7  }
0x10: {  	[smem:$0x3FA9] =	sst s8  }
0x11: {  	[smem:$0x3FAA] =	sst s9;
	s0 =	simm.s32 @!p0 $0x0  }
0x12: {  	s1 =	sld [smem:$0x3F90];
	s0 =	simm.s32 @p0 $0x1  }
0x13: {  	[smem:$0x3FAB] =	sst s0;
	s0 =	simm.s32 @!p1 $0x0  }
0x14: {  	s2 =	sld [smem:$0x3F8F];
	s0 =	simm.s32 @p1 $0x1  }
0x15: {  	[smem:$0x3FAC] =	sst s0;
	s0 =	simm.s32 @!p2 $0x0  }
0x16: {  	s3 =	sld [smem:$0x3FDB];
	s0 =	simm.s32 @p2 $0x1  }
0x17: {  	s4 =	simm.s32 $0x1BF5;
	[smem:$0x3FAE] =	sst s0  }
0x18: {  	s0 =	sld [smem:$0x3F91];
	_ =	swait.ge [sflag:s4], $0x0  }
0x19: {  	s7 =	sld [smem:$0x3F92]  }
0x1a: {  	s8 =	sadd.s32 $0xFFFFE003, lr  }
0x1b: {  	s9 =	sadd.s32 $0xFFFFFEF7, lr;
	s5 =	simm.s32 $0xFFFFFFFF;
	p2 =	slt.u32 s8, $0xFFFFF086  }
0x1c: {  	p1 =	slt.u32 s9, $0xF7A;
	s5 =	simm.s32 @!p2 $0x0  }
0x1d: {  	s5 =	simm.s32 @p1 $0x1;
	p0 =	seq.s32 s7, s2  }
0x1e: {  	s7 =	smul.u32 @!p0 $0xF7A, s2;
	p2 =	seq.s32 @!p0 s5, $0x0  }
0x1f: {  	s9 =	smul.u32 $0xF7A, s1;
	s8 =	simm.s32 @!p0 $0x1BF5;
	p2 =	por !p2, p0  }
0x20: {  	[sflag:s8] =	ssyncset.s32 @!p0 $0xFFFFF086;
	s6 =	sadd.s32 @!p0 s3, s7;
	s7 =	simm.s32 @!p0 $0x108  }
0x21: {  	s3 =	sadd.s32 s3, s9;
	s6 =	sadd.s32 @!p0 $0x88, s6;
	s7 =	simm.s32 @p2 $0x1082  }
0x22: {  	[simem:s7], [sflag:s8] =	dma.local @!p0 [hbm:s6], $0xF7A  }
0x23: {  	s9 =	sor.u32 $0xD0000000, s2;
	s6 =	simm.s32 $0x108;
	_ =	swait.ge @!p0 [sflag:s8], $0x0  }
0x24: {  	s3 =	sadd.s32 $0x88, s3;
	s6 =	simm.s32 @!p1 $0x1082;
	[sflag:s4] =	ssyncset.s32 $0xFFFFF086  }
0x25: {  	[simem:s6], [sflag:s4] =	dma.local [hbm:s3], $0xF7A  }
0x26: {  	[smem:$0x3F92] =	sst s1;
	(tag) =	ssettag s2;
	_ =	strace s9  }
0x27: {  	s1 =	sld [smem:$0x3FA2]  }
0x28: {  	s2 =	sld [smem:$0x3FA3]  }
0x29: {  	s4 =	sld [smem:$0x3FA5]  }
0x2a: {  	p0 =	seq.s32 s5, $0x0;
	s5 =	sld [smem:$0x3FA6]  }
0x2b: {  	s6 =	sld [smem:$0x3FA7]  }
0x2c: {  	s7 =	sld [smem:$0x3FA8]  }
0x2d: {  	s3 =	simm.s32 $0x108;
	s8 =	sld [smem:$0x3FA9]  }
0x2e: {  	s3 =	simm.s32 @!p0 $0x1082;
	s9 =	sld [smem:$0x3FAA]  }
0x2f: {  	lr =	sadd.s32 s0, s3;
	s0 =	sld [smem:$0x3FA1]  }
0x30: {  	s3 =	sld [smem:$0x3FA4]  }
0x31: {  	[smem:$0x3FAD] =	sst s10  }
0x32: {  	s10 =	sld [smem:$0x3FAB];
	_ =	sdelay $0x3  }
0x33: {  	p0 =	seq.s32 s10, $0x1;
	s10 =	sld [smem:$0x3FAD];
	_ =	sdelay $0x3  }
0x34: {  	[smem:$0x3FAD] =	sst s10  }
0x35: {  	s10 =	sld [smem:$0x3FAC];
	_ =	sdelay $0x3  }
0x36: {  	p1 =	seq.s32 s10, $0x1;
	s10 =	sld [smem:$0x3FAD];
	_ =	sdelay $0x3  }
0x37: {  	[smem:$0x3FAD] =	sst s10  }
0x38: {  	s10 =	sld [smem:$0x3FAE]  }
0x39: {  	_ = 	snop;
	(pc) =	sbr.ind lr, $3  }
0x3a: {  	_ = 	snop  }
0x3b: {  	_ = 	snop  }
0x3c: {  	p2 =	seq.s32 s10, $0x1;
	s10 =	sld [smem:$0x3FAD]  }
0x3d: {  	_ =	shalt  }
0x3e: {  	_ =	shalt  }
0x3f: {  	_ =	shalt  }
0x40: {  	_ =	shalt  }
0x41: {  	_ =	shalt  }
0x42: {  	_ =	shalt  }
0x43: {  	_ =	shalt  }
0x44: {  	_ =	shalt  }
0x45: {  	_ =	shalt  }
0x46: {  	_ =	shalt  }
0x47: {  	_ =	shalt  }
0x48: {  	_ =	shalt  }
0x49: {  	_ =	shalt  }
0x4a: {  	_ =	shalt  }
0x4b: {  	_ =	shalt  }
0x4c: {  	_ =	shalt  }
0x4d: {  	_ =	shalt  }
0x4e: {  	_ =	shalt  }
0x4f: {  	_ =	shalt  }
0x50: {  	_ =	shalt  }
0x51: {  	_ =	shalt  }
0x52: {  	_ =	shalt  }
0x53: {  	_ =	shalt  }
0x54: {  	_ =	shalt  }
0x55: {  	_ =	shalt  }
0x56: {  	_ =	shalt  }
0x57: {  	_ =	shalt  }
0x58: {  	_ =	shalt  }
0x59: {  	_ =	shalt  }
0x5a: {  	_ =	shalt  }
0x5b: {  	_ =	shalt  }
0x5c: {  	_ =	shalt  }
0x5d: {  	_ =	shalt  }
0x5e: {  	_ =	shalt  }
0x5f: {  	_ =	shalt  }
0x60: {  	_ =	shalt  }
0x61: {  	_ =	shalt  }
0x62: {  	_ =	shalt  }
0x63: {  	_ =	shalt  }
0x64: {  	_ =	shalt  }
0x65: {  	_ =	shalt  }
0x66: {  	_ =	shalt  }
0x67: {  	_ =	shalt  }
0x68: {  	_ =	shalt  }
0x69: {  	_ =	shalt  }
0x6a: {  	_ =	shalt  }
0x6b: {  	_ =	shalt  }
0x6c: {  	_ =	shalt  }
0x6d: {  	_ =	shalt  }
0x6e: {  	_ =	shalt  }
0x6f: {  	_ =	shalt  }
0x70: {  	_ =	shalt  }
0x71: {  	_ =	shalt  }
0x72: {  	_ =	shalt  }
0x73: {  	_ =	shalt  }
0x74: {  	_ =	shalt  }
0x75: {  	_ =	shalt  }
0x76: {  	_ =	shalt  }
0x77: {  	_ =	shalt  }
0x78: {  	_ =	shalt  }
0x79: {  	_ =	shalt  }
0x7a: {  	_ =	shalt  }
0x7b: {  	_ =	shalt  }
0x7c: {  	_ =	shalt  }
0x7d: {  	_ =	shalt  }
0x7e: {  	_ =	shalt  }
0x7f: {  	_ =	shalt  }
0x80: {  	_ =	shalt  }
0x81: {  	_ =	shalt  }
0x82: {  	_ =	shalt  }
0x83: {  	_ =	shalt  }
0x84: {  	_ =	shalt  }
0x85: {  	_ =	shalt  }
0x86: {  	_ =	shalt  }
0x87: {  	_ =	shalt  }
.Lfunc_end0:
.L_simem_size_0:
called_computation.3_lowered:
.L_overlay_start_0:
0x88: {  	s2 =	sld [smem:$0x3FD9]  }
0x89: {  	s3 =	sld [smem:$0x3FFE];
	_ =	sdelay $0x1  }
0x8a: {  	s1 =	srdreg.scid  }
0x8b: {  	s0 =	sand.u32 $0x1, s1  }
0x8c: {  	s16 =	sshll.u32 s0, $0xA;
	s2 =	sadd.s32 s3, s2  }
0x8d: {  	s2 =	sadd.s32 s2, s16  }
0x8e: {  	[smem:$0x3FB9] =	sst s2  }
0x8f: {  	_ = 	snop  }
0x90: {  	(tm) =	ssettm $0x1  }
0x91: {  	s17 =	sld [smem:$0x3FFB];
	_ =	sdelay $0x3  }
0x92: {  	_ =	strace s17  }
0x93: {  	s2 =	sld [smem:$0x3FFC];
	_ =	sdelay $0x3  }
0x94: {  	_ =	strace s2  }
0x95: {  	s2 =	sld [smem:$0x3FFD];
	_ =	sdelay $0x3  }
0x96: {  	_ =	strace s2  }
0x97: {  	_ =	strace $0x8FFFFFFF  }
0x98: {  	s18 =	sld [smem:$0x3FDB];
	_ =	sdelay $0x1  }
0x99: {  	s19 =	simm.s32 $_scs_section_size  }
0x9a: {  	s4 =	simm.s32 $_size__tile_overlayer_lowered;
	s5 =	simm.s32 $_tile_overlayer_lowered  }
0x9b: {  	s22 =	simm.s32 $0x1BFF;
	s21 =	sshll.u32 s5, $0x1;
	s2 =	sadd.s32 s19, s18  }
0x9c: {  	s6 =	simm.s32 $0x0;
	s20 =	sshll.u32 s4, $0x1;
	s4 =	sadd.s32 s21, s2  }
0x9d: {  	[timem:s6], [sflag:s22] =	dma.local [hbm:s4], s20  }
0x9e: {  	_ =	swait.ge [sflag:s22], s20  }
0x9f: {  	s3 =	ssub.s32 $0x0, s20;
	[sflag:s22] =	ssyncset.done $0x0  }
0xa0: {  	[sflag:s22] =	ssyncadd.s32 s3;
	_ =	sdelay $0x1  }
0xa1: {  	s23 =	simm.s32 $0x1B8B  }
0xa2: {  	_ =	swait.ge [sflag:s23], $0x1  }
0xa3: {  	[sflag:s23] =	ssyncset.done $0x0  }
0xa4: {  	s25 =	simm.s32 $0x1B8E;
	s24 =	sld [smem:$0x3FFE];
	[sflag:s23] =	ssyncadd.s32 $0xFFFFFFFF  }
0xa5: {  	s26 =	simm.s32 $execute0_lowered;
	[smem:$0x3FD2] =	sst s25  }
0xa6: {  	s4 =	sshll.u32 s26, $0x1;
	_ =	strace $0x8000004F;
	[dreg:$0x1] =	wrdreg $0xFFFFFFFF  }
0xa7: {  	s28 =	simm.s32 $_size_execute0_lowered;
	s2 =	sadd.s32 s2, s4;
	[dreg:$0x0] =	wrdreg $0x0  }
0xa8: {  	s4 =	sshll.u32 s28, $0x1;
	[dreg:$0x2] =	wrdreg s2  }
0xa9: {  	[dreg:$0x3] =	wrdreg s4  }
0xaa: {  	[dreg:$0x4] =	wrdreg $0xC0  }
0xab: {  	_ =	task [dreg:s6], $0x5FFFF  }
0xac: {  	[dreg:$0x1] =	wrdreg $0xFFFFFFFF  }
0xad: {  	[dreg:$0x0] =	wrdreg $0x60  }
0xae: {  	[dreg:$0x2] =	wrdreg s24  }
0xaf: {  	[dreg:$0x3] =	wrdreg $0x0  }
0xb0: {  	[dreg:$0x4] =	wrdreg $0x9  }
0xb1: {  	_ =	task.clear_ibuf [dreg:s6], $0x5FFFF;
	_ =	strace $0x9000004F  }
0xb2: {  	s29 =	simm.s32 $0x9;
	_ =	strace $0x80000051  }
0xb3: {  	_ =	swait.ge [sflag:s29], $0x1  }
0xb4: {  	[sflag:s29] =	ssyncadd.s32 $0xFFFFFFFF  }
0xb5: {  	_ =	strace $0x90000051  }
0xb6: {  	_ =	sfence  }
0xb7: {  	s30 =	sld [smem:$0x0];
	_ =	sdelay $0x2  }
0xb8: {  	s31 =	sshll.u32 s1, $0xD;
	s1 =	sshrl.u32 s1, $0x2  }
0xb9: {  	s3 =	sand.u32 $0x4000, s31;
	s1 =	sadd.s32 s1, s30  }
0xba: {  	s0 =	sor.u32 s3, s0;
	s1 =	sshll.u32 s1, $0x11  }
0xbb: {  	s0 =	sor.u32 s1, s0  }
0xbc: {  	s0 =	sadd.s32 $0x8F2B, s0  }
0xbd: {  	[sflag:s0] =	ssyncadd.remote.s32 $0x1  }
0xbe: {  	_ =	sfence.sel $0xFFFF  }
0xbf: {  	[dreg:$0x0] =	wrdreg $0xFFFFFFFF;
	(pc) =	sbr.abs _section_cstart, $3  }
0xc0: {  	[dreg:$0x1] =	wrdreg $0xFFFFFFFF  }
0xc1: {  	_ =	task.clear_ibuf [dreg:s6], $0x2FFFF;
	_ =	strace $0x9FFFFFFF  }
0xc2: {  	(tm) =	ssettm $0x7FFFFFFF  }
0xc3: {  	_ =	shalt  }
tec
execute0_lowered:
.L_overlay_start_1:
0x0: {  	(tag) =	ssettag $0x1  }
0x1: {  	s0 =	srdreg.scid;
	s1 =	rddreg [dreg:$0x0]  }
0x2: {  	s15 =	stileid.u32;
	s2 =	rddreg [dreg:$0x1];
	s3 =	simm.s32 $0x0  }
0x3: {  	s10 =	simm.s32 $0x14000;
	s11 =	simm.s32 $0x5;
	s13 =	simm.s32 $0x32  }
0x4: {  	s14 =	simm.s32 $0x16BC0;
	s16 =	simm.s32 $0x184C0;
	s17 =	simm.s32 $0x14070  }
0x5: {  	s18 =	simm.s32 $0x19DC0;
	s19 =	simm.s32 $0x140A8;
	s20 =	simm.s32 $0x1B6C0  }
0x6: {  	s23 =	simm.s32 $0x1;
	s24 =	simm.s32 $0x2;
	s28 =	simm.s32 $0x16AE0  }
0x7: {  	s29 =	simm.s32 $0x16B18;
	s30 =	simm.s32 $0x16B50;
	s5 =	smul.u32 $0x15E0, s15  }
0x8: {  	s31 =	simm.s32 $0x16B88;
	s0 =	sand.u32 $0x1, s0;
	s7 =	smul.u32 $0x28000, s15  }
0x9: {  	[smem:$0x7FF] =	sst s3;
	s26 =	sshll.u32 s15, $0x6;
	s4 =	smul.u32 $0x15E00, s0  }
0xa: {  	s6 =	smul.u32 $0x280000, s0;
	_ =	strace $0x80000050;
	s0 =	ssub.s32 $0x2, s0  }
0xb: {  	s21 =	sor.u32 $0x1C05, s26;
	s26 =	simm.s32 $0x4;
	s25 =	sshrl.u32 s0, $0x1  }
0xc: {  	s9 =	sshrl.u32 s7, $0x1;
	s5 =	sadd.s32 s5, s4;
	s4 =	sadd.s32 $0x27600, s1  }
0xd: {  	s6 =	sadd.s32 s7, s6;
	s0 =	ssub.s32 s0, s25;
	s12 =	sadd.s32 s9, s2  }
0xe: {  	s25 =	simm.s32 $0x3;
	s5 =	sshrl.u32 s5, $0x3;
	s6 =	sshrl.u32 s6, $0x4  }
0xf: {  	s9 =	smax.u32 s0, $0x1;
	s22 =	sshrl.u32 s12, $0x3;
	s8 =	sadd.s32 s5, s1  }
0x10: {  	s5 =	sadd.s32 $0x19E00, s1;
	s1 =	sadd.s32 s6, s1;
	s6 =	sadd.s32 $0x21E00, s8  }
0x11: {  	s7 =	sadd.s32 $0x1C600, s8;
	s8 =	sadd.s32 $0x4E800, s1;
	s1 =	simm.s32 $0x0  }
.LBB2_1:
0x12: {  	[tilespmem:s10], [sflag:$0x5] =	stream.linear.gather [hbm4b:s6+s3], $0x15E0, $0x38;
	[tilespmem:$0x1CFC0] =	vst v63  }
0x13: {  	_ =	swait.ge [sflag:s11], $0x15E0  }
0x14: {  	[sflag:s11] =	ssyncset.done $0x0  }
0x15: {  	s0 =	simm.s32 $0x155E0;
	[sflag:s11] =	ssyncadd.s32 $0xFFFFEA20  }
0x16: {  	[tilespmem:s0], [sflag:$0x5] =	stream.linear.gather [hbm4b:s7+s3], $0x15E0, $0x38;
	[tilespmem:$0x1CFC0] =	vst v63  }
0x17: {  	_ =	swait.ge [sflag:s11], $0x15E0  }
0x18: {  	[sflag:s11] =	ssyncset.done $0x0  }
0x19: {  	[sflag:s11] =	ssyncadd.s32 $0xFFFFEA20  }
0x1a: {  	[tilespmem:s14], [sflag:$0x1] =	stream.indirect.gather [hbm4b:s4+s13], $0x80, s10, s13, $0xb8;
	[tilespmem:$0x1CFC0] =	vst v63  }
0x1b: {  	s12 =	simm.s32 $0x14038  }
0x1c: {  	[tilespmem:s16], [sflag:$0x2] =	stream.indirect.gather [hbm4b:s4+s13], $0x80, s12, s13, $0xb8;
	[tilespmem:$0x1CFC0] =	vst v63  }
0x1d: {  	_ = 	snop  }
0x1e: {  	[tilespmem:s18], [sflag:$0x3] =	stream.indirect.gather [hbm4b:s4+s13], $0x80, s17, s13, $0xb8;
	[tilespmem:$0x1CFC0] =	vst v63  }
0x1f: {  	_ = 	snop  }
0x20: {  	[tilespmem:s20], [sflag:$0x4] =	stream.indirect.gather [hbm4b:s4+s13], $0x80, s19, s13, $0xb8;
	[tilespmem:$0x1CFC0] =	vst v63  }
0x21: {  	[spmem:s22], [sflag:s21] =	dma.local [hbm:s5], $0x2800  }
0x22: {  	_ =	swait.ge [sflag:s11], $0x2800  }
0x23: {  	[sflag:s11] =	ssyncset.done $0x0  }
0x24: {  	[sflag:s11] =	ssyncadd.s32 $0xFFFFD800  }
0x25: {  	[bflag:$0x0] =	sbarrier.arrive $0xFFFF  }
0x26: {  	_ =	swait.ge [sflag:s23], $0x1900  }
0x27: {  	[sflag:s23] =	ssyncset.done $0x0  }
0x28: {  	s15 =	simm.s32 $0x155E0;
	[sflag:s23] =	ssyncadd.s32 $0xFFFFE700  }
0x29: {  	[spmem:s2] =	stream.indirect.scatter.add.bf16 [tilespmem:s14], [sflag:$0x5], $0x80, s15, s13, $0xb8;
	[tilespmem:$0x1CFC0] =	vst v63  }
0x2a: {  	_ =	swait.ge [sflag:s11], $0x1900  }
0x2b: {  	[sflag:s11] =	ssyncset.done $0x0  }
0x2c: {  	s12 =	simm.s32 $0x140E0;
	[sflag:s11] =	ssyncadd.s32 $0xFFFFE700  }
0x2d: {  	[tilespmem:s14], [sflag:$0x1] =	stream.indirect.gather [hbm4b:s4+s13], $0x80, s12, s13, $0xb8;
	[tilespmem:$0x1CFC0] =	vst v63  }
0x2e: {  	_ =	swait.ge [sflag:s24], $0x1900  }
0x2f: {  	[sflag:s24] =	ssyncset.done $0x0  }
0x30: {  	s15 =	simm.s32 $0x15618;
	[sflag:s24] =	ssyncadd.s32 $0xFFFFE700  }
0x31: {  	[spmem:s2] =	stream.indirect.scatter.add.bf16 [tilespmem:s16], [sflag:$0x5], $0x80, s15, s13, $0xb8;
	[tilespmem:$0x1CFC0] =	vst v63  }
0x32: {  	_ =	swait.ge [sflag:s11], $0x1900  }
0x33: {  	[sflag:s11] =	ssyncset.done $0x0  }
0x34: {  	s12 =	simm.s32 $0x14118;
	[sflag:s11] =	ssyncadd.s32 $0xFFFFE700  }
0x35: {  	[tilespmem:s16], [sflag:$0x2] =	stream.indirect.gather [hbm4b:s4+s13], $0x80, s12, s13, $0xb8;
	[tilespmem:$0x1CFC0] =	vst v63  }
0x36: {  	_ =	swait.ge [sflag:s25], $0x1900  }
0x37: {  	[sflag:s25] =	ssyncset.done $0x0  }
0x38: {  	s15 =	simm.s32 $0x15650;
	[sflag:s25] =	ssyncadd.s32 $0xFFFFE700  }
0x39: {  	[spmem:s2] =	stream.indirect.scatter.add.bf16 [tilespmem:s18], [sflag:$0x5], $0x80, s15, s13, $0xb8;
	[tilespmem:$0x1CFC0] =	vst v63  }
0x3a: {  	_ =	swait.ge [sflag:s11], $0x1900  }
0x3b: {  	[sflag:s11] =	ssyncset.done $0x0  }
0x3c: {  	s12 =	simm.s32 $0x14150;
	[sflag:s11] =	ssyncadd.s32 $0xFFFFE700  }
0x3d: {  	[tilespmem:s18], [sflag:$0x3] =	stream.indirect.gather [hbm4b:s4+s13], $0x80, s12, s13, $0xb8;
	[tilespmem:$0x1CFC0] =	vst v63  }
0x3e: {  	_ =	swait.ge [sflag:s26], $0x1900  }
0x3f: {  	[sflag:s26] =	ssyncset.done $0x0  }
0x40: {  	s15 =	simm.s32 $0x15688;
	[sflag:s26] =	ssyncadd.s32 $0xFFFFE700  }
0x41: {  	[spmem:s2] =	stream.indirect.scatter.add.bf16 [tilespmem:s20], [sflag:$0x5], $0x80, s15, s13, $0xb8;
	[tilespmem:$0x1CFC0] =	vst v63  }
0x42: {  	_ =	swait.ge [sflag:s11], $0x1900  }
0x43: {  	[sflag:s11] =	ssyncset.done $0x0  }
0x44: {  	s0 =	simm.s32 $0x380;
	s12 =	simm.s32 $0x14188;
	[sflag:s11] =	ssyncadd.s32 $0xFFFFE700  }
.LBB2_2:
0x45: {  	[tilespmem:s20], [sflag:$0x4] =	stream.indirect.gather [hbm4b:s4+s13], $0x80, s12, s13, $0xb8;
	[tilespmem:$0x1CFC0] =	vst v63  }
0x46: {  	s12 =	smov.u32 s0  }
0x47: {  	p0 =	sne.s32 s0, $0x5080;
	s0 =	sadd.s32 $0x380, s0;
	_ =	swait.ge [sflag:s23], $0x1900  }
0x48: {  	s12 =	sshra.s32 s12, $0x2;
	[sflag:s23] =	ssyncset.done $0x0  }
0x49: {  	s15 =	sadd.s32 $0x155E0, s12;
	[sflag:s23] =	ssyncadd.s32 $0xFFFFE700  }
0x4a: {  	[spmem:s2] =	stream.indirect.scatter.add.bf16 [tilespmem:s14], [sflag:$0x5], $0x80, s15, s13, $0xb8;
	[tilespmem:$0x1CFC0] =	vst v63  }
0x4b: {  	_ =	swait.ge [sflag:s11], $0x1900  }
0x4c: {  	[sflag:s11] =	ssyncset.done $0x0  }
0x4d: {  	s15 =	sadd.s32 $0x140E0, s12;
	[sflag:s11] =	ssyncadd.s32 $0xFFFFE700  }
0x4e: {  	[tilespmem:s14], [sflag:$0x1] =	stream.indirect.gather [hbm4b:s4+s13], $0x80, s15, s13, $0xb8;
	[tilespmem:$0x1CFC0] =	vst v63  }
0x4f: {  	_ =	swait.ge [sflag:s24], $0x1900  }
0x50: {  	[sflag:s24] =	ssyncset.done $0x0  }
0x51: {  	s15 =	sadd.s32 $0x15618, s12;
	[sflag:s24] =	ssyncadd.s32 $0xFFFFE700  }
0x52: {  	[spmem:s2] =	stream.indirect.scatter.add.bf16 [tilespmem:s16], [sflag:$0x5], $0x80, s15, s13, $0xb8;
	[tilespmem:$0x1CFC0] =	vst v63  }
0x53: {  	_ =	swait.ge [sflag:s11], $0x1900  }
0x54: {  	[sflag:s11] =	ssyncset.done $0x0  }
0x55: {  	s15 =	sadd.s32 $0x14118, s12;
	[sflag:s11] =	ssyncadd.s32 $0xFFFFE700  }
0x56: {  	[tilespmem:s16], [sflag:$0x2] =	stream.indirect.gather [hbm4b:s4+s13], $0x80, s15, s13, $0xb8;
	[tilespmem:$0x1CFC0] =	vst v63  }
0x57: {  	_ =	swait.ge [sflag:s25], $0x1900  }
0x58: {  	[sflag:s25] =	ssyncset.done $0x0  }
0x59: {  	s15 =	sadd.s32 $0x15650, s12;
	[sflag:s25] =	ssyncadd.s32 $0xFFFFE700  }
0x5a: {  	[spmem:s2] =	stream.indirect.scatter.add.bf16 [tilespmem:s18], [sflag:$0x5], $0x80, s15, s13, $0xb8;
	[tilespmem:$0x1CFC0] =	vst v63  }
0x5b: {  	_ =	swait.ge [sflag:s11], $0x1900  }
0x5c: {  	[sflag:s11] =	ssyncset.done $0x0  }
0x5d: {  	s15 =	sadd.s32 $0x14150, s12;
	[sflag:s11] =	ssyncadd.s32 $0xFFFFE700  }
0x5e: {  	[tilespmem:s18], [sflag:$0x3] =	stream.indirect.gather [hbm4b:s4+s13], $0x80, s15, s13, $0xb8;
	[tilespmem:$0x1CFC0] =	vst v63  }
0x5f: {  	_ =	swait.ge [sflag:s26], $0x1900  }
0x60: {  	[sflag:s26] =	ssyncset.done $0x0  }
.Ltmp0:
0x61: {  	s15 =	sadd.s32 $0x15688, s12;
	[sflag:s26] =	ssyncadd.s32 $0xFFFFE700;
	(pc) =	sbr.rel @p0 .LBB2_2-.Ltmp0, $4  }
0x62: {  	[spmem:s2] =	stream.indirect.scatter.add.bf16 [tilespmem:s20], [sflag:$0x5], $0x80, s15, s13, $0xb8;
	[tilespmem:$0x1CFC0] =	vst v63  }
0x63: {  	_ =	swait.ge [sflag:s11], $0x1900  }
0x64: {  	[sflag:s11] =	ssyncset.done $0x0  }
0x65: {  	s12 =	sadd.s32 $0x14188, s12;
	[sflag:s11] =	ssyncadd.s32 $0xFFFFE700  }
0x66: {  	[tilespmem:s20], [sflag:$0x4] =	stream.indirect.gather [hbm4b:s4+s13], $0x80, s12, s13, $0xb8;
	[tilespmem:$0x1CFC0] =	vst v63  }
0x67: {  	_ =	swait.ge [sflag:s23], $0x1900  }
0x68: {  	[sflag:s23] =	ssyncset.done $0x0  }
0x69: {  	[sflag:s23] =	ssyncadd.s32 $0xFFFFE700  }
0x6a: {  	[spmem:s2] =	stream.indirect.scatter.add.bf16 [tilespmem:s14], [sflag:$0x5], $0x80, s28, s13, $0xb8;
	[tilespmem:$0x1CFC0] =	vst v63  }
0x6b: {  	_ =	swait.ge [sflag:s11], $0x1900  }
0x6c: {  	[sflag:s11] =	ssyncset.done $0x0  }
0x6d: {  	[sflag:s11] =	ssyncadd.s32 $0xFFFFE700  }
0x6e: {  	_ =	swait.ge [sflag:s24], $0x1900  }
0x6f: {  	[sflag:s24] =	ssyncset.done $0x0  }
0x70: {  	[sflag:s24] =	ssyncadd.s32 $0xFFFFE700  }
0x71: {  	[spmem:s2] =	stream.indirect.scatter.add.bf16 [tilespmem:s16], [sflag:$0x5], $0x80, s29, s13, $0xb8;
	[tilespmem:$0x1CFC0] =	vst v63  }
0x72: {  	_ =	swait.ge [sflag:s11], $0x1900  }
0x73: {  	[sflag:s11] =	ssyncset.done $0x0  }
0x74: {  	[sflag:s11] =	ssyncadd.s32 $0xFFFFE700  }
0x75: {  	_ =	swait.ge [sflag:s25], $0x1900  }
0x76: {  	[sflag:s25] =	ssyncset.done $0x0  }
0x77: {  	[sflag:s25] =	ssyncadd.s32 $0xFFFFE700  }
0x78: {  	[spmem:s2] =	stream.indirect.scatter.add.bf16 [tilespmem:s18], [sflag:$0x5], $0x80, s30, s13, $0xb8;
	[tilespmem:$0x1CFC0] =	vst v63  }
0x79: {  	_ =	swait.ge [sflag:s11], $0x1900  }
0x7a: {  	[sflag:s11] =	ssyncset.done $0x0  }
0x7b: {  	[sflag:s11] =	ssyncadd.s32 $0xFFFFE700  }
0x7c: {  	_ =	swait.ge [sflag:s26], $0x1900  }
0x7d: {  	[sflag:s26] =	ssyncset.done $0x0  }
0x7e: {  	[sflag:s26] =	ssyncadd.s32 $0xFFFFE700  }
0x7f: {  	[spmem:s2] =	stream.indirect.scatter.add.bf16 [tilespmem:s20], [sflag:$0x5], $0x80, s31, s13, $0xb8;
	[tilespmem:$0x1CFC0] =	vst v63  }
0x80: {  	_ =	swait.ge [sflag:s11], $0x1900  }
0x81: {  	s1 =	sadd.s32 $0x1, s1;
	[sflag:s11] =	ssyncset.done $0x0  }
0x82: {  	p0 =	sne.s32 s1, s9;
	[sflag:s11] =	ssyncadd.s32 $0xFFFFE700  }
.Ltmp1:
0x83: {  	[bflag:$0x0] =	sbarrier.arrive $0xFFFF;
	(pc) =	sbr.rel @p0 .LBB2_1-.Ltmp1, $4  }
0x84: {  	[hbm:s8], [sflag:s21] =	dma.local [spmem:s22], $0x2800  }
0x85: {  	_ =	swait.ge [sflag:s11], $0x2800  }
0x86: {  	[sflag:s11] =	ssyncset.done $0x0  }
0x87: {  	[sflag:s11] =	ssyncadd.s32 $0xFFFFD800  }
0x88: {  	_ =	sfence.sel $0x180000  }
0x89: {  	[bflag:$0x0] =	sbarrier.arrive $0xFFFF  }
0x8a: {  	_ =	strace $0x90000050  }
0x8b: {  	s0 =	stileid.u32;
	[bflag:$0x2] =	sbarrier.arrive $0xFFFF  }
0x8c: {  	p0 =	sne.s32 s0, $0x0;
	s0 =	rddreg [dreg:$0x2]  }
0x8d: {  	s0 =	sadd.s32 @!p0 $0x100000, s0  }
0x8e: {  	[sflag:s0] =	ssyncadd.tile.s32 @!p0 $0x1;
	_ =	shalt  }
.Lfunc_end2:
_tile_overlayer_lowered:
.L_overlay_start_2:
0x8f: {  	(tag) =	ssettag $0x2  }
0x90: {  	s0 =	rddreg [dreg:$0x0];
	s2 =	stileid.u32  }
0x91: {  	s1 =	rddreg [dreg:$0x1];
	p0 =	sne.s32 s2, $0x0  }
0x92: {  	s3 =	rddreg [dreg:$0x2];
	[bflag:$0x3] =	sbarrier.arrive $0xFFFF;
	s2 =	simm.s32 @!p0 $0x1C05  }
0x93: {  	[timem:s3], [sflag:s2] =	dma.local @!p0 [hbm:s0], s1  }
0x94: {  	s0 =	simm.s32 @!p0 $0x5  }
0x95: {  	_ =	swait.ge @!p0 [sflag:s0], s1  }
0x96: {  	s1 =	ssub.s32 @!p0 $0x0, s1;
	[sflag:s0] =	ssyncset.done @!p0 $0x0  }
0x97: {  	[sflag:s0] =	ssyncadd.s32 @!p0 s1  }
0x98: {  	[bflag:$0x3] =	sbarrier.arrive $0xFFFF  }
0x99: {  	_ =	shalt  }

// kernel: kernel.24.cloned.1.call-start
scs
__scs_entry_jumppad:
0x0: {  	(pc) =	sbr.rel $0x88, $3  }
0x1: {  	(tag) =	ssettag $0x0;
	lr =	simm.s32 $0x1  }
0x2: {  	[smem:$0x3F92] =	sst lr;
	_ =	strace $0xD0000000  }
0x3: {  	_ = 	snop  }
0x4: {  	_ = 	snop  }
0x5: {  	_ = 	snop  }
0x6: {  	_ = 	snop  }
0x7: {  	_ = 	snop  }
__scs_overlays_trampoline_lowered:
0x8: {  	[smem:$0x3FA1] =	sst s0  }
0x9: {  	[smem:$0x3FA2] =	sst s1  }
0xa: {  	[smem:$0x3FA3] =	sst s2  }
0xb: {  	[smem:$0x3FA4] =	sst s3  }
0xc: {  	[smem:$0x3FA5] =	sst s4  }
0xd: {  	[smem:$0x3FA6] =	sst s5  }
0xe: {  	[smem:$0x3FA7] =	sst s6  }
0xf: {  	[smem:$0x3FA8] =	sst s7  }
0x10: {  	[smem:$0x3FA9] =	sst s8  }
0x11: {  	[smem:$0x3FAA] =	sst s9;
	s0 =	simm.s32 @!p0 $0x0  }
0x12: {  	s1 =	sld [smem:$0x3F90];
	s0 =	simm.s32 @p0 $0x1  }
0x13: {  	[smem:$0x3FAB] =	sst s0;
	s0 =	simm.s32 @!p1 $0x0  }
0x14: {  	s2 =	sld [smem:$0x3F8F];
	s0 =	simm.s32 @p1 $0x1  }
0x15: {  	[smem:$0x3FAC] =	sst s0;
	s0 =	simm.s32 @!p2 $0x0  }
0x16: {  	s3 =	sld [smem:$0x3FDB];
	s0 =	simm.s32 @p2 $0x1  }
0x17: {  	s4 =	simm.s32 $0x1BF5;
	[smem:$0x3FAE] =	sst s0  }
0x18: {  	s0 =	sld [smem:$0x3F91];
	_ =	swait.ge [sflag:s4], $0x0  }
0x19: {  	s7 =	sld [smem:$0x3F92]  }
0x1a: {  	s8 =	sadd.s32 $0xFFFFE003, lr  }
0x1b: {  	s9 =	sadd.s32 $0xFFFFFEF7, lr;
	s5 =	simm.s32 $0xFFFFFFFF;
	p2 =	slt.u32 s8, $0xFFFFF086  }
0x1c: {  	p1 =	slt.u32 s9, $0xF7A;
	s5 =	simm.s32 @!p2 $0x0  }
0x1d: {  	s5 =	simm.s32 @p1 $0x1;
	p0 =	seq.s32 s7, s2  }
0x1e: {  	s7 =	smul.u32 @!p0 $0xF7A, s2;
	p2 =	seq.s32 @!p0 s5, $0x0  }
0x1f: {  	s9 =	smul.u32 $0xF7A, s1;
	s8 =	simm.s32 @!p0 $0x1BF5;
	p2 =	por !p2, p0  }
0x20: {  	[sflag:s8] =	ssyncset.s32 @!p0 $0xFFFFF086;
	s6 =	sadd.s32 @!p0 s3, s7;
	s7 =	simm.s32 @!p0 $0x108  }
0x21: {  	s3 =	sadd.s32 s3, s9;
	s6 =	sadd.s32 @!p0 $0x88, s6;
	s7 =	simm.s32 @p2 $0x1082  }
0x22: {  	[simem:s7], [sflag:s8] =	dma.local @!p0 [hbm:s6], $0xF7A  }
0x23: {  	s9 =	sor.u32 $0xD0000000, s2;
	s6 =	simm.s32 $0x108;
	_ =	swait.ge @!p0 [sflag:s8], $0x0  }
0x24: {  	s3 =	sadd.s32 $0x88, s3;
	s6 =	simm.s32 @!p1 $0x1082;
	[sflag:s4] =	ssyncset.s32 $0xFFFFF086  }
0x25: {  	[simem:s6], [sflag:s4] =	dma.local [hbm:s3], $0xF7A  }
0x26: {  	[smem:$0x3F92] =	sst s1;
	(tag) =	ssettag s2;
	_ =	strace s9  }
0x27: {  	s1 =	sld [smem:$0x3FA2]  }
0x28: {  	s2 =	sld [smem:$0x3FA3]  }
0x29: {  	s4 =	sld [smem:$0x3FA5]  }
0x2a: {  	p0 =	seq.s32 s5, $0x0;
	s5 =	sld [smem:$0x3FA6]  }
0x2b: {  	s6 =	sld [smem:$0x3FA7]  }
0x2c: {  	s7 =	sld [smem:$0x3FA8]  }
0x2d: {  	s3 =	simm.s32 $0x108;
	s8 =	sld [smem:$0x3FA9]  }
0x2e: {  	s3 =	simm.s32 @!p0 $0x1082;
	s9 =	sld [smem:$0x3FAA]  }
0x2f: {  	lr =	sadd.s32 s0, s3;
	s0 =	sld [smem:$0x3FA1]  }
0x30: {  	s3 =	sld [smem:$0x3FA4]  }
0x31: {  	[smem:$0x3FAD] =	sst s10  }
0x32: {  	s10 =	sld [smem:$0x3FAB];
	_ =	sdelay $0x3  }
0x33: {  	p0 =	seq.s32 s10, $0x1;
	s10 =	sld [smem:$0x3FAD];
	_ =	sdelay $0x3  }
0x34: {  	[smem:$0x3FAD] =	sst s10  }
0x35: {  	s10 =	sld [smem:$0x3FAC];
	_ =	sdelay $0x3  }
0x36: {  	p1 =	seq.s32 s10, $0x1;
	s10 =	sld [smem:$0x3FAD];
	_ =	sdelay $0x3  }
0x37: {  	[smem:$0x3FAD] =	sst s10  }
0x38: {  	s10 =	sld [smem:$0x3FAE]  }
0x39: {  	_ = 	snop;
	(pc) =	sbr.ind lr, $3  }
0x3a: {  	_ = 	snop  }
0x3b: {  	_ = 	snop  }
0x3c: {  	p2 =	seq.s32 s10, $0x1;
	s10 =	sld [smem:$0x3FAD]  }
0x3d: {  	_ =	shalt  }
0x3e: {  	_ =	shalt  }
0x3f: {  	_ =	shalt  }
0x40: {  	_ =	shalt  }
0x41: {  	_ =	shalt  }
0x42: {  	_ =	shalt  }
0x43: {  	_ =	shalt  }
0x44: {  	_ =	shalt  }
0x45: {  	_ =	shalt  }
0x46: {  	_ =	shalt  }
0x47: {  	_ =	shalt  }
0x48: {  	_ =	shalt  }
0x49: {  	_ =	shalt  }
0x4a: {  	_ =	shalt  }
0x4b: {  	_ =	shalt  }
0x4c: {  	_ =	shalt  }
0x4d: {  	_ =	shalt  }
0x4e: {  	_ =	shalt  }
0x4f: {  	_ =	shalt  }
0x50: {  	_ =	shalt  }
0x51: {  	_ =	shalt  }
0x52: {  	_ =	shalt  }
0x53: {  	_ =	shalt  }
0x54: {  	_ =	shalt  }
0x55: {  	_ =	shalt  }
0x56: {  	_ =	shalt  }
0x57: {  	_ =	shalt  }
0x58: {  	_ =	shalt  }
0x59: {  	_ =	shalt  }
0x5a: {  	_ =	shalt  }
0x5b: {  	_ =	shalt  }
0x5c: {  	_ =	shalt  }
0x5d: {  	_ =	shalt  }
0x5e: {  	_ =	shalt  }
0x5f: {  	_ =	shalt  }
0x60: {  	_ =	shalt  }
0x61: {  	_ =	shalt  }
0x62: {  	_ =	shalt  }
0x63: {  	_ =	shalt  }
0x64: {  	_ =	shalt  }
0x65: {  	_ =	shalt  }
0x66: {  	_ =	shalt  }
0x67: {  	_ =	shalt  }
0x68: {  	_ =	shalt  }
0x69: {  	_ =	shalt  }
0x6a: {  	_ =	shalt  }
0x6b: {  	_ =	shalt  }
0x6c: {  	_ =	shalt  }
0x6d: {  	_ =	shalt  }
0x6e: {  	_ =	shalt  }
0x6f: {  	_ =	shalt  }
0x70: {  	_ =	shalt  }
0x71: {  	_ =	shalt  }
0x72: {  	_ =	shalt  }
0x73: {  	_ =	shalt  }
0x74: {  	_ =	shalt  }
0x75: {  	_ =	shalt  }
0x76: {  	_ =	shalt  }
0x77: {  	_ =	shalt  }
0x78: {  	_ =	shalt  }
0x79: {  	_ =	shalt  }
0x7a: {  	_ =	shalt  }
0x7b: {  	_ =	shalt  }
0x7c: {  	_ =	shalt  }
0x7d: {  	_ =	shalt  }
0x7e: {  	_ =	shalt  }
0x7f: {  	_ =	shalt  }
0x80: {  	_ =	shalt  }
0x81: {  	_ =	shalt  }
0x82: {  	_ =	shalt  }
0x83: {  	_ =	shalt  }
0x84: {  	_ =	shalt  }
0x85: {  	_ =	shalt  }
0x86: {  	_ =	shalt  }
0x87: {  	_ =	shalt  }
.Lfunc_end0:
.L_simem_size_0:
called_computation.4_lowered:
.L_overlay_start_0:
0x88: {  	s2 =	sld [smem:$0x3FD9]  }
0x89: {  	s3 =	sld [smem:$0x3FFE];
	_ =	sdelay $0x1  }
0x8a: {  	s1 =	srdreg.scid  }
0x8b: {  	s0 =	sand.u32 $0x1, s1  }
0x8c: {  	s16 =	sshll.u32 s0, $0xA;
	s2 =	sadd.s32 s3, s2  }
0x8d: {  	s2 =	sadd.s32 s2, s16  }
0x8e: {  	[smem:$0x3FB9] =	sst s2  }
0x8f: {  	_ = 	snop  }
0x90: {  	(tm) =	ssettm $0x1  }
0x91: {  	s17 =	sld [smem:$0x3FFB];
	_ =	sdelay $0x3  }
0x92: {  	_ =	strace s17  }
0x93: {  	s2 =	sld [smem:$0x3FFC];
	_ =	sdelay $0x3  }
0x94: {  	_ =	strace s2  }
0x95: {  	s2 =	sld [smem:$0x3FFD];
	_ =	sdelay $0x3  }
0x96: {  	_ =	strace s2  }
0x97: {  	_ =	strace $0x8FFFFFFF  }
0x98: {  	s18 =	sld [smem:$0x3FDB];
	_ =	sdelay $0x1  }
0x99: {  	s19 =	simm.s32 $_scs_section_size  }
0x9a: {  	s4 =	simm.s32 $_size__tile_overlayer_lowered;
	s5 =	simm.s32 $_tile_overlayer_lowered  }
0x9b: {  	s22 =	simm.s32 $0x1BFF;
	s21 =	sshll.u32 s5, $0x1;
	s2 =	sadd.s32 s19, s18  }
0x9c: {  	s6 =	simm.s32 $0x0;
	s20 =	sshll.u32 s4, $0x1;
	s4 =	sadd.s32 s21, s2  }
0x9d: {  	[timem:s6], [sflag:s22] =	dma.local [hbm:s4], s20  }
0x9e: {  	_ =	swait.ge [sflag:s22], s20  }
0x9f: {  	s3 =	ssub.s32 $0x0, s20;
	[sflag:s22] =	ssyncset.done $0x0  }
0xa0: {  	[sflag:s22] =	ssyncadd.s32 s3;
	_ =	sdelay $0x1  }
0xa1: {  	s23 =	simm.s32 $0x1B8B  }
0xa2: {  	_ =	swait.ge [sflag:s23], $0x1  }
0xa3: {  	[sflag:s23] =	ssyncset.done $0x0  }
0xa4: {  	s25 =	simm.s32 $0x1B8E;
	s24 =	sld [smem:$0x3FFE];
	[sflag:s23] =	ssyncadd.s32 $0xFFFFFFFF  }
0xa5: {  	s26 =	simm.s32 $execute0_lowered;
	[smem:$0x3FD2] =	sst s25  }
0xa6: {  	s4 =	sshll.u32 s26, $0x1;
	_ =	strace $0x80000052;
	[dreg:$0x1] =	wrdreg $0xFFFFFFFF  }
0xa7: {  	s28 =	simm.s32 $_size_execute0_lowered;
	s2 =	sadd.s32 s2, s4;
	[dreg:$0x0] =	wrdreg $0x0  }
0xa8: {  	s4 =	sshll.u32 s28, $0x1;
	[dreg:$0x2] =	wrdreg s2  }
0xa9: {  	[dreg:$0x3] =	wrdreg s4  }
0xaa: {  	[dreg:$0x4] =	wrdreg $0xC0  }
0xab: {  	_ =	task [dreg:s6], $0x5FFFF  }
0xac: {  	[dreg:$0x1] =	wrdreg $0xFFFFFFFF  }
0xad: {  	[dreg:$0x0] =	wrdreg $0x60  }
0xae: {  	[dreg:$0x2] =	wrdreg s24  }
0xaf: {  	[dreg:$0x3] =	wrdreg $0x0  }
0xb0: {  	[dreg:$0x4] =	wrdreg $0x9  }
0xb1: {  	_ =	task.clear_ibuf [dreg:s6], $0x5FFFF;
	_ =	strace $0x90000052  }
0xb2: {  	s29 =	simm.s32 $0x9;
	_ =	strace $0x80000054  }
0xb3: {  	_ =	swait.ge [sflag:s29], $0x1  }
0xb4: {  	[sflag:s29] =	ssyncadd.s32 $0xFFFFFFFF  }
0xb5: {  	_ =	strace $0x90000054  }
0xb6: {  	_ =	sfence  }
0xb7: {  	s30 =	sld [smem:$0x0];
	_ =	sdelay $0x2  }
0xb8: {  	s31 =	sshll.u32 s1, $0xD;
	s1 =	sshrl.u32 s1, $0x2  }
0xb9: {  	s3 =	sand.u32 $0x4000, s31;
	s1 =	sadd.s32 s1, s30  }
0xba: {  	s0 =	sor.u32 s3, s0;
	s1 =	sshll.u32 s1, $0x11  }
0xbb: {  	s0 =	sor.u32 s1, s0  }
0xbc: {  	s0 =	sadd.s32 $0x8F2B, s0  }
0xbd: {  	[sflag:s0] =	ssyncadd.remote.s32 $0x1  }
0xbe: {  	_ =	sfence.sel $0xFFFF  }
0xbf: {  	[dreg:$0x0] =	wrdreg $0xFFFFFFFF;
	(pc) =	sbr.abs _section_cstart, $3  }
0xc0: {  	[dreg:$0x1] =	wrdreg $0xFFFFFFFF  }
0xc1: {  	_ =	task.clear_ibuf [dreg:s6], $0x2FFFF;
	_ =	strace $0x9FFFFFFF  }
0xc2: {  	(tm) =	ssettm $0x7FFFFFFF  }
0xc3: {  	_ =	shalt  }
tec
execute0_lowered:
.L_overlay_start_1:
0x0: {  	(tag) =	ssettag $0x1  }
0x1: {  	s0 =	srdreg.scid;
	s1 =	rddreg [dreg:$0x0]  }
0x2: {  	s15 =	stileid.u32;
	s2 =	rddreg [dreg:$0x1];
	s3 =	simm.s32 $0x0  }
0x3: {  	s10 =	simm.s32 $0x14000;
	s11 =	simm.s32 $0x5;
	s13 =	simm.s32 $0x32  }
0x4: {  	s14 =	simm.s32 $0x16BC0;
	s16 =	simm.s32 $0x184C0;
	s17 =	simm.s32 $0x14070  }
0x5: {  	s18 =	simm.s32 $0x19DC0;
	s19 =	simm.s32 $0x140A8;
	s20 =	simm.s32 $0x1B6C0  }
0x6: {  	s23 =	simm.s32 $0x1;
	s24 =	simm.s32 $0x2;
	s28 =	simm.s32 $0x16AE0  }
0x7: {  	s29 =	simm.s32 $0x16B18;
	s30 =	simm.s32 $0x16B50;
	s5 =	smul.u32 $0x15E0, s15  }
0x8: {  	s31 =	simm.s32 $0x16B88;
	s0 =	sand.u32 $0x1, s0;
	s7 =	smul.u32 $0x28000, s15  }
0x9: {  	[smem:$0x7FF] =	sst s3;
	s26 =	sshll.u32 s15, $0x6;
	s4 =	smul.u32 $0x15E00, s0  }
0xa: {  	s6 =	smul.u32 $0x280000, s0;
	_ =	strace $0x80000053;
	s0 =	ssub.s32 $0x2, s0  }
0xb: {  	s21 =	sor.u32 $0x1C05, s26;
	s26 =	simm.s32 $0x4;
	s25 =	sshrl.u32 s0, $0x1  }
0xc: {  	s9 =	sshrl.u32 s7, $0x1;
	s5 =	sadd.s32 s5, s4;
	s4 =	sadd.s32 $0x27600, s1  }
0xd: {  	s6 =	sadd.s32 s7, s6;
	s0 =	ssub.s32 s0, s25;
	s12 =	sadd.s32 s9, s2  }
0xe: {  	s25 =	simm.s32 $0x3;
	s5 =	sshrl.u32 s5, $0x3;
	s6 =	sshrl.u32 s6, $0x4  }
0xf: {  	s9 =	smax.u32 s0, $0x1;
	s22 =	sshrl.u32 s12, $0x3;
	s8 =	sadd.s32 s5, s1  }
0x10: {  	s5 =	sadd.s32 $0x19E00, s1;
	s1 =	sadd.s32 s6, s1;
	s6 =	sadd.s32 $0x1C600, s8  }
0x11: {  	s7 =	sadd.s32 $0x21E00, s8;
	s8 =	sadd.s32 $0x4E800, s1;
	s1 =	simm.s32 $0x0  }
.LBB2_1:
0x12: {  	[tilespmem:s10], [sflag:$0x5] =	stream.linear.gather [hbm4b:s6+s3], $0x15E0, $0x38;
	[tilespmem:$0x1CFC0] =	vst v63  }
0x13: {  	_ =	swait.ge [sflag:s11], $0x15E0  }
0x14: {  	[sflag:s11] =	ssyncset.done $0x0  }
0x15: {  	s0 =	simm.s32 $0x155E0;
	[sflag:s11] =	ssyncadd.s32 $0xFFFFEA20  }
0x16: {  	[tilespmem:s0], [sflag:$0x5] =	stream.linear.gather [hbm4b:s7+s3], $0x15E0, $0x38;
	[tilespmem:$0x1CFC0] =	vst v63  }
0x17: {  	_ =	swait.ge [sflag:s11], $0x15E0  }
0x18: {  	[sflag:s11] =	ssyncset.done $0x0  }
0x19: {  	[sflag:s11] =	ssyncadd.s32 $0xFFFFEA20  }
0x1a: {  	[tilespmem:s14], [sflag:$0x1] =	stream.indirect.gather [hbm4b:s4+s13], $0x80, s10, s13, $0xb8;
	[tilespmem:$0x1CFC0] =	vst v63  }
0x1b: {  	s12 =	simm.s32 $0x14038  }
0x1c: {  	[tilespmem:s16], [sflag:$0x2] =	stream.indirect.gather [hbm4b:s4+s13], $0x80, s12, s13, $0xb8;
	[tilespmem:$0x1CFC0] =	vst v63  }
0x1d: {  	_ = 	snop  }
0x1e: {  	[tilespmem:s18], [sflag:$0x3] =	stream.indirect.gather [hbm4b:s4+s13], $0x80, s17, s13, $0xb8;
	[tilespmem:$0x1CFC0] =	vst v63  }
0x1f: {  	_ = 	snop  }
0x20: {  	[tilespmem:s20], [sflag:$0x4] =	stream.indirect.gather [hbm4b:s4+s13], $0x80, s19, s13, $0xb8;
	[tilespmem:$0x1CFC0] =	vst v63  }
0x21: {  	[spmem:s22], [sflag:s21] =	dma.local [hbm:s5], $0x2800  }
0x22: {  	_ =	swait.ge [sflag:s11], $0x2800  }
0x23: {  	[sflag:s11] =	ssyncset.done $0x0  }
0x24: {  	[sflag:s11] =	ssyncadd.s32 $0xFFFFD800  }
0x25: {  	[bflag:$0x0] =	sbarrier.arrive $0xFFFF  }
0x26: {  	_ =	swait.ge [sflag:s23], $0x1900  }
0x27: {  	[sflag:s23] =	ssyncset.done $0x0  }
0x28: {  	s15 =	simm.s32 $0x155E0;
	[sflag:s23] =	ssyncadd.s32 $0xFFFFE700  }
0x29: {  	[spmem:s2] =	stream.indirect.scatter.add.bf16 [tilespmem:s14], [sflag:$0x5], $0x80, s15, s13, $0xb8;
	[tilespmem:$0x1CFC0] =	vst v63  }
0x2a: {  	_ =	swait.ge [sflag:s11], $0x1900  }
0x2b: {  	[sflag:s11] =	ssyncset.done $0x0  }
0x2c: {  	s12 =	simm.s32 $0x140E0;
	[sflag:s11] =	ssyncadd.s32 $0xFFFFE700  }
0x2d: {  	[tilespmem:s14], [sflag:$0x1] =	stream.indirect.gather [hbm4b:s4+s13], $0x80, s12, s13, $0xb8;
	[tilespmem:$0x1CFC0] =	vst v63  }
0x2e: {  	_ =	swait.ge [sflag:s24], $0x1900  }
0x2f: {  	[sflag:s24] =	ssyncset.done $0x0  }
0x30: {  	s15 =	simm.s32 $0x15618;
	[sflag:s24] =	ssyncadd.s32 $0xFFFFE700  }
0x31: {  	[spmem:s2] =	stream.indirect.scatter.add.bf16 [tilespmem:s16], [sflag:$0x5], $0x80, s15, s13, $0xb8;
	[tilespmem:$0x1CFC0] =	vst v63  }
0x32: {  	_ =	swait.ge [sflag:s11], $0x1900  }
0x33: {  	[sflag:s11] =	ssyncset.done $0x0  }
0x34: {  	s12 =	simm.s32 $0x14118;
	[sflag:s11] =	ssyncadd.s32 $0xFFFFE700  }
0x35: {  	[tilespmem:s16], [sflag:$0x2] =	stream.indirect.gather [hbm4b:s4+s13], $0x80, s12, s13, $0xb8;
	[tilespmem:$0x1CFC0] =	vst v63  }
0x36: {  	_ =	swait.ge [sflag:s25], $0x1900  }
0x37: {  	[sflag:s25] =	ssyncset.done $0x0  }
0x38: {  	s15 =	simm.s32 $0x15650;
	[sflag:s25] =	ssyncadd.s32 $0xFFFFE700  }
0x39: {  	[spmem:s2] =	stream.indirect.scatter.add.bf16 [tilespmem:s18], [sflag:$0x5], $0x80, s15, s13, $0xb8;
	[tilespmem:$0x1CFC0] =	vst v63  }
0x3a: {  	_ =	swait.ge [sflag:s11], $0x1900  }
0x3b: {  	[sflag:s11] =	ssyncset.done $0x0  }
0x3c: {  	s12 =	simm.s32 $0x14150;
	[sflag:s11] =	ssyncadd.s32 $0xFFFFE700  }
0x3d: {  	[tilespmem:s18], [sflag:$0x3] =	stream.indirect.gather [hbm4b:s4+s13], $0x80, s12, s13, $0xb8;
	[tilespmem:$0x1CFC0] =	vst v63  }
0x3e: {  	_ =	swait.ge [sflag:s26], $0x1900  }
0x3f: {  	[sflag:s26] =	ssyncset.done $0x0  }
0x40: {  	s15 =	simm.s32 $0x15688;
	[sflag:s26] =	ssyncadd.s32 $0xFFFFE700  }
0x41: {  	[spmem:s2] =	stream.indirect.scatter.add.bf16 [tilespmem:s20], [sflag:$0x5], $0x80, s15, s13, $0xb8;
	[tilespmem:$0x1CFC0] =	vst v63  }
0x42: {  	_ =	swait.ge [sflag:s11], $0x1900  }
0x43: {  	[sflag:s11] =	ssyncset.done $0x0  }
0x44: {  	s0 =	simm.s32 $0x380;
	s12 =	simm.s32 $0x14188;
	[sflag:s11] =	ssyncadd.s32 $0xFFFFE700  }
.LBB2_2:
0x45: {  	[tilespmem:s20], [sflag:$0x4] =	stream.indirect.gather [hbm4b:s4+s13], $0x80, s12, s13, $0xb8;
	[tilespmem:$0x1CFC0] =	vst v63  }
0x46: {  	s12 =	smov.u32 s0  }
0x47: {  	p0 =	sne.s32 s0, $0x5080;
	s0 =	sadd.s32 $0x380, s0;
	_ =	swait.ge [sflag:s23], $0x1900  }
0x48: {  	s12 =	sshra.s32 s12, $0x2;
	[sflag:s23] =	ssyncset.done $0x0  }
0x49: {  	s15 =	sadd.s32 $0x155E0, s12;
	[sflag:s23] =	ssyncadd.s32 $0xFFFFE700  }
0x4a: {  	[spmem:s2] =	stream.indirect.scatter.add.bf16 [tilespmem:s14], [sflag:$0x5], $0x80, s15, s13, $0xb8;
	[tilespmem:$0x1CFC0] =	vst v63  }
0x4b: {  	_ =	swait.ge [sflag:s11], $0x1900  }
0x4c: {  	[sflag:s11] =	ssyncset.done $0x0  }
0x4d: {  	s15 =	sadd.s32 $0x140E0, s12;
	[sflag:s11] =	ssyncadd.s32 $0xFFFFE700  }
0x4e: {  	[tilespmem:s14], [sflag:$0x1] =	stream.indirect.gather [hbm4b:s4+s13], $0x80, s15, s13, $0xb8;
	[tilespmem:$0x1CFC0] =	vst v63  }
0x4f: {  	_ =	swait.ge [sflag:s24], $0x1900  }
0x50: {  	[sflag:s24] =	ssyncset.done $0x0  }
0x51: {  	s15 =	sadd.s32 $0x15618, s12;
	[sflag:s24] =	ssyncadd.s32 $0xFFFFE700  }
0x52: {  	[spmem:s2] =	stream.indirect.scatter.add.bf16 [tilespmem:s16], [sflag:$0x5], $0x80, s15, s13, $0xb8;
	[tilespmem:$0x1CFC0] =	vst v63  }
0x53: {  	_ =	swait.ge [sflag:s11], $0x1900  }
0x54: {  	[sflag:s11] =	ssyncset.done $0x0  }
0x55: {  	s15 =	sadd.s32 $0x14118, s12;
	[sflag:s11] =	ssyncadd.s32 $0xFFFFE700  }
0x56: {  	[tilespmem:s16], [sflag:$0x2] =	stream.indirect.gather [hbm4b:s4+s13], $0x80, s15, s13, $0xb8;
	[tilespmem:$0x1CFC0] =	vst v63  }
0x57: {  	_ =	swait.ge [sflag:s25], $0x1900  }
0x58: {  	[sflag:s25] =	ssyncset.done $0x0  }
0x59: {  	s15 =	sadd.s32 $0x15650, s12;
	[sflag:s25] =	ssyncadd.s32 $0xFFFFE700  }
0x5a: {  	[spmem:s2] =	stream.indirect.scatter.add.bf16 [tilespmem:s18], [sflag:$0x5], $0x80, s15, s13, $0xb8;
	[tilespmem:$0x1CFC0] =	vst v63  }
0x5b: {  	_ =	swait.ge [sflag:s11], $0x1900  }
0x5c: {  	[sflag:s11] =	ssyncset.done $0x0  }
0x5d: {  	s15 =	sadd.s32 $0x14150, s12;
	[sflag:s11] =	ssyncadd.s32 $0xFFFFE700  }
0x5e: {  	[tilespmem:s18], [sflag:$0x3] =	stream.indirect.gather [hbm4b:s4+s13], $0x80, s15, s13, $0xb8;
	[tilespmem:$0x1CFC0] =	vst v63  }
0x5f: {  	_ =	swait.ge [sflag:s26], $0x1900  }
0x60: {  	[sflag:s26] =	ssyncset.done $0x0  }
.Ltmp0:
0x61: {  	s15 =	sadd.s32 $0x15688, s12;
	[sflag:s26] =	ssyncadd.s32 $0xFFFFE700;
	(pc) =	sbr.rel @p0 .LBB2_2-.Ltmp0, $4  }
0x62: {  	[spmem:s2] =	stream.indirect.scatter.add.bf16 [tilespmem:s20], [sflag:$0x5], $0x80, s15, s13, $0xb8;
	[tilespmem:$0x1CFC0] =	vst v63  }
0x63: {  	_ =	swait.ge [sflag:s11], $0x1900  }
0x64: {  	[sflag:s11] =	ssyncset.done $0x0  }
0x65: {  	s12 =	sadd.s32 $0x14188, s12;
	[sflag:s11] =	ssyncadd.s32 $0xFFFFE700  }
0x66: {  	[tilespmem:s20], [sflag:$0x4] =	stream.indirect.gather [hbm4b:s4+s13], $0x80, s12, s13, $0xb8;
	[tilespmem:$0x1CFC0] =	vst v63  }
0x67: {  	_ =	swait.ge [sflag:s23], $0x1900  }
0x68: {  	[sflag:s23] =	ssyncset.done $0x0  }
0x69: {  	[sflag:s23] =	ssyncadd.s32 $0xFFFFE700  }
0x6a: {  	[spmem:s2] =	stream.indirect.scatter.add.bf16 [tilespmem:s14], [sflag:$0x5], $0x80, s28, s13, $0xb8;
	[tilespmem:$0x1CFC0] =	vst v63  }
0x6b: {  	_ =	swait.ge [sflag:s11], $0x1900  }
0x6c: {  	[sflag:s11] =	ssyncset.done $0x0  }
0x6d: {  	[sflag:s11] =	ssyncadd.s32 $0xFFFFE700  }
0x6e: {  	_ =	swait.ge [sflag:s24], $0x1900  }
0x6f: {  	[sflag:s24] =	ssyncset.done $0x0  }
0x70: {  	[sflag:s24] =	ssyncadd.s32 $0xFFFFE700  }
0x71: {  	[spmem:s2] =	stream.indirect.scatter.add.bf16 [tilespmem:s16], [sflag:$0x5], $0x80, s29, s13, $0xb8;
	[tilespmem:$0x1CFC0] =	vst v63  }
0x72: {  	_ =	swait.ge [sflag:s11], $0x1900  }
0x73: {  	[sflag:s11] =	ssyncset.done $0x0  }
0x74: {  	[sflag:s11] =	ssyncadd.s32 $0xFFFFE700  }
0x75: {  	_ =	swait.ge [sflag:s25], $0x1900  }
0x76: {  	[sflag:s25] =	ssyncset.done $0x0  }
0x77: {  	[sflag:s25] =	ssyncadd.s32 $0xFFFFE700  }
0x78: {  	[spmem:s2] =	stream.indirect.scatter.add.bf16 [tilespmem:s18], [sflag:$0x5], $0x80, s30, s13, $0xb8;
	[tilespmem:$0x1CFC0] =	vst v63  }
0x79: {  	_ =	swait.ge [sflag:s11], $0x1900  }
0x7a: {  	[sflag:s11] =	ssyncset.done $0x0  }
0x7b: {  	[sflag:s11] =	ssyncadd.s32 $0xFFFFE700  }
0x7c: {  	_ =	swait.ge [sflag:s26], $0x1900  }
0x7d: {  	[sflag:s26] =	ssyncset.done $0x0  }
0x7e: {  	[sflag:s26] =	ssyncadd.s32 $0xFFFFE700  }
0x7f: {  	[spmem:s2] =	stream.indirect.scatter.add.bf16 [tilespmem:s20], [sflag:$0x5], $0x80, s31, s13, $0xb8;
	[tilespmem:$0x1CFC0] =	vst v63  }
0x80: {  	_ =	swait.ge [sflag:s11], $0x1900  }
0x81: {  	s1 =	sadd.s32 $0x1, s1;
	[sflag:s11] =	ssyncset.done $0x0  }
0x82: {  	p0 =	sne.s32 s1, s9;
	[sflag:s11] =	ssyncadd.s32 $0xFFFFE700  }
.Ltmp1:
0x83: {  	[bflag:$0x0] =	sbarrier.arrive $0xFFFF;
	(pc) =	sbr.rel @p0 .LBB2_1-.Ltmp1, $4  }
0x84: {  	[hbm:s8], [sflag:s21] =	dma.local [spmem:s22], $0x2800  }
0x85: {  	_ =	swait.ge [sflag:s11], $0x2800  }
0x86: {  	[sflag:s11] =	ssyncset.done $0x0  }
0x87: {  	[sflag:s11] =	ssyncadd.s32 $0xFFFFD800  }
0x88: {  	_ =	sfence.sel $0x180000  }
0x89: {  	[bflag:$0x0] =	sbarrier.arrive $0xFFFF  }
0x8a: {  	_ =	strace $0x90000053  }
0x8b: {  	s0 =	stileid.u32;
	[bflag:$0x2] =	sbarrier.arrive $0xFFFF  }
0x8c: {  	p0 =	sne.s32 s0, $0x0;
	s0 =	rddreg [dreg:$0x2]  }
0x8d: {  	s0 =	sadd.s32 @!p0 $0x100000, s0  }
0x8e: {  	[sflag:s0] =	ssyncadd.tile.s32 @!p0 $0x1;
	_ =	shalt  }
.Lfunc_end2:
_tile_overlayer_lowered:
.L_overlay_start_2:
0x8f: {  	(tag) =	ssettag $0x2  }
0x90: {  	s0 =	rddreg [dreg:$0x0];
	s2 =	stileid.u32  }
0x91: {  	s1 =	rddreg [dreg:$0x1];
	p0 =	sne.s32 s2, $0x0  }
0x92: {  	s3 =	rddreg [dreg:$0x2];
	[bflag:$0x3] =	sbarrier.arrive $0xFFFF;
	s2 =	simm.s32 @!p0 $0x1C05  }
0x93: {  	[timem:s3], [sflag:s2] =	dma.local @!p0 [hbm:s0], s1  }
0x94: {  	s0 =	simm.s32 @!p0 $0x5  }
0x95: {  	_ =	swait.ge @!p0 [sflag:s0], s1  }
0x96: {  	s1 =	ssub.s32 @!p0 $0x0, s1;
	[sflag:s0] =	ssyncset.done @!p0 $0x0  }
0x97: {  	[sflag:s0] =	ssyncadd.s32 @!p0 s1  }
0x98: {  	[bflag:$0x3] =	sbarrier.arrive $0xFFFF  }
0x99: {  	_ =	shalt  }

</sc_bundles>
